<compile_context>
chip_gen: v7x
topology: tpu7x:2x2x1
jax: 0.10.2.dev20260603
libtpu: 0.0.44.dev20260713+nightly
codegen_flags: <defaults>
</compile_context>

<pallas_src>
import functools

import jax
import jax.numpy as jnp
from jax import lax
from jax.experimental import pallas as pl
from jax.experimental.pallas import tpu as pltpu
from jax.experimental.pallas import tpu_sc as plsc

_GB = 128


def _make_gather(V, D, B, S):
    info = plsc.get_sparse_core_info()
    NC, NS = info.num_cores, info.num_subcores
    NW = NC * NS
    N = B * S
    DH, DL = D // 8, 8
    BH = B // _GB
    n_groups = S * BH
    assert n_groups % NW == 0
    g_per_w = n_groups // NW
    b_per_w = N // NW

    mesh = plsc.VectorSubcoreMesh(core_axis_name="c", subcore_axis_name="s")

    @functools.partial(
        pl.kernel,
        mesh=mesh,
        out_type=jax.ShapeDtypeStruct((S, DH, BH, DL, _GB), jnp.float32),
        compiler_params=pltpu.CompilerParams(use_tc_tiling_on_sc=False, needs_layout_passes=False, disable_bounds_checks=True),
        scratch_types=[
            pltpu.VMEM((b_per_w,), jnp.int32),
            pltpu.VMEM((_GB, D), jnp.float32),
            pltpu.VMEM((_GB, D), jnp.float32),
            pltpu.VMEM((D, _GB), jnp.float32),
            pltpu.VMEM((D, _GB), jnp.float32),
            pltpu.SemaphoreType.DMA,
            pltpu.SemaphoreType.DMA,
        ],
    )
    def gather_kernel(
        table_hbm, idx_hbm, out_hbm, idx_v, g_a, g_b, t_a, t_b, sem_g, sem_o
    ):
        g_bufs = (g_a, g_b)
        t_bufs = (t_a, t_b)
        wid = lax.axis_index("s") * NC + lax.axis_index("c")
        base = wid * b_per_w
        g0 = wid * g_per_w

        pltpu.sync_copy(idx_hbm.at[pl.ds(base, b_per_w)], idx_v)

        lane = lax.iota(jnp.int32, 16)

        def gather_copy(i, b):
            return pltpu.make_async_copy(
                table_hbm.at[idx_v.at[pl.ds(i * _GB, _GB)]], g_bufs[b], sem_g
            )

        def out_copies(i, b):
            g = g0 + i
            s = g // BH
            b_hi = g % BH
            return [
                pltpu.make_async_copy(
                    t_bufs[b].at[pl.ds(dh * DL, DL)],
                    out_hbm.at[s, dh, b_hi],
                    sem_o,
                )
                for dh in range(DH)
            ]

        rots = [(lane + r) & 15 for r in range(16)]
        zero16 = lane & 0

        def transpose(b):
            g_ref = g_bufs[b]
            t_ref = t_bufs[b]

            def blk(i0_blk, carry):
                i0 = i0_blk * 16
                rows = [i0 + rot for rot in rots]
                for d0 in range(0, D, 16):
                    col = d0 + lane
                    vs = [plsc.load_gather(g_ref, [rows[r], col]) for r in range(16)]
                    for r in range(16):
                        plsc.store_scatter(t_ref, [col, rows[r]], vs[r])
                return carry

            lax.fori_loop(0, _GB // 16, blk, 0)

        gather_copy(0, 0).start()

        def body(gg, carry):
            for b in range(2):
                i = gg * 2 + b
                b2 = 1 - b
                gather_copy(i, b).wait()

                @pl.when(i + 1 < g_per_w)
                def _():
                    gather_copy(i + 1, b2).start()

                @pl.when(i >= 2)
                def _():
                    for c in out_copies(i - 2, b):
                        c.wait()

                transpose(b)
                for c in out_copies(i, b):
                    c.start()
            return carry

        lax.fori_loop(0, g_per_w // 2, body, 0)

        for j in (g_per_w - 2, g_per_w - 1):
            for c in out_copies(j, j % 2):
                c.wait()

    return gather_kernel


def kernel(inputs, table):
    B, S = inputs.shape
    V, D = table.shape
    idx = inputs.T.reshape(-1).astype(jnp.int32)
    gather = _make_gather(V, D, B, S)
    z = gather(table, idx)
    return z.transpose(2, 4, 0, 1, 3).reshape(B, S, D)

# --- scband reference (transcript-rebuilt; emitter-appended) ---
"""Pipeline reference for scband-word-embedding-72593537237560 (READ-ONLY COPY).

The authoritative reference and input builder live on the scoring server;
editing this copy changes nothing except your own understanding.
"""

import jax, jax.numpy as jnp
import numpy as np

VOCAB_SIZE = 100000
EMBEDDING_DIM = 64
BATCH = 1024
SEQ_LEN = 200

def setup_inputs(seed: int = 0) -> dict:
    key = jax.random.key(seed)
    k1, k2 = jax.random.split(key)
    inputs = jax.random.randint(k1, (BATCH, SEQ_LEN), 0, VOCAB_SIZE, dtype=jnp.int64 if jax.config.jax_enable_x64 else jnp.int32)
    table = jax.random.normal(k2, (VOCAB_SIZE, EMBEDDING_DIM), dtype=jnp.float32)
    return {"inputs": inputs, "table": table}

def reference(inputs, table):
    # embedding lookup: table[inputs] -> [B, S, D]
    word_embeddings = jnp.take(table, inputs, axis=0)
    seq_len = word_embeddings.shape[1]
    d_model = word_embeddings.shape[2]
    # positional_encoding in the original module returns zeros(seq_len, d_model)
    pos_encoding = jnp.zeros((seq_len, d_model), dtype=word_embeddings.dtype)
    embeddings = word_embeddings + pos_encoding
    return embeddings

if __name__ == "__main__":
    import jax
    _d = setup_inputs()
    print(jax.jit(kernel)(*tuple(_d.values())))

</pallas_src>

<mosaic_0001>
#map = affine_map<(d0, d1) -> (0, 0)>
#map1 = affine_map<(d0, d1) -> (0)>
#map2 = affine_map<(d0, d1) -> (0, 0, 0, 0, 0)>
module attributes {stable_mosaic.version = 14 : i64} {
  func.func @gather_kernel(%arg0: i32, %arg1: i32, %arg2: memref<100000x64xf32, #tpu.memory_space<hbm>>, %arg3: memref<204800xi32, #tpu.memory_space<hbm>>, %arg4: memref<200x8x8x8x128xf32, #tpu.memory_space<hbm>>, %arg5: memref<6400xi32, #tpu.memory_space<vmem>>, %arg6: memref<128x64xf32, #tpu.memory_space<vmem>>, %arg7: memref<128x64xf32, #tpu.memory_space<vmem>>, %arg8: memref<64x128xf32, #tpu.memory_space<vmem>>, %arg9: memref<64x128xf32, #tpu.memory_space<vmem>>, %arg10: memref<!tpu.dma_semaphore, #tpu.memory_space<semaphore_mem>>, %arg11: memref<!tpu.dma_semaphore, #tpu.memory_space<semaphore_mem>>) attributes {dimension_semantics = [#tpu.dimension_semantics<core_parallel>, #tpu.dimension_semantics<subcore_parallel>], iteration_bounds = array<i64: 2, 16>, scalar_prefetch = 0 : i64, scratch_operands = 7 : i64, tpu.core_type = #tpu.core_type<sc_vector_subcore>, window_params = [{transform_indices = #map}, {transform_indices = #map1}, {transform_indices = #map2}]} {
    %mul3A = arith.constant 2 : i32
    %mul3A_0 = arith.muli %arg1, %mul3A : i32
    %add3A = arith.addi %mul3A_0, %arg0 : i32
    %mul3A_1 = arith.constant 6400 : i32
    %mul3A_2 = arith.muli %add3A, %mul3A_1 : i32
    %mul3A_3 = arith.constant 50 : i32
    %mul3A_4 = arith.muli %add3A, %mul3A_3 : i32
    "tpu.region"() ({
      %run_scoped3A = tpu.sem_alloc : memref<!tpu.dma_semaphore, #tpu.memory_space<semaphore_mem>>
      %dma_start3A_426 = tpu.memref_slice %arg3[%mul3A_2] : memref<204800xi32, #tpu.memory_space<hbm>> -> memref<6400xi32, #tpu.memory_space<hbm>>
      %dma_start3A_427 = tpu.memref_slice %arg3[%mul3A_2] : memref<204800xi32, #tpu.memory_space<hbm>> -> memref<6400xi32, #tpu.memory_space<hbm>>
      tpu.enqueue_dma source(%dma_start3A_427 : memref<6400xi32, #tpu.memory_space<hbm>>) target(%arg5 : memref<6400xi32, #tpu.memory_space<vmem>>) target_semaphore(%run_scoped3A : memref<!tpu.dma_semaphore, #tpu.memory_space<semaphore_mem>>)
      %dma_wait3A_428 = tpu.memref_slice %arg3[%mul3A_2] : memref<204800xi32, #tpu.memory_space<hbm>> -> memref<6400xi32, #tpu.memory_space<hbm>>
      %dma_wait3A_429 = tpu.memref_slice %arg3[%mul3A_2] : memref<204800xi32, #tpu.memory_space<hbm>> -> memref<6400xi32, #tpu.memory_space<hbm>>
      tpu.wait_dma2 semaphore(%run_scoped3A : memref<!tpu.dma_semaphore, #tpu.memory_space<semaphore_mem>>) src(%dma_wait3A_429 : memref<6400xi32, #tpu.memory_space<hbm>>) dst(%arg5 : memref<6400xi32, #tpu.memory_space<vmem>>)
      tpu.yield
    }) : () -> ()
    %iota3A = tpu.iota {dimensions = array<i32: 0>} : vector<16xi32>
    %add3A_5 = arith.constant 0 : i32
    %add3A_6 = vector.broadcast %add3A_5 : i32 to vector<16xi32>
    %add3A_7 = arith.addi %iota3A, %add3A_6 : vector<16xi32>
    %and3A = arith.constant 15 : i32
    %and3A_8 = vector.broadcast %and3A : i32 to vector<16xi32>
    %and3A_9 = arith.andi %add3A_7, %and3A_8 : vector<16xi32>
    %add3A_10 = arith.constant 1 : i32
    %add3A_11 = vector.broadcast %add3A_10 : i32 to vector<16xi32>
    %add3A_12 = arith.addi %iota3A, %add3A_11 : vector<16xi32>
    %and3A_13 = arith.constant 15 : i32
    %and3A_14 = vector.broadcast %and3A_13 : i32 to vector<16xi32>
    %and3A_15 = arith.andi %add3A_12, %and3A_14 : vector<16xi32>
    %add3A_16 = arith.constant 2 : i32
    %add3A_17 = vector.broadcast %add3A_16 : i32 to vector<16xi32>
    %add3A_18 = arith.addi %iota3A, %add3A_17 : vector<16xi32>
    %and3A_19 = arith.constant 15 : i32
    %and3A_20 = vector.broadcast %and3A_19 : i32 to vector<16xi32>
    %and3A_21 = arith.andi %add3A_18, %and3A_20 : vector<16xi32>
    %add3A_22 = arith.constant 3 : i32
    %add3A_23 = vector.broadcast %add3A_22 : i32 to vector<16xi32>
    %add3A_24 = arith.addi %iota3A, %add3A_23 : vector<16xi32>
    %and3A_25 = arith.constant 15 : i32
    %and3A_26 = vector.broadcast %and3A_25 : i32 to vector<16xi32>
    %and3A_27 = arith.andi %add3A_24, %and3A_26 : vector<16xi32>
    %add3A_28 = arith.constant 4 : i32
    %add3A_29 = vector.broadcast %add3A_28 : i32 to vector<16xi32>
    %add3A_30 = arith.addi %iota3A, %add3A_29 : vector<16xi32>
    %and3A_31 = arith.constant 15 : i32
    %and3A_32 = vector.broadcast %and3A_31 : i32 to vector<16xi32>
    %and3A_33 = arith.andi %add3A_30, %and3A_32 : vector<16xi32>
    %add3A_34 = arith.constant 5 : i32
    %add3A_35 = vector.broadcast %add3A_34 : i32 to vector<16xi32>
    %add3A_36 = arith.addi %iota3A, %add3A_35 : vector<16xi32>
    %and3A_37 = arith.constant 15 : i32
    %and3A_38 = vector.broadcast %and3A_37 : i32 to vector<16xi32>
    %and3A_39 = arith.andi %add3A_36, %and3A_38 : vector<16xi32>
    %add3A_40 = arith.constant 6 : i32
    %add3A_41 = vector.broadcast %add3A_40 : i32 to vector<16xi32>
    %add3A_42 = arith.addi %iota3A, %add3A_41 : vector<16xi32>
    %and3A_43 = arith.constant 15 : i32
    %and3A_44 = vector.broadcast %and3A_43 : i32 to vector<16xi32>
    %and3A_45 = arith.andi %add3A_42, %and3A_44 : vector<16xi32>
    %add3A_46 = arith.constant 7 : i32
    %add3A_47 = vector.broadcast %add3A_46 : i32 to vector<16xi32>
    %add3A_48 = arith.addi %iota3A, %add3A_47 : vector<16xi32>
    %and3A_49 = arith.constant 15 : i32
    %and3A_50 = vector.broadcast %and3A_49 : i32 to vector<16xi32>
    %and3A_51 = arith.andi %add3A_48, %and3A_50 : vector<16xi32>
    %add3A_52 = arith.constant 8 : i32
    %add3A_53 = vector.broadcast %add3A_52 : i32 to vector<16xi32>
    %add3A_54 = arith.addi %iota3A, %add3A_53 : vector<16xi32>
    %and3A_55 = arith.constant 15 : i32
    %and3A_56 = vector.broadcast %and3A_55 : i32 to vector<16xi32>
    %and3A_57 = arith.andi %add3A_54, %and3A_56 : vector<16xi32>
    %add3A_58 = arith.constant 9 : i32
    %add3A_59 = vector.broadcast %add3A_58 : i32 to vector<16xi32>
    %add3A_60 = arith.addi %iota3A, %add3A_59 : vector<16xi32>
    %and3A_61 = arith.constant 15 : i32
    %and3A_62 = vector.broadcast %and3A_61 : i32 to vector<16xi32>
    %and3A_63 = arith.andi %add3A_60, %and3A_62 : vector<16xi32>
    %add3A_64 = arith.constant 10 : i32
    %add3A_65 = vector.broadcast %add3A_64 : i32 to vector<16xi32>
    %add3A_66 = arith.addi %iota3A, %add3A_65 : vector<16xi32>
    %and3A_67 = arith.constant 15 : i32
    %and3A_68 = vector.broadcast %and3A_67 : i32 to vector<16xi32>
    %and3A_69 = arith.andi %add3A_66, %and3A_68 : vector<16xi32>
    %add3A_70 = arith.constant 11 : i32
    %add3A_71 = vector.broadcast %add3A_70 : i32 to vector<16xi32>
    %add3A_72 = arith.addi %iota3A, %add3A_71 : vector<16xi32>
    %and3A_73 = arith.constant 15 : i32
    %and3A_74 = vector.broadcast %and3A_73 : i32 to vector<16xi32>
    %and3A_75 = arith.andi %add3A_72, %and3A_74 : vector<16xi32>
    %add3A_76 = arith.constant 12 : i32
    %add3A_77 = vector.broadcast %add3A_76 : i32 to vector<16xi32>
    %add3A_78 = arith.addi %iota3A, %add3A_77 : vector<16xi32>
    %and3A_79 = arith.constant 15 : i32
    %and3A_80 = vector.broadcast %and3A_79 : i32 to vector<16xi32>
    %and3A_81 = arith.andi %add3A_78, %and3A_80 : vector<16xi32>
    %add3A_82 = arith.constant 13 : i32
    %add3A_83 = vector.broadcast %add3A_82 : i32 to vector<16xi32>
    %add3A_84 = arith.addi %iota3A, %add3A_83 : vector<16xi32>
    %and3A_85 = arith.constant 15 : i32
    %and3A_86 = vector.broadcast %and3A_85 : i32 to vector<16xi32>
    %and3A_87 = arith.andi %add3A_84, %and3A_86 : vector<16xi32>
    %add3A_88 = arith.constant 14 : i32
    %add3A_89 = vector.broadcast %add3A_88 : i32 to vector<16xi32>
    %add3A_90 = arith.addi %iota3A, %add3A_89 : vector<16xi32>
    %and3A_91 = arith.constant 15 : i32
    %and3A_92 = vector.broadcast %and3A_91 : i32 to vector<16xi32>
    %and3A_93 = arith.andi %add3A_90, %and3A_92 : vector<16xi32>
    %add3A_94 = arith.constant 15 : i32
    %add3A_95 = vector.broadcast %add3A_94 : i32 to vector<16xi32>
    %add3A_96 = arith.addi %iota3A, %add3A_95 : vector<16xi32>
    %and3A_97 = arith.constant 15 : i32
    %and3A_98 = vector.broadcast %and3A_97 : i32 to vector<16xi32>
    %and3A_99 = arith.andi %add3A_96, %and3A_98 : vector<16xi32>
    %and3A_100 = arith.constant 0 : i32
    %and3A_101 = vector.broadcast %and3A_100 : i32 to vector<16xi32>
    %and3A_102 = arith.andi %iota3A, %and3A_101 : vector<16xi32>
    %dma_start3A = arith.constant 0 : i32
    %dma_start3A_103 = tpu.memref_slice %arg5[%dma_start3A] : memref<6400xi32, #tpu.memory_space<vmem>> -> memref<128xi32, #tpu.memory_space<vmem>>
    %dma_start3A_104 = arith.constant 0 : i32
    %dma_start3A_105 = arith.constant 0 : i32
    %dma_start3A_106 = tpu.memref_slice %arg2[%dma_start3A_104, %dma_start3A_105] : memref<100000x64xf32, #tpu.memory_space<hbm>> -> memref<100000x64xf32, #tpu.memory_space<hbm>>
    tpu.enqueue_indirect_dma source(%dma_start3A_106 : memref<100000x64xf32, #tpu.memory_space<hbm>>) target(%arg6 : memref<128x64xf32, #tpu.memory_space<vmem>>) offsets(%dma_start3A_103 : memref<128xi32, #tpu.memory_space<vmem>>) semaphore(%arg10 : memref<!tpu.dma_semaphore, #tpu.memory_space<semaphore_mem>>)
    %scan3A = arith.constant 0 : i32
    %scan3A_107 = arith.constant 0 : i32
    %scan3A_108 = arith.constant 25 : i32
    %scan3A_109 = arith.addi %scan3A_107, %scan3A_108 : i32
    %scan3A_110 = arith.constant 1 : i32
    scf.for %scan3A_426 = %scan3A_107 to %scan3A_109 step %scan3A_110  : i32 {
      %mul3A_427 = arith.constant 2 : i32
      %mul3A_428 = arith.muli %scan3A_426, %mul3A_427 : i32
      %add3A_429 = arith.constant 0 : i32
      %add3A_430 = arith.addi %mul3A_428, %add3A_429 : i32
      %mul3A_431 = arith.constant 128 : i32
      %mul3A_432 = arith.muli %add3A_430, %mul3A_431 : i32
      %dma_wait3A_433 = tpu.memref_slice %arg5[%mul3A_432] : memref<6400xi32, #tpu.memory_space<vmem>> -> memref<128xi32, #tpu.memory_space<vmem>>
      %dma_wait3A_434 = arith.constant 0 : i32
      %dma_wait3A_435 = arith.constant 0 : i32
      %dma_wait3A_436 = tpu.memref_slice %arg2[%dma_wait3A_434, %dma_wait3A_435] : memref<100000x64xf32, #tpu.memory_space<hbm>> -> memref<100000x64xf32, #tpu.memory_space<hbm>>
      tpu.wait_indirect_dma semaphore(%arg10 : memref<!tpu.dma_semaphore, #tpu.memory_space<semaphore_mem>>) src(%dma_wait3A_436 : memref<100000x64xf32, #tpu.memory_space<hbm>>) dst(%arg6 : memref<128x64xf32, #tpu.memory_space<vmem>>)
      %add3A_437 = arith.constant 1 : i32
      %add3A_438 = arith.addi %add3A_430, %add3A_437 : i32
      %lt3A_439 = arith.constant 50 : i32
      %lt3A_440 = arith.cmpi slt, %add3A_438, %lt3A_439 : i32
      %convert_element_type3A = arith.extui %lt3A_440 : i1 to i32
      %cond3A = arith.constant 0 : i32
      %cond3A_441 = arith.cmpi ne, %convert_element_type3A, %cond3A : i32
      scf.if %cond3A_441 {
        %add3A_802 = arith.constant 1 : i32
        %add3A_803 = arith.addi %add3A_430, %add3A_802 : i32
        %mul3A_804 = arith.constant 128 : i32
        %mul3A_805 = arith.muli %add3A_803, %mul3A_804 : i32
        %dma_start3A_806 = tpu.memref_slice %arg5[%mul3A_805] : memref<6400xi32, #tpu.memory_space<vmem>> -> memref<128xi32, #tpu.memory_space<vmem>>
        %dma_start3A_807 = arith.constant 0 : i32
        %dma_start3A_808 = arith.constant 0 : i32
        %dma_start3A_809 = tpu.memref_slice %arg2[%dma_start3A_807, %dma_start3A_808] : memref<100000x64xf32, #tpu.memory_space<hbm>> -> memref<100000x64xf32, #tpu.memory_space<hbm>>
        tpu.enqueue_indirect_dma source(%dma_start3A_809 : memref<100000x64xf32, #tpu.memory_space<hbm>>) target(%arg7 : memref<128x64xf32, #tpu.memory_space<vmem>>) offsets(%dma_start3A_806 : memref<128xi32, #tpu.memory_space<vmem>>) semaphore(%arg10 : memref<!tpu.dma_semaphore, #tpu.memory_space<semaphore_mem>>)
      } else {
      }
      %ge3A = arith.constant 2 : i32
      %ge3A_442 = arith.cmpi sge, %add3A_430, %ge3A : i32
      %convert_element_type3A_443 = arith.extui %ge3A_442 : i1 to i32
      %cond3A_444 = arith.constant 0 : i32
      %cond3A_445 = arith.cmpi ne, %convert_element_type3A_443, %cond3A_444 : i32
      scf.if %cond3A_445 {
        %sub3A_802 = arith.constant 2 : i32
        %sub3A_803 = arith.subi %add3A_430, %sub3A_802 : i32
        %add3A_804 = arith.addi %mul3A_4, %sub3A_803 : i32
        %jit3A_805 = arith.constant 8 : i32
        %div3A_806 = arith.divsi %add3A_804, %jit3A_805 : i32
        %sign3A_807 = arith.constant 0 : i32
        %sign3A_808 = arith.cmpi sgt, %add3A_804, %sign3A_807 : i32
        %sign3A_809 = arith.extui %sign3A_808 : i1 to i32
        %sign3A_810 = arith.constant 0 : i32
        %sign3A_811 = arith.cmpi slt, %add3A_804, %sign3A_810 : i32
        %sign3A_812 = arith.extui %sign3A_811 : i1 to i32
        %sign3A_813 = arith.subi %sign3A_809, %sign3A_812 : i32
        %sign3A_814 = arith.constant 0 : i32
        %sign3A_815 = arith.cmpi sgt, %jit3A_805, %sign3A_814 : i32
        %sign3A_816 = arith.extui %sign3A_815 : i1 to i32
        %sign3A_817 = arith.constant 0 : i32
        %sign3A_818 = arith.cmpi slt, %jit3A_805, %sign3A_817 : i32
        %sign3A_819 = arith.extui %sign3A_818 : i1 to i32
        %sign3A_820 = arith.subi %sign3A_816, %sign3A_819 : i32
        %ne3A_821 = arith.cmpi ne, %sign3A_813, %sign3A_820 : i32
        %rem3A_822 = arith.remsi %add3A_804, %jit3A_805 : i32
        %ne3A_823 = arith.constant 0 : i32
        %ne3A_824 = arith.cmpi ne, %rem3A_822, %ne3A_823 : i32
        %and3A_825 = arith.andi %ne3A_821, %ne3A_824 : i1
        %sub3A_826 = arith.constant 1 : i32
        %sub3A_827 = arith.subi %div3A_806, %sub3A_826 : i32
        %select_n3A_828 = arith.select %and3A_825, %sub3A_827, %div3A_806 : i32
        %jit3A_829 = arith.constant 8 : i32
        %eq3A_830 = arith.constant 0 : i32
        %eq3A_831 = arith.cmpi eq, %jit3A_829, %eq3A_830 : i32
        %jit3A_832 = arith.constant 1 : i32
        %select_n3A_833 = arith.select %eq3A_831, %jit3A_832, %jit3A_829 : i32
        %rem3A_834 = arith.remsi %add3A_804, %select_n3A_833 : i32
        %ne3A_835 = arith.constant 0 : i32
        %ne3A_836 = arith.cmpi ne, %rem3A_834, %ne3A_835 : i32
        %lt3A_837 = arith.constant 0 : i32
        %lt3A_838 = arith.cmpi slt, %rem3A_834, %lt3A_837 : i32
        %lt3A_839 = arith.constant 0 : i32
        %lt3A_840 = arith.cmpi slt, %select_n3A_833, %lt3A_839 : i32
        %ne3A_841 = arith.xori %lt3A_838, %lt3A_840 : i1
        %and3A_842 = arith.andi %ne3A_841, %ne3A_836 : i1
        %add3A_843 = arith.addi %rem3A_834, %select_n3A_833 : i32
        %select_n3A_844 = arith.select %and3A_842, %add3A_843, %rem3A_834 : i32
        %dma_wait3A_845 = arith.constant 0 : i32
        %dma_wait3A_846 = arith.constant 0 : i32
        %dma_wait3A_847 = arith.constant 0 : i32
        %dma_wait3A_848 = tpu.memref_slice %arg8[%dma_wait3A_846, %dma_wait3A_847] : memref<64x128xf32, #tpu.memory_space<vmem>> -> memref<8x128xf32, #tpu.memory_space<vmem>>
        %dma_wait3A_849 = arith.constant 0 : i32
        %dma_wait3A_850 = arith.constant 0 : i32
        %dma_wait3A_851 = tpu.memref_slice %arg4[%select_n3A_828, %dma_wait3A_845, %select_n3A_844, %dma_wait3A_849, %dma_wait3A_850] : memref<200x8x8x8x128xf32, #tpu.memory_space<hbm>> -> memref<1x1x1x8x128xf32, #tpu.memory_space<hbm>>
        %dma_wait3A_852 = tpu.memref_squeeze %dma_wait3A_851 : memref<1x1x1x8x128xf32, #tpu.memory_space<hbm>> -> memref<8x128xf32, #tpu.memory_space<hbm>>
        %dma_wait3A_853 = arith.constant 0 : i32
        %dma_wait3A_854 = arith.constant 0 : i32
        %dma_wait3A_855 = tpu.memref_slice %arg4[%select_n3A_828, %dma_wait3A_845, %select_n3A_844, %dma_wait3A_853, %dma_wait3A_854] : memref<200x8x8x8x128xf32, #tpu.memory_space<hbm>> -> memref<1x1x1x8x128xf32, #tpu.memory_space<hbm>>
        %dma_wait3A_856 = tpu.memref_squeeze %dma_wait3A_855 : memref<1x1x1x8x128xf32, #tpu.memory_space<hbm>> -> memref<8x128xf32, #tpu.memory_space<hbm>>
        %dma_wait3A_857 = arith.constant 0 : i32
        %dma_wait3A_858 = arith.constant 0 : i32
        %dma_wait3A_859 = tpu.memref_slice %arg8[%dma_wait3A_857, %dma_wait3A_858] : memref<64x128xf32, #tpu.memory_space<vmem>> -> memref<8x128xf32, #tpu.memory_space<vmem>>
        tpu.wait_dma2 semaphore(%arg11 : memref<!tpu.dma_semaphore, #tpu.memory_space<semaphore_mem>>) src(%dma_wait3A_859 : memref<8x128xf32, #tpu.memory_space<vmem>>) dst(%dma_wait3A_856 : memref<8x128xf32, #tpu.memory_space<hbm>>)
        %dma_wait3A_860 = arith.constant 1 : i32
        %dma_wait3A_861 = arith.constant 8 : i32
        %dma_wait3A_862 = arith.constant 0 : i32
        %dma_wait3A_863 = tpu.memref_slice %arg8[%dma_wait3A_861, %dma_wait3A_862] : memref<64x128xf32, #tpu.memory_space<vmem>> -> memref<8x128xf32, #tpu.memory_space<vmem>>
        %dma_wait3A_864 = arith.constant 0 : i32
        %dma_wait3A_865 = arith.constant 0 : i32
        %dma_wait3A_866 = tpu.memref_slice %arg4[%select_n3A_828, %dma_wait3A_860, %select_n3A_844, %dma_wait3A_864, %dma_wait3A_865] : memref<200x8x8x8x128xf32, #tpu.memory_space<hbm>> -> memref<1x1x1x8x128xf32, #tpu.memory_space<hbm>>
        %dma_wait3A_867 = tpu.memref_squeeze %dma_wait3A_866 : memref<1x1x1x8x128xf32, #tpu.memory_space<hbm>> -> memref<8x128xf32, #tpu.memory_space<hbm>>
        %dma_wait3A_868 = arith.constant 0 : i32
        %dma_wait3A_869 = arith.constant 0 : i32
        %dma_wait3A_870 = tpu.memref_slice %arg4[%select_n3A_828, %dma_wait3A_860, %select_n3A_844, %dma_wait3A_868, %dma_wait3A_869] : memref<200x8x8x8x128xf32, #tpu.memory_space<hbm>> -> memref<1x1x1x8x128xf32, #tpu.memory_space<hbm>>
        %dma_wait3A_871 = tpu.memref_squeeze %dma_wait3A_870 : memref<1x1x1x8x128xf32, #tpu.memory_space<hbm>> -> memref<8x128xf32, #tpu.memory_space<hbm>>
        %dma_wait3A_872 = arith.constant 8 : i32
        %dma_wait3A_873 = arith.constant 0 : i32
        %dma_wait3A_874 = tpu.memref_slice %arg8[%dma_wait3A_872, %dma_wait3A_873] : memref<64x128xf32, #tpu.memory_space<vmem>> -> memref<8x128xf32, #tpu.memory_space<vmem>>
        tpu.wait_dma2 semaphore(%arg11 : memref<!tpu.dma_semaphore, #tpu.memory_space<semaphore_mem>>) src(%dma_wait3A_874 : memref<8x128xf32, #tpu.memory_space<vmem>>) dst(%dma_wait3A_871 : memref<8x128xf32, #tpu.memory_space<hbm>>)
        %dma_wait3A_875 = arith.constant 2 : i32
        %dma_wait3A_876 = arith.constant 16 : i32
        %dma_wait3A_877 = arith.constant 0 : i32
        %dma_wait3A_878 = tpu.memref_slice %arg8[%dma_wait3A_876, %dma_wait3A_877] : memref<64x128xf32, #tpu.memory_space<vmem>> -> memref<8x128xf32, #tpu.memory_space<vmem>>
        %dma_wait3A_879 = arith.constant 0 : i32
        %dma_wait3A_880 = arith.constant 0 : i32
        %dma_wait3A_881 = tpu.memref_slice %arg4[%select_n3A_828, %dma_wait3A_875, %select_n3A_844, %dma_wait3A_879, %dma_wait3A_880] : memref<200x8x8x8x128xf32, #tpu.memory_space<hbm>> -> memref<1x1x1x8x128xf32, #tpu.memory_space<hbm>>
        %dma_wait3A_882 = tpu.memref_squeeze %dma_wait3A_881 : memref<1x1x1x8x128xf32, #tpu.memory_space<hbm>> -> memref<8x128xf32, #tpu.memory_space<hbm>>
        %dma_wait3A_883 = arith.constant 0 : i32
        %dma_wait3A_884 = arith.constant 0 : i32
        %dma_wait3A_885 = tpu.memref_slice %arg4[%select_n3A_828, %dma_wait3A_875, %select_n3A_844, %dma_wait3A_883, %dma_wait3A_884] : memref<200x8x8x8x128xf32, #tpu.memory_space<hbm>> -> memref<1x1x1x8x128xf32, #tpu.memory_space<hbm>>
        %dma_wait3A_886 = tpu.memref_squeeze %dma_wait3A_885 : memref<1x1x1x8x128xf32, #tpu.memory_space<hbm>> -> memref<8x128xf32, #tpu.memory_space<hbm>>
        %dma_wait3A_887 = arith.constant 16 : i32
        %dma_wait3A_888 = arith.constant 0 : i32
        %dma_wait3A_889 = tpu.memref_slice %arg8[%dma_wait3A_887, %dma_wait3A_888] : memref<64x128xf32, #tpu.memory_space<vmem>> -> memref<8x128xf32, #tpu.memory_space<vmem>>
        tpu.wait_dma2 semaphore(%arg11 : memref<!tpu.dma_semaphore, #tpu.memory_space<semaphore_mem>>) src(%dma_wait3A_889 : memref<8x128xf32, #tpu.memory_space<vmem>>) dst(%dma_wait3A_886 : memref<8x128xf32, #tpu.memory_space<hbm>>)
        %dma_wait3A_890 = arith.constant 3 : i32
        %dma_wait3A_891 = arith.constant 24 : i32
        %dma_wait3A_892 = arith.constant 0 : i32
        %dma_wait3A_893 = tpu.memref_slice %arg8[%dma_wait3A_891, %dma_wait3A_892] : memref<64x128xf32, #tpu.memory_space<vmem>> -> memref<8x128xf32, #tpu.memory_space<vmem>>
        %dma_wait3A_894 = arith.constant 0 : i32
        %dma_wait3A_895 = arith.constant 0 : i32
        %dma_wait3A_896 = tpu.memref_slice %arg4[%select_n3A_828, %dma_wait3A_890, %select_n3A_844, %dma_wait3A_894, %dma_wait3A_895] : memref<200x8x8x8x128xf32, #tpu.memory_space<hbm>> -> memref<1x1x1x8x128xf32, #tpu.memory_space<hbm>>
        %dma_wait3A_897 = tpu.memref_squeeze %dma_wait3A_896 : memref<1x1x1x8x128xf32, #tpu.memory_space<hbm>> -> memref<8x128xf32, #tpu.memory_space<hbm>>
        %dma_wait3A_898 = arith.constant 0 : i32
        %dma_wait3A_899 = arith.constant 0 : i32
        %dma_wait3A_900 = tpu.memref_slice %arg4[%select_n3A_828, %dma_wait3A_890, %select_n3A_844, %dma_wait3A_898, %dma_wait3A_899] : memref<200x8x8x8x128xf32, #tpu.memory_space<hbm>> -> memref<1x1x1x8x128xf32, #tpu.memory_space<hbm>>
        %dma_wait3A_901 = tpu.memref_squeeze %dma_wait3A_900 : memref<1x1x1x8x128xf32, #tpu.memory_space<hbm>> -> memref<8x128xf32, #tpu.memory_space<hbm>>
        %dma_wait3A_902 = arith.constant 24 : i32
        %dma_wait3A_903 = arith.constant 0 : i32
        %dma_wait3A_904 = tpu.memref_slice %arg8[%dma_wait3A_902, %dma_wait3A_903] : memref<64x128xf32, #tpu.memory_space<vmem>> -> memref<8x128xf32, #tpu.memory_space<vmem>>
        tpu.wait_dma2 semaphore(%arg11 : memref<!tpu.dma_semaphore, #tpu.memory_space<semaphore_mem>>) src(%dma_wait3A_904 : memref<8x128xf32, #tpu.memory_space<vmem>>) dst(%dma_wait3A_901 : memref<8x128xf32, #tpu.memory_space<hbm>>)
        %dma_wait3A_905 = arith.constant 4 : i32
        %dma_wait3A_906 = arith.constant 32 : i32
        %dma_wait3A_907 = arith.constant 0 : i32
        %dma_wait3A_908 = tpu.memref_slice %arg8[%dma_wait3A_906, %dma_wait3A_907] : memref<64x128xf32, #tpu.memory_space<vmem>> -> memref<8x128xf32, #tpu.memory_space<vmem>>
        %dma_wait3A_909 = arith.constant 0 : i32
        %dma_wait3A_910 = arith.constant 0 : i32
        %dma_wait3A_911 = tpu.memref_slice %arg4[%select_n3A_828, %dma_wait3A_905, %select_n3A_844, %dma_wait3A_909, %dma_wait3A_910] : memref<200x8x8x8x128xf32, #tpu.memory_space<hbm>> -> memref<1x1x1x8x128xf32, #tpu.memory_space<hbm>>
        %dma_wait3A_912 = tpu.memref_squeeze %dma_wait3A_911 : memref<1x1x1x8x128xf32, #tpu.memory_space<hbm>> -> memref<8x128xf32, #tpu.memory_space<hbm>>
        %dma_wait3A_913 = arith.constant 0 : i32
        %dma_wait3A_914 = arith.constant 0 : i32
        %dma_wait3A_915 = tpu.memref_slice %arg4[%select_n3A_828, %dma_wait3A_905, %select_n3A_844, %dma_wait3A_913, %dma_wait3A_914] : memref<200x8x8x8x128xf32, #tpu.memory_space<hbm>> -> memref<1x1x1x8x128xf32, #tpu.memory_space<hbm>>
        %dma_wait3A_916 = tpu.memref_squeeze %dma_wait3A_915 : memref<1x1x1x8x128xf32, #tpu.memory_space<hbm>> -> memref<8x128xf32, #tpu.memory_space<hbm>>
        %dma_wait3A_917 = arith.constant 32 : i32
        %dma_wait3A_918 = arith.constant 0 : i32
        %dma_wait3A_919 = tpu.memref_slice %arg8[%dma_wait3A_917, %dma_wait3A_918] : memref<64x128xf32, #tpu.memory_space<vmem>> -> memref<8x128xf32, #tpu.memory_space<vmem>>
        tpu.wait_dma2 semaphore(%arg11 : memref<!tpu.dma_semaphore, #tpu.memory_space<semaphore_mem>>) src(%dma_wait3A_919 : memref<8x128xf32, #tpu.memory_space<vmem>>) dst(%dma_wait3A_916 : memref<8x128xf32, #tpu.memory_space<hbm>>)
        %dma_wait3A_920 = arith.constant 5 : i32
        %dma_wait3A_921 = arith.constant 40 : i32
        %dma_wait3A_922 = arith.constant 0 : i32
        %dma_wait3A_923 = tpu.memref_slice %arg8[%dma_wait3A_921, %dma_wait3A_922] : memref<64x128xf32, #tpu.memory_space<vmem>> -> memref<8x128xf32, #tpu.memory_space<vmem>>
        %dma_wait3A_924 = arith.constant 0 : i32
        %dma_wait3A_925 = arith.constant 0 : i32
        %dma_wait3A_926 = tpu.memref_slice %arg4[%select_n3A_828, %dma_wait3A_920, %select_n3A_844, %dma_wait3A_924, %dma_wait3A_925] : memref<200x8x8x8x128xf32, #tpu.memory_space<hbm>> -> memref<1x1x1x8x128xf32, #tpu.memory_space<hbm>>
        %dma_wait3A_927 = tpu.memref_squeeze %dma_wait3A_926 : memref<1x1x1x8x128xf32, #tpu.memory_space<hbm>> -> memref<8x128xf32, #tpu.memory_space<hbm>>
        %dma_wait3A_928 = arith.constant 0 : i32
        %dma_wait3A_929 = arith.constant 0 : i32
        %dma_wait3A_930 = tpu.memref_slice %arg4[%select_n3A_828, %dma_wait3A_920, %select_n3A_844, %dma_wait3A_928, %dma_wait3A_929] : memref<200x8x8x8x128xf32, #tpu.memory_space<hbm>> -> memref<1x1x1x8x128xf32, #tpu.memory_space<hbm>>
        %dma_wait3A_931 = tpu.memref_squeeze %dma_wait3A_930 : memref<1x1x1x8x128xf32, #tpu.memory_space<hbm>> -> memref<8x128xf32, #tpu.memory_space<hbm>>
        %dma_wait3A_932 = arith.constant 40 : i32
        %dma_wait3A_933 = arith.constant 0 : i32
        %dma_wait3A_934 = tpu.memref_slice %arg8[%dma_wait3A_932, %dma_wait3A_933] : memref<64x128xf32, #tpu.memory_space<vmem>> -> memref<8x128xf32, #tpu.memory_space<vmem>>
        tpu.wait_dma2 semaphore(%arg11 : memref<!tpu.dma_semaphore, #tpu.memory_space<semaphore_mem>>) src(%dma_wait3A_934 : memref<8x128xf32, #tpu.memory_space<vmem>>) dst(%dma_wait3A_931 : memref<8x128xf32, #tpu.memory_space<hbm>>)
        %dma_wait3A_935 = arith.constant 6 : i32
        %dma_wait3A_936 = arith.constant 48 : i32
        %dma_wait3A_937 = arith.constant 0 : i32
        %dma_wait3A_938 = tpu.memref_slice %arg8[%dma_wait3A_936, %dma_wait3A_937] : memref<64x128xf32, #tpu.memory_space<vmem>> -> memref<8x128xf32, #tpu.memory_space<vmem>>
        %dma_wait3A_939 = arith.constant 0 : i32
        %dma_wait3A_940 = arith.constant 0 : i32
        %dma_wait3A_941 = tpu.memref_slice %arg4[%select_n3A_828, %dma_wait3A_935, %select_n3A_844, %dma_wait3A_939, %dma_wait3A_940] : memref<200x8x8x8x128xf32, #tpu.memory_space<hbm>> -> memref<1x1x1x8x128xf32, #tpu.memory_space<hbm>>
        %dma_wait3A_942 = tpu.memref_squeeze %dma_wait3A_941 : memref<1x1x1x8x128xf32, #tpu.memory_space<hbm>> -> memref<8x128xf32, #tpu.memory_space<hbm>>
        %dma_wait3A_943 = arith.constant 0 : i32
        %dma_wait3A_944 = arith.constant 0 : i32
        %dma_wait3A_945 = tpu.memref_slice %arg4[%select_n3A_828, %dma_wait3A_935, %select_n3A_844, %dma_wait3A_943, %dma_wait3A_944] : memref<200x8x8x8x128xf32, #tpu.memory_space<hbm>> -> memref<1x1x1x8x128xf32, #tpu.memory_space<hbm>>
        %dma_wait3A_946 = tpu.memref_squeeze %dma_wait3A_945 : memref<1x1x1x8x128xf32, #tpu.memory_space<hbm>> -> memref<8x128xf32, #tpu.memory_space<hbm>>
        %dma_wait3A_947 = arith.constant 48 : i32
        %dma_wait3A_948 = arith.constant 0 : i32
        %dma_wait3A_949 = tpu.memref_slice %arg8[%dma_wait3A_947, %dma_wait3A_948] : memref<64x128xf32, #tpu.memory_space<vmem>> -> memref<8x128xf32, #tpu.memory_space<vmem>>
        tpu.wait_dma2 semaphore(%arg11 : memref<!tpu.dma_semaphore, #tpu.memory_space<semaphore_mem>>) src(%dma_wait3A_949 : memref<8x128xf32, #tpu.memory_space<vmem>>) dst(%dma_wait3A_946 : memref<8x128xf32, #tpu.memory_space<hbm>>)
        %dma_wait3A_950 = arith.constant 7 : i32
        %dma_wait3A_951 = arith.constant 56 : i32
        %dma_wait3A_952 = arith.constant 0 : i32
        %dma_wait3A_953 = tpu.memref_slice %arg8[%dma_wait3A_951, %dma_wait3A_952] : memref<64x128xf32, #tpu.memory_space<vmem>> -> memref<8x128xf32, #tpu.memory_space<vmem>>
        %dma_wait3A_954 = arith.constant 0 : i32
        %dma_wait3A_955 = arith.constant 0 : i32
        %dma_wait3A_956 = tpu.memref_slice %arg4[%select_n3A_828, %dma_wait3A_950, %select_n3A_844, %dma_wait3A_954, %dma_wait3A_955] : memref<200x8x8x8x128xf32, #tpu.memory_space<hbm>> -> memref<1x1x1x8x128xf32, #tpu.memory_space<hbm>>
        %dma_wait3A_957 = tpu.memref_squeeze %dma_wait3A_956 : memref<1x1x1x8x128xf32, #tpu.memory_space<hbm>> -> memref<8x128xf32, #tpu.memory_space<hbm>>
        %dma_wait3A_958 = arith.constant 0 : i32
        %dma_wait3A_959 = arith.constant 0 : i32
        %dma_wait3A_960 = tpu.memref_slice %arg4[%select_n3A_828, %dma_wait3A_950, %select_n3A_844, %dma_wait3A_958, %dma_wait3A_959] : memref<200x8x8x8x128xf32, #tpu.memory_space<hbm>> -> memref<1x1x1x8x128xf32, #tpu.memory_space<hbm>>
        %dma_wait3A_961 = tpu.memref_squeeze %dma_wait3A_960 : memref<1x1x1x8x128xf32, #tpu.memory_space<hbm>> -> memref<8x128xf32, #tpu.memory_space<hbm>>
        %dma_wait3A_962 = arith.constant 56 : i32
        %dma_wait3A_963 = arith.constant 0 : i32
        %dma_wait3A_964 = tpu.memref_slice %arg8[%dma_wait3A_962, %dma_wait3A_963] : memref<64x128xf32, #tpu.memory_space<vmem>> -> memref<8x128xf32, #tpu.memory_space<vmem>>
        tpu.wait_dma2 semaphore(%arg11 : memref<!tpu.dma_semaphore, #tpu.memory_space<semaphore_mem>>) src(%dma_wait3A_964 : memref<8x128xf32, #tpu.memory_space<vmem>>) dst(%dma_wait3A_961 : memref<8x128xf32, #tpu.memory_space<hbm>>)
      } else {
      }
      %scan3A_446 = arith.constant 0 : i32
      %scan3A_447 = arith.constant 0 : i32
      %scan3A_448 = arith.constant 8 : i32
      %scan3A_449 = arith.addi %scan3A_447, %scan3A_448 : i32
      %scan3A_450 = arith.constant 1 : i32
      scf.for %scan3A_802 = %scan3A_447 to %scan3A_449 step %scan3A_450  : i32 {
        %mul3A_803 = arith.constant 16 : i32
        %mul3A_804 = arith.muli %scan3A_802, %mul3A_803 : i32
        %add3A_805 = vector.broadcast %mul3A_804 : i32 to vector<16xi32>
        %add3A_806 = arith.addi %add3A_805, %and3A_9 : vector<16xi32>
        %add3A_807 = vector.broadcast %mul3A_804 : i32 to vector<16xi32>
        %add3A_808 = arith.addi %add3A_807, %and3A_15 : vector<16xi32>
        %add3A_809 = vector.broadcast %mul3A_804 : i32 to vector<16xi32>
        %add3A_810 = arith.addi %add3A_809, %and3A_21 : vector<16xi32>
        %add3A_811 = vector.broadcast %mul3A_804 : i32 to vector<16xi32>
        %add3A_812 = arith.addi %add3A_811, %and3A_27 : vector<16xi32>
        %add3A_813 = vector.broadcast %mul3A_804 : i32 to vector<16xi32>
        %add3A_814 = arith.addi %add3A_813, %and3A_33 : vector<16xi32>
        %add3A_815 = vector.broadcast %mul3A_804 : i32 to vector<16xi32>
        %add3A_816 = arith.addi %add3A_815, %and3A_39 : vector<16xi32>
        %add3A_817 = vector.broadcast %mul3A_804 : i32 to vector<16xi32>
        %add3A_818 = arith.addi %add3A_817, %and3A_45 : vector<16xi32>
        %add3A_819 = vector.broadcast %mul3A_804 : i32 to vector<16xi32>
        %add3A_820 = arith.addi %add3A_819, %and3A_51 : vector<16xi32>
        %add3A_821 = vector.broadcast %mul3A_804 : i32 to vector<16xi32>
        %add3A_822 = arith.addi %add3A_821, %and3A_57 : vector<16xi32>
        %add3A_823 = vector.broadcast %mul3A_804 : i32 to vector<16xi32>
        %add3A_824 = arith.addi %add3A_823, %and3A_63 : vector<16xi32>
        %add3A_825 = vector.broadcast %mul3A_804 : i32 to vector<16xi32>
        %add3A_826 = arith.addi %add3A_825, %and3A_69 : vector<16xi32>
        %add3A_827 = vector.broadcast %mul3A_804 : i32 to vector<16xi32>
        %add3A_828 = arith.addi %add3A_827, %and3A_75 : vector<16xi32>
        %add3A_829 = vector.broadcast %mul3A_804 : i32 to vector<16xi32>
        %add3A_830 = arith.addi %add3A_829, %and3A_81 : vector<16xi32>
        %add3A_831 = vector.broadcast %mul3A_804 : i32 to vector<16xi32>
        %add3A_832 = arith.addi %add3A_831, %and3A_87 : vector<16xi32>
        %add3A_833 = vector.broadcast %mul3A_804 : i32 to vector<16xi32>
        %add3A_834 = arith.addi %add3A_833, %and3A_93 : vector<16xi32>
        %add3A_835 = vector.broadcast %mul3A_804 : i32 to vector<16xi32>
        %add3A_836 = arith.addi %add3A_835, %and3A_99 : vector<16xi32>
        %add3A_837 = arith.constant 0 : i32
        %add3A_838 = vector.broadcast %add3A_837 : i32 to vector<16xi32>
        %add3A_839 = arith.addi %add3A_838, %iota3A : vector<16xi32>
        %gather3A = tpu.vector_load_idx %arg6[%add3A_806, %add3A_839] : memref<128x64xf32, #tpu.memory_space<vmem>>[vector<16xi32>, vector<16xi32>], vector<16xf32>,
        %gather3A_840 = tpu.vector_load_idx %arg6[%add3A_808, %add3A_839] : memref<128x64xf32, #tpu.memory_space<vmem>>[vector<16xi32>, vector<16xi32>], vector<16xf32>,
        %gather3A_841 = tpu.vector_load_idx %arg6[%add3A_810, %add3A_839] : memref<128x64xf32, #tpu.memory_space<vmem>>[vector<16xi32>, vector<16xi32>], vector<16xf32>,
        %gather3A_842 = tpu.vector_load_idx %arg6[%add3A_812, %add3A_839] : memref<128x64xf32, #tpu.memory_space<vmem>>[vector<16xi32>, vector<16xi32>], vector<16xf32>,
        %gather3A_843 = tpu.vector_load_idx %arg6[%add3A_814, %add3A_839] : memref<128x64xf32, #tpu.memory_space<vmem>>[vector<16xi32>, vector<16xi32>], vector<16xf32>,
        %gather3A_844 = tpu.vector_load_idx %arg6[%add3A_816, %add3A_839] : memref<128x64xf32, #tpu.memory_space<vmem>>[vector<16xi32>, vector<16xi32>], vector<16xf32>,
        %gather3A_845 = tpu.vector_load_idx %arg6[%add3A_818, %add3A_839] : memref<128x64xf32, #tpu.memory_space<vmem>>[vector<16xi32>, vector<16xi32>], vector<16xf32>,
        %gather3A_846 = tpu.vector_load_idx %arg6[%add3A_820, %add3A_839] : memref<128x64xf32, #tpu.memory_space<vmem>>[vector<16xi32>, vector<16xi32>], vector<16xf32>,
        %gather3A_847 = tpu.vector_load_idx %arg6[%add3A_822, %add3A_839] : memref<128x64xf32, #tpu.memory_space<vmem>>[vector<16xi32>, vector<16xi32>], vector<16xf32>,
        %gather3A_848 = tpu.vector_load_idx %arg6[%add3A_824, %add3A_839] : memref<128x64xf32, #tpu.memory_space<vmem>>[vector<16xi32>, vector<16xi32>], vector<16xf32>,
        %gather3A_849 = tpu.vector_load_idx %arg6[%add3A_826, %add3A_839] : memref<128x64xf32, #tpu.memory_space<vmem>>[vector<16xi32>, vector<16xi32>], vector<16xf32>,
        %gather3A_850 = tpu.vector_load_idx %arg6[%add3A_828, %add3A_839] : memref<128x64xf32, #tpu.memory_space<vmem>>[vector<16xi32>, vector<16xi32>], vector<16xf32>,
        %gather3A_851 = tpu.vector_load_idx %arg6[%add3A_830, %add3A_839] : memref<128x64xf32, #tpu.memory_space<vmem>>[vector<16xi32>, vector<16xi32>], vector<16xf32>,
        %gather3A_852 = tpu.vector_load_idx %arg6[%add3A_832, %add3A_839] : memref<128x64xf32, #tpu.memory_space<vmem>>[vector<16xi32>, vector<16xi32>], vector<16xf32>,
        %gather3A_853 = tpu.vector_load_idx %arg6[%add3A_834, %add3A_839] : memref<128x64xf32, #tpu.memory_space<vmem>>[vector<16xi32>, vector<16xi32>], vector<16xf32>,
        %gather3A_854 = tpu.vector_load_idx %arg6[%add3A_836, %add3A_839] : memref<128x64xf32, #tpu.memory_space<vmem>>[vector<16xi32>, vector<16xi32>], vector<16xf32>,
        tpu.vector_store_idx %arg8[%add3A_839, %add3A_806], %gather3A : memref<64x128xf32, #tpu.memory_space<vmem>>[vector<16xi32>, vector<16xi32>], vector<16xf32>,
        tpu.vector_store_idx %arg8[%add3A_839, %add3A_808], %gather3A_840 : memref<64x128xf32, #tpu.memory_space<vmem>>[vector<16xi32>, vector<16xi32>], vector<16xf32>,
        tpu.vector_store_idx %arg8[%add3A_839, %add3A_810], %gather3A_841 : memref<64x128xf32, #tpu.memory_space<vmem>>[vector<16xi32>, vector<16xi32>], vector<16xf32>,
        tpu.vector_store_idx %arg8[%add3A_839, %add3A_812], %gather3A_842 : memref<64x128xf32, #tpu.memory_space<vmem>>[vector<16xi32>, vector<16xi32>], vector<16xf32>,
        tpu.vector_store_idx %arg8[%add3A_839, %add3A_814], %gather3A_843 : memref<64x128xf32, #tpu.memory_space<vmem>>[vector<16xi32>, vector<16xi32>], vector<16xf32>,
        tpu.vector_store_idx %arg8[%add3A_839, %add3A_816], %gather3A_844 : memref<64x128xf32, #tpu.memory_space<vmem>>[vector<16xi32>, vector<16xi32>], vector<16xf32>,
        tpu.vector_store_idx %arg8[%add3A_839, %add3A_818], %gather3A_845 : memref<64x128xf32, #tpu.memory_space<vmem>>[vector<16xi32>, vector<16xi32>], vector<16xf32>,
        tpu.vector_store_idx %arg8[%add3A_839, %add3A_820], %gather3A_846 : memref<64x128xf32, #tpu.memory_space<vmem>>[vector<16xi32>, vector<16xi32>], vector<16xf32>,
        tpu.vector_store_idx %arg8[%add3A_839, %add3A_822], %gather3A_847 : memref<64x128xf32, #tpu.memory_space<vmem>>[vector<16xi32>, vector<16xi32>], vector<16xf32>,
        tpu.vector_store_idx %arg8[%add3A_839, %add3A_824], %gather3A_848 : memref<64x128xf32, #tpu.memory_space<vmem>>[vector<16xi32>, vector<16xi32>], vector<16xf32>,
        tpu.vector_store_idx %arg8[%add3A_839, %add3A_826], %gather3A_849 : memref<64x128xf32, #tpu.memory_space<vmem>>[vector<16xi32>, vector<16xi32>], vector<16xf32>,
        tpu.vector_store_idx %arg8[%add3A_839, %add3A_828], %gather3A_850 : memref<64x128xf32, #tpu.memory_space<vmem>>[vector<16xi32>, vector<16xi32>], vector<16xf32>,
        tpu.vector_store_idx %arg8[%add3A_839, %add3A_830], %gather3A_851 : memref<64x128xf32, #tpu.memory_space<vmem>>[vector<16xi32>, vector<16xi32>], vector<16xf32>,
        tpu.vector_store_idx %arg8[%add3A_839, %add3A_832], %gather3A_852 : memref<64x128xf32, #tpu.memory_space<vmem>>[vector<16xi32>, vector<16xi32>], vector<16xf32>,
        tpu.vector_store_idx %arg8[%add3A_839, %add3A_834], %gather3A_853 : memref<64x128xf32, #tpu.memory_space<vmem>>[vector<16xi32>, vector<16xi32>], vector<16xf32>,
        tpu.vector_store_idx %arg8[%add3A_839, %add3A_836], %gather3A_854 : memref<64x128xf32, #tpu.memory_space<vmem>>[vector<16xi32>, vector<16xi32>], vector<16xf32>,
        %add3A_855 = arith.constant 16 : i32
        %add3A_856 = vector.broadcast %add3A_855 : i32 to vector<16xi32>
        %add3A_857 = arith.addi %add3A_856, %iota3A : vector<16xi32>
        %gather3A_858 = tpu.vector_load_idx %arg6[%add3A_806, %add3A_857] : memref<128x64xf32, #tpu.memory_space<vmem>>[vector<16xi32>, vector<16xi32>], vector<16xf32>,
        %gather3A_859 = tpu.vector_load_idx %arg6[%add3A_808, %add3A_857] : memref<128x64xf32, #tpu.memory_space<vmem>>[vector<16xi32>, vector<16xi32>], vector<16xf32>,
        %gather3A_860 = tpu.vector_load_idx %arg6[%add3A_810, %add3A_857] : memref<128x64xf32, #tpu.memory_space<vmem>>[vector<16xi32>, vector<16xi32>], vector<16xf32>,
        %gather3A_861 = tpu.vector_load_idx %arg6[%add3A_812, %add3A_857] : memref<128x64xf32, #tpu.memory_space<vmem>>[vector<16xi32>, vector<16xi32>], vector<16xf32>,
        %gather3A_862 = tpu.vector_load_idx %arg6[%add3A_814, %add3A_857] : memref<128x64xf32, #tpu.memory_space<vmem>>[vector<16xi32>, vector<16xi32>], vector<16xf32>,
        %gather3A_863 = tpu.vector_load_idx %arg6[%add3A_816, %add3A_857] : memref<128x64xf32, #tpu.memory_space<vmem>>[vector<16xi32>, vector<16xi32>], vector<16xf32>,
        %gather3A_864 = tpu.vector_load_idx %arg6[%add3A_818, %add3A_857] : memref<128x64xf32, #tpu.memory_space<vmem>>[vector<16xi32>, vector<16xi32>], vector<16xf32>,
        %gather3A_865 = tpu.vector_load_idx %arg6[%add3A_820, %add3A_857] : memref<128x64xf32, #tpu.memory_space<vmem>>[vector<16xi32>, vector<16xi32>], vector<16xf32>,
        %gather3A_866 = tpu.vector_load_idx %arg6[%add3A_822, %add3A_857] : memref<128x64xf32, #tpu.memory_space<vmem>>[vector<16xi32>, vector<16xi32>], vector<16xf32>,
        %gather3A_867 = tpu.vector_load_idx %arg6[%add3A_824, %add3A_857] : memref<128x64xf32, #tpu.memory_space<vmem>>[vector<16xi32>, vector<16xi32>], vector<16xf32>,
        %gather3A_868 = tpu.vector_load_idx %arg6[%add3A_826, %add3A_857] : memref<128x64xf32, #tpu.memory_space<vmem>>[vector<16xi32>, vector<16xi32>], vector<16xf32>,
        %gather3A_869 = tpu.vector_load_idx %arg6[%add3A_828, %add3A_857] : memref<128x64xf32, #tpu.memory_space<vmem>>[vector<16xi32>, vector<16xi32>], vector<16xf32>,
        %gather3A_870 = tpu.vector_load_idx %arg6[%add3A_830, %add3A_857] : memref<128x64xf32, #tpu.memory_space<vmem>>[vector<16xi32>, vector<16xi32>], vector<16xf32>,
        %gather3A_871 = tpu.vector_load_idx %arg6[%add3A_832, %add3A_857] : memref<128x64xf32, #tpu.memory_space<vmem>>[vector<16xi32>, vector<16xi32>], vector<16xf32>,
        %gather3A_872 = tpu.vector_load_idx %arg6[%add3A_834, %add3A_857] : memref<128x64xf32, #tpu.memory_space<vmem>>[vector<16xi32>, vector<16xi32>], vector<16xf32>,
        %gather3A_873 = tpu.vector_load_idx %arg6[%add3A_836, %add3A_857] : memref<128x64xf32, #tpu.memory_space<vmem>>[vector<16xi32>, vector<16xi32>], vector<16xf32>,
        tpu.vector_store_idx %arg8[%add3A_857, %add3A_806], %gather3A_858 : memref<64x128xf32, #tpu.memory_space<vmem>>[vector<16xi32>, vector<16xi32>], vector<16xf32>,
        tpu.vector_store_idx %arg8[%add3A_857, %add3A_808], %gather3A_859 : memref<64x128xf32, #tpu.memory_space<vmem>>[vector<16xi32>, vector<16xi32>], vector<16xf32>,
        tpu.vector_store_idx %arg8[%add3A_857, %add3A_810], %gather3A_860 : memref<64x128xf32, #tpu.memory_space<vmem>>[vector<16xi32>, vector<16xi32>], vector<16xf32>,
        tpu.vector_store_idx %arg8[%add3A_857, %add3A_812], %gather3A_861 : memref<64x128xf32, #tpu.memory_space<vmem>>[vector<16xi32>, vector<16xi32>], vector<16xf32>,
        tpu.vector_store_idx %arg8[%add3A_857, %add3A_814], %gather3A_862 : memref<64x128xf32, #tpu.memory_space<vmem>>[vector<16xi32>, vector<16xi32>], vector<16xf32>,
        tpu.vector_store_idx %arg8[%add3A_857, %add3A_816], %gather3A_863 : memref<64x128xf32, #tpu.memory_space<vmem>>[vector<16xi32>, vector<16xi32>], vector<16xf32>,
        tpu.vector_store_idx %arg8[%add3A_857, %add3A_818], %gather3A_864 : memref<64x128xf32, #tpu.memory_space<vmem>>[vector<16xi32>, vector<16xi32>], vector<16xf32>,
        tpu.vector_store_idx %arg8[%add3A_857, %add3A_820], %gather3A_865 : memref<64x128xf32, #tpu.memory_space<vmem>>[vector<16xi32>, vector<16xi32>], vector<16xf32>,
        tpu.vector_store_idx %arg8[%add3A_857, %add3A_822], %gather3A_866 : memref<64x128xf32, #tpu.memory_space<vmem>>[vector<16xi32>, vector<16xi32>], vector<16xf32>,
        tpu.vector_store_idx %arg8[%add3A_857, %add3A_824], %gather3A_867 : memref<64x128xf32, #tpu.memory_space<vmem>>[vector<16xi32>, vector<16xi32>], vector<16xf32>,
        tpu.vector_store_idx %arg8[%add3A_857, %add3A_826], %gather3A_868 : memref<64x128xf32, #tpu.memory_space<vmem>>[vector<16xi32>, vector<16xi32>], vector<16xf32>,
        tpu.vector_store_idx %arg8[%add3A_857, %add3A_828], %gather3A_869 : memref<64x128xf32, #tpu.memory_space<vmem>>[vector<16xi32>, vector<16xi32>], vector<16xf32>,
        tpu.vector_store_idx %arg8[%add3A_857, %add3A_830], %gather3A_870 : memref<64x128xf32, #tpu.memory_space<vmem>>[vector<16xi32>, vector<16xi32>], vector<16xf32>,
        tpu.vector_store_idx %arg8[%add3A_857, %add3A_832], %gather3A_871 : memref<64x128xf32, #tpu.memory_space<vmem>>[vector<16xi32>, vector<16xi32>], vector<16xf32>,
        tpu.vector_store_idx %arg8[%add3A_857, %add3A_834], %gather3A_872 : memref<64x128xf32, #tpu.memory_space<vmem>>[vector<16xi32>, vector<16xi32>], vector<16xf32>,
        tpu.vector_store_idx %arg8[%add3A_857, %add3A_836], %gather3A_873 : memref<64x128xf32, #tpu.memory_space<vmem>>[vector<16xi32>, vector<16xi32>], vector<16xf32>,
        %add3A_874 = arith.constant 32 : i32
        %add3A_875 = vector.broadcast %add3A_874 : i32 to vector<16xi32>
        %add3A_876 = arith.addi %add3A_875, %iota3A : vector<16xi32>
        %gather3A_877 = tpu.vector_load_idx %arg6[%add3A_806, %add3A_876] : memref<128x64xf32, #tpu.memory_space<vmem>>[vector<16xi32>, vector<16xi32>], vector<16xf32>,
        %gather3A_878 = tpu.vector_load_idx %arg6[%add3A_808, %add3A_876] : memref<128x64xf32, #tpu.memory_space<vmem>>[vector<16xi32>, vector<16xi32>], vector<16xf32>,
        %gather3A_879 = tpu.vector_load_idx %arg6[%add3A_810, %add3A_876] : memref<128x64xf32, #tpu.memory_space<vmem>>[vector<16xi32>, vector<16xi32>], vector<16xf32>,
        %gather3A_880 = tpu.vector_load_idx %arg6[%add3A_812, %add3A_876] : memref<128x64xf32, #tpu.memory_space<vmem>>[vector<16xi32>, vector<16xi32>], vector<16xf32>,
        %gather3A_881 = tpu.vector_load_idx %arg6[%add3A_814, %add3A_876] : memref<128x64xf32, #tpu.memory_space<vmem>>[vector<16xi32>, vector<16xi32>], vector<16xf32>,
        %gather3A_882 = tpu.vector_load_idx %arg6[%add3A_816, %add3A_876] : memref<128x64xf32, #tpu.memory_space<vmem>>[vector<16xi32>, vector<16xi32>], vector<16xf32>,
        %gather3A_883 = tpu.vector_load_idx %arg6[%add3A_818, %add3A_876] : memref<128x64xf32, #tpu.memory_space<vmem>>[vector<16xi32>, vector<16xi32>], vector<16xf32>,
        %gather3A_884 = tpu.vector_load_idx %arg6[%add3A_820, %add3A_876] : memref<128x64xf32, #tpu.memory_space<vmem>>[vector<16xi32>, vector<16xi32>], vector<16xf32>,
        %gather3A_885 = tpu.vector_load_idx %arg6[%add3A_822, %add3A_876] : memref<128x64xf32, #tpu.memory_space<vmem>>[vector<16xi32>, vector<16xi32>], vector<16xf32>,
        %gather3A_886 = tpu.vector_load_idx %arg6[%add3A_824, %add3A_876] : memref<128x64xf32, #tpu.memory_space<vmem>>[vector<16xi32>, vector<16xi32>], vector<16xf32>,
        %gather3A_887 = tpu.vector_load_idx %arg6[%add3A_826, %add3A_876] : memref<128x64xf32, #tpu.memory_space<vmem>>[vector<16xi32>, vector<16xi32>], vector<16xf32>,
        %gather3A_888 = tpu.vector_load_idx %arg6[%add3A_828, %add3A_876] : memref<128x64xf32, #tpu.memory_space<vmem>>[vector<16xi32>, vector<16xi32>], vector<16xf32>,
        %gather3A_889 = tpu.vector_load_idx %arg6[%add3A_830, %add3A_876] : memref<128x64xf32, #tpu.memory_space<vmem>>[vector<16xi32>, vector<16xi32>], vector<16xf32>,
        %gather3A_890 = tpu.vector_load_idx %arg6[%add3A_832, %add3A_876] : memref<128x64xf32, #tpu.memory_space<vmem>>[vector<16xi32>, vector<16xi32>], vector<16xf32>,
        %gather3A_891 = tpu.vector_load_idx %arg6[%add3A_834, %add3A_876] : memref<128x64xf32, #tpu.memory_space<vmem>>[vector<16xi32>, vector<16xi32>], vector<16xf32>,
        %gather3A_892 = tpu.vector_load_idx %arg6[%add3A_836, %add3A_876] : memref<128x64xf32, #tpu.memory_space<vmem>>[vector<16xi32>, vector<16xi32>], vector<16xf32>,
        tpu.vector_store_idx %arg8[%add3A_876, %add3A_806], %gather3A_877 : memref<64x128xf32, #tpu.memory_space<vmem>>[vector<16xi32>, vector<16xi32>], vector<16xf32>,
        tpu.vector_store_idx %arg8[%add3A_876, %add3A_808], %gather3A_878 : memref<64x128xf32, #tpu.memory_space<vmem>>[vector<16xi32>, vector<16xi32>], vector<16xf32>,
        tpu.vector_store_idx %arg8[%add3A_876, %add3A_810], %gather3A_879 : memref<64x128xf32, #tpu.memory_space<vmem>>[vector<16xi32>, vector<16xi32>], vector<16xf32>,
        tpu.vector_store_idx %arg8[%add3A_876, %add3A_812], %gather3A_880 : memref<64x128xf32, #tpu.memory_space<vmem>>[vector<16xi32>, vector<16xi32>], vector<16xf32>,
        tpu.vector_store_idx %arg8[%add3A_876, %add3A_814], %gather3A_881 : memref<64x128xf32, #tpu.memory_space<vmem>>[vector<16xi32>, vector<16xi32>], vector<16xf32>,
        tpu.vector_store_idx %arg8[%add3A_876, %add3A_816], %gather3A_882 : memref<64x128xf32, #tpu.memory_space<vmem>>[vector<16xi32>, vector<16xi32>], vector<16xf32>,
        tpu.vector_store_idx %arg8[%add3A_876, %add3A_818], %gather3A_883 : memref<64x128xf32, #tpu.memory_space<vmem>>[vector<16xi32>, vector<16xi32>], vector<16xf32>,
        tpu.vector_store_idx %arg8[%add3A_876, %add3A_820], %gather3A_884 : memref<64x128xf32, #tpu.memory_space<vmem>>[vector<16xi32>, vector<16xi32>], vector<16xf32>,
        tpu.vector_store_idx %arg8[%add3A_876, %add3A_822], %gather3A_885 : memref<64x128xf32, #tpu.memory_space<vmem>>[vector<16xi32>, vector<16xi32>], vector<16xf32>,
        tpu.vector_store_idx %arg8[%add3A_876, %add3A_824], %gather3A_886 : memref<64x128xf32, #tpu.memory_space<vmem>>[vector<16xi32>, vector<16xi32>], vector<16xf32>,
        tpu.vector_store_idx %arg8[%add3A_876, %add3A_826], %gather3A_887 : memref<64x128xf32, #tpu.memory_space<vmem>>[vector<16xi32>, vector<16xi32>], vector<16xf32>,
        tpu.vector_store_idx %arg8[%add3A_876, %add3A_828], %gather3A_888 : memref<64x128xf32, #tpu.memory_space<vmem>>[vector<16xi32>, vector<16xi32>], vector<16xf32>,
        tpu.vector_store_idx %arg8[%add3A_876, %add3A_830], %gather3A_889 : memref<64x128xf32, #tpu.memory_space<vmem>>[vector<16xi32>, vector<16xi32>], vector<16xf32>,
        tpu.vector_store_idx %arg8[%add3A_876, %add3A_832], %gather3A_890 : memref<64x128xf32, #tpu.memory_space<vmem>>[vector<16xi32>, vector<16xi32>], vector<16xf32>,
        tpu.vector_store_idx %arg8[%add3A_876, %add3A_834], %gather3A_891 : memref<64x128xf32, #tpu.memory_space<vmem>>[vector<16xi32>, vector<16xi32>], vector<16xf32>,
        tpu.vector_store_idx %arg8[%add3A_876, %add3A_836], %gather3A_892 : memref<64x128xf32, #tpu.memory_space<vmem>>[vector<16xi32>, vector<16xi32>], vector<16xf32>,
        %add3A_893 = arith.constant 48 : i32
        %add3A_894 = vector.broadcast %add3A_893 : i32 to vector<16xi32>
        %add3A_895 = arith.addi %add3A_894, %iota3A : vector<16xi32>
        %gather3A_896 = tpu.vector_load_idx %arg6[%add3A_806, %add3A_895] : memref<128x64xf32, #tpu.memory_space<vmem>>[vector<16xi32>, vector<16xi32>], vector<16xf32>,
        %gather3A_897 = tpu.vector_load_idx %arg6[%add3A_808, %add3A_895] : memref<128x64xf32, #tpu.memory_space<vmem>>[vector<16xi32>, vector<16xi32>], vector<16xf32>,
        %gather3A_898 = tpu.vector_load_idx %arg6[%add3A_810, %add3A_895] : memref<128x64xf32, #tpu.memory_space<vmem>>[vector<16xi32>, vector<16xi32>], vector<16xf32>,
        %gather3A_899 = tpu.vector_load_idx %arg6[%add3A_812, %add3A_895] : memref<128x64xf32, #tpu.memory_space<vmem>>[vector<16xi32>, vector<16xi32>], vector<16xf32>,
        %gather3A_900 = tpu.vector_load_idx %arg6[%add3A_814, %add3A_895] : memref<128x64xf32, #tpu.memory_space<vmem>>[vector<16xi32>, vector<16xi32>], vector<16xf32>,
        %gather3A_901 = tpu.vector_load_idx %arg6[%add3A_816, %add3A_895] : memref<128x64xf32, #tpu.memory_space<vmem>>[vector<16xi32>, vector<16xi32>], vector<16xf32>,
        %gather3A_902 = tpu.vector_load_idx %arg6[%add3A_818, %add3A_895] : memref<128x64xf32, #tpu.memory_space<vmem>>[vector<16xi32>, vector<16xi32>], vector<16xf32>,
        %gather3A_903 = tpu.vector_load_idx %arg6[%add3A_820, %add3A_895] : memref<128x64xf32, #tpu.memory_space<vmem>>[vector<16xi32>, vector<16xi32>], vector<16xf32>,
        %gather3A_904 = tpu.vector_load_idx %arg6[%add3A_822, %add3A_895] : memref<128x64xf32, #tpu.memory_space<vmem>>[vector<16xi32>, vector<16xi32>], vector<16xf32>,
        %gather3A_905 = tpu.vector_load_idx %arg6[%add3A_824, %add3A_895] : memref<128x64xf32, #tpu.memory_space<vmem>>[vector<16xi32>, vector<16xi32>], vector<16xf32>,
        %gather3A_906 = tpu.vector_load_idx %arg6[%add3A_826, %add3A_895] : memref<128x64xf32, #tpu.memory_space<vmem>>[vector<16xi32>, vector<16xi32>], vector<16xf32>,
        %gather3A_907 = tpu.vector_load_idx %arg6[%add3A_828, %add3A_895] : memref<128x64xf32, #tpu.memory_space<vmem>>[vector<16xi32>, vector<16xi32>], vector<16xf32>,
        %gather3A_908 = tpu.vector_load_idx %arg6[%add3A_830, %add3A_895] : memref<128x64xf32, #tpu.memory_space<vmem>>[vector<16xi32>, vector<16xi32>], vector<16xf32>,
        %gather3A_909 = tpu.vector_load_idx %arg6[%add3A_832, %add3A_895] : memref<128x64xf32, #tpu.memory_space<vmem>>[vector<16xi32>, vector<16xi32>], vector<16xf32>,
        %gather3A_910 = tpu.vector_load_idx %arg6[%add3A_834, %add3A_895] : memref<128x64xf32, #tpu.memory_space<vmem>>[vector<16xi32>, vector<16xi32>], vector<16xf32>,
        %gather3A_911 = tpu.vector_load_idx %arg6[%add3A_836, %add3A_895] : memref<128x64xf32, #tpu.memory_space<vmem>>[vector<16xi32>, vector<16xi32>], vector<16xf32>,
        tpu.vector_store_idx %arg8[%add3A_895, %add3A_806], %gather3A_896 : memref<64x128xf32, #tpu.memory_space<vmem>>[vector<16xi32>, vector<16xi32>], vector<16xf32>,
        tpu.vector_store_idx %arg8[%add3A_895, %add3A_808], %gather3A_897 : memref<64x128xf32, #tpu.memory_space<vmem>>[vector<16xi32>, vector<16xi32>], vector<16xf32>,
        tpu.vector_store_idx %arg8[%add3A_895, %add3A_810], %gather3A_898 : memref<64x128xf32, #tpu.memory_space<vmem>>[vector<16xi32>, vector<16xi32>], vector<16xf32>,
        tpu.vector_store_idx %arg8[%add3A_895, %add3A_812], %gather3A_899 : memref<64x128xf32, #tpu.memory_space<vmem>>[vector<16xi32>, vector<16xi32>], vector<16xf32>,
        tpu.vector_store_idx %arg8[%add3A_895, %add3A_814], %gather3A_900 : memref<64x128xf32, #tpu.memory_space<vmem>>[vector<16xi32>, vector<16xi32>], vector<16xf32>,
        tpu.vector_store_idx %arg8[%add3A_895, %add3A_816], %gather3A_901 : memref<64x128xf32, #tpu.memory_space<vmem>>[vector<16xi32>, vector<16xi32>], vector<16xf32>,
        tpu.vector_store_idx %arg8[%add3A_895, %add3A_818], %gather3A_902 : memref<64x128xf32, #tpu.memory_space<vmem>>[vector<16xi32>, vector<16xi32>], vector<16xf32>,
        tpu.vector_store_idx %arg8[%add3A_895, %add3A_820], %gather3A_903 : memref<64x128xf32, #tpu.memory_space<vmem>>[vector<16xi32>, vector<16xi32>], vector<16xf32>,
        tpu.vector_store_idx %arg8[%add3A_895, %add3A_822], %gather3A_904 : memref<64x128xf32, #tpu.memory_space<vmem>>[vector<16xi32>, vector<16xi32>], vector<16xf32>,
        tpu.vector_store_idx %arg8[%add3A_895, %add3A_824], %gather3A_905 : memref<64x128xf32, #tpu.memory_space<vmem>>[vector<16xi32>, vector<16xi32>], vector<16xf32>,
        tpu.vector_store_idx %arg8[%add3A_895, %add3A_826], %gather3A_906 : memref<64x128xf32, #tpu.memory_space<vmem>>[vector<16xi32>, vector<16xi32>], vector<16xf32>,
        tpu.vector_store_idx %arg8[%add3A_895, %add3A_828], %gather3A_907 : memref<64x128xf32, #tpu.memory_space<vmem>>[vector<16xi32>, vector<16xi32>], vector<16xf32>,
        tpu.vector_store_idx %arg8[%add3A_895, %add3A_830], %gather3A_908 : memref<64x128xf32, #tpu.memory_space<vmem>>[vector<16xi32>, vector<16xi32>], vector<16xf32>,
        tpu.vector_store_idx %arg8[%add3A_895, %add3A_832], %gather3A_909 : memref<64x128xf32, #tpu.memory_space<vmem>>[vector<16xi32>, vector<16xi32>], vector<16xf32>,
        tpu.vector_store_idx %arg8[%add3A_895, %add3A_834], %gather3A_910 : memref<64x128xf32, #tpu.memory_space<vmem>>[vector<16xi32>, vector<16xi32>], vector<16xf32>,
        tpu.vector_store_idx %arg8[%add3A_895, %add3A_836], %gather3A_911 : memref<64x128xf32, #tpu.memory_space<vmem>>[vector<16xi32>, vector<16xi32>], vector<16xf32>,
      }
      %scan3A_451 = arith.constant 8 : i32
      %add3A_452 = arith.addi %mul3A_4, %add3A_430 : i32
      %jit3A_453 = arith.constant 8 : i32
      %div3A_454 = arith.divsi %add3A_452, %jit3A_453 : i32
      %sign3A_455 = arith.constant 0 : i32
      %sign3A_456 = arith.cmpi sgt, %add3A_452, %sign3A_455 : i32
      %sign3A_457 = arith.extui %sign3A_456 : i1 to i32
      %sign3A_458 = arith.constant 0 : i32
      %sign3A_459 = arith.cmpi slt, %add3A_452, %sign3A_458 : i32
      %sign3A_460 = arith.extui %sign3A_459 : i1 to i32
      %sign3A_461 = arith.subi %sign3A_457, %sign3A_460 : i32
      %sign3A_462 = arith.constant 0 : i32
      %sign3A_463 = arith.cmpi sgt, %jit3A_453, %sign3A_462 : i32
      %sign3A_464 = arith.extui %sign3A_463 : i1 to i32
      %sign3A_465 = arith.constant 0 : i32
      %sign3A_466 = arith.cmpi slt, %jit3A_453, %sign3A_465 : i32
      %sign3A_467 = arith.extui %sign3A_466 : i1 to i32
      %sign3A_468 = arith.subi %sign3A_464, %sign3A_467 : i32
      %ne3A_469 = arith.cmpi ne, %sign3A_461, %sign3A_468 : i32
      %rem3A_470 = arith.remsi %add3A_452, %jit3A_453 : i32
      %ne3A_471 = arith.constant 0 : i32
      %ne3A_472 = arith.cmpi ne, %rem3A_470, %ne3A_471 : i32
      %and3A_473 = arith.andi %ne3A_469, %ne3A_472 : i1
      %sub3A_474 = arith.constant 1 : i32
      %sub3A_475 = arith.subi %div3A_454, %sub3A_474 : i32
      %select_n3A_476 = arith.select %and3A_473, %sub3A_475, %div3A_454 : i32
      %jit3A_477 = arith.constant 8 : i32
      %eq3A_478 = arith.constant 0 : i32
      %eq3A_479 = arith.cmpi eq, %jit3A_477, %eq3A_478 : i32
      %jit3A_480 = arith.constant 1 : i32
      %select_n3A_481 = arith.select %eq3A_479, %jit3A_480, %jit3A_477 : i32
      %rem3A_482 = arith.remsi %add3A_452, %select_n3A_481 : i32
      %ne3A_483 = arith.constant 0 : i32
      %ne3A_484 = arith.cmpi ne, %rem3A_482, %ne3A_483 : i32
      %lt3A_485 = arith.constant 0 : i32
      %lt3A_486 = arith.cmpi slt, %rem3A_482, %lt3A_485 : i32
      %lt3A_487 = arith.constant 0 : i32
      %lt3A_488 = arith.cmpi slt, %select_n3A_481, %lt3A_487 : i32
      %ne3A_489 = arith.xori %lt3A_486, %lt3A_488 : i1
      %and3A_490 = arith.andi %ne3A_489, %ne3A_484 : i1
      %add3A_491 = arith.addi %rem3A_482, %select_n3A_481 : i32
      %select_n3A_492 = arith.select %and3A_490, %add3A_491, %rem3A_482 : i32
      %dma_start3A_493 = arith.constant 0 : i32
      %dma_start3A_494 = arith.constant 0 : i32
      %dma_start3A_495 = arith.constant 0 : i32
      %dma_start3A_496 = tpu.memref_slice %arg8[%dma_start3A_494, %dma_start3A_495] : memref<64x128xf32, #tpu.memory_space<vmem>> -> memref<8x128xf32, #tpu.memory_space<vmem>>
      %dma_start3A_497 = arith.constant 0 : i32
      %dma_start3A_498 = arith.constant 0 : i32
      %dma_start3A_499 = tpu.memref_slice %arg4[%select_n3A_476, %dma_start3A_493, %select_n3A_492, %dma_start3A_497, %dma_start3A_498] : memref<200x8x8x8x128xf32, #tpu.memory_space<hbm>> -> memref<1x1x1x8x128xf32, #tpu.memory_space<hbm>>
      %dma_start3A_500 = tpu.memref_squeeze %dma_start3A_499 : memref<1x1x1x8x128xf32, #tpu.memory_space<hbm>> -> memref<8x128xf32, #tpu.memory_space<hbm>>
      %dma_start3A_501 = arith.constant 0 : i32
      %dma_start3A_502 = arith.constant 0 : i32
      %dma_start3A_503 = tpu.memref_slice %arg4[%select_n3A_476, %dma_start3A_493, %select_n3A_492, %dma_start3A_501, %dma_start3A_502] : memref<200x8x8x8x128xf32, #tpu.memory_space<hbm>> -> memref<1x1x1x8x128xf32, #tpu.memory_space<hbm>>
      %dma_start3A_504 = tpu.memref_squeeze %dma_start3A_503 : memref<1x1x1x8x128xf32, #tpu.memory_space<hbm>> -> memref<8x128xf32, #tpu.memory_space<hbm>>
      %dma_start3A_505 = arith.constant 0 : i32
      %dma_start3A_506 = arith.constant 0 : i32
      %dma_start3A_507 = tpu.memref_slice %arg8[%dma_start3A_505, %dma_start3A_506] : memref<64x128xf32, #tpu.memory_space<vmem>> -> memref<8x128xf32, #tpu.memory_space<vmem>>
      tpu.enqueue_dma source(%dma_start3A_507 : memref<8x128xf32, #tpu.memory_space<vmem>>) target(%dma_start3A_504 : memref<8x128xf32, #tpu.memory_space<hbm>>) target_semaphore(%arg11 : memref<!tpu.dma_semaphore, #tpu.memory_space<semaphore_mem>>)
      %dma_start3A_508 = arith.constant 1 : i32
      %dma_start3A_509 = arith.constant 8 : i32
      %dma_start3A_510 = arith.constant 0 : i32
      %dma_start3A_511 = tpu.memref_slice %arg8[%dma_start3A_509, %dma_start3A_510] : memref<64x128xf32, #tpu.memory_space<vmem>> -> memref<8x128xf32, #tpu.memory_space<vmem>>
      %dma_start3A_512 = arith.constant 0 : i32
      %dma_start3A_513 = arith.constant 0 : i32
      %dma_start3A_514 = tpu.memref_slice %arg4[%select_n3A_476, %dma_start3A_508, %select_n3A_492, %dma_start3A_512, %dma_start3A_513] : memref<200x8x8x8x128xf32, #tpu.memory_space<hbm>> -> memref<1x1x1x8x128xf32, #tpu.memory_space<hbm>>
      %dma_start3A_515 = tpu.memref_squeeze %dma_start3A_514 : memref<1x1x1x8x128xf32, #tpu.memory_space<hbm>> -> memref<8x128xf32, #tpu.memory_space<hbm>>
      %dma_start3A_516 = arith.constant 0 : i32
      %dma_start3A_517 = arith.constant 0 : i32
      %dma_start3A_518 = tpu.memref_slice %arg4[%select_n3A_476, %dma_start3A_508, %select_n3A_492, %dma_start3A_516, %dma_start3A_517] : memref<200x8x8x8x128xf32, #tpu.memory_space<hbm>> -> memref<1x1x1x8x128xf32, #tpu.memory_space<hbm>>
      %dma_start3A_519 = tpu.memref_squeeze %dma_start3A_518 : memref<1x1x1x8x128xf32, #tpu.memory_space<hbm>> -> memref<8x128xf32, #tpu.memory_space<hbm>>
      %dma_start3A_520 = arith.constant 8 : i32
      %dma_start3A_521 = arith.constant 0 : i32
      %dma_start3A_522 = tpu.memref_slice %arg8[%dma_start3A_520, %dma_start3A_521] : memref<64x128xf32, #tpu.memory_space<vmem>> -> memref<8x128xf32, #tpu.memory_space<vmem>>
      tpu.enqueue_dma source(%dma_start3A_522 : memref<8x128xf32, #tpu.memory_space<vmem>>) target(%dma_start3A_519 : memref<8x128xf32, #tpu.memory_space<hbm>>) target_semaphore(%arg11 : memref<!tpu.dma_semaphore, #tpu.memory_space<semaphore_mem>>)
      %dma_start3A_523 = arith.constant 2 : i32
      %dma_start3A_524 = arith.constant 16 : i32
      %dma_start3A_525 = arith.constant 0 : i32
      %dma_start3A_526 = tpu.memref_slice %arg8[%dma_start3A_524, %dma_start3A_525] : memref<64x128xf32, #tpu.memory_space<vmem>> -> memref<8x128xf32, #tpu.memory_space<vmem>>
      %dma_start3A_527 = arith.constant 0 : i32
      %dma_start3A_528 = arith.constant 0 : i32
      %dma_start3A_529 = tpu.memref_slice %arg4[%select_n3A_476, %dma_start3A_523, %select_n3A_492, %dma_start3A_527, %dma_start3A_528] : memref<200x8x8x8x128xf32, #tpu.memory_space<hbm>> -> memref<1x1x1x8x128xf32, #tpu.memory_space<hbm>>
      %dma_start3A_530 = tpu.memref_squeeze %dma_start3A_529 : memref<1x1x1x8x128xf32, #tpu.memory_space<hbm>> -> memref<8x128xf32, #tpu.memory_space<hbm>>
      %dma_start3A_531 = arith.constant 0 : i32
      %dma_start3A_532 = arith.constant 0 : i32
      %dma_start3A_533 = tpu.memref_slice %arg4[%select_n3A_476, %dma_start3A_523, %select_n3A_492, %dma_start3A_531, %dma_start3A_532] : memref<200x8x8x8x128xf32, #tpu.memory_space<hbm>> -> memref<1x1x1x8x128xf32, #tpu.memory_space<hbm>>
      %dma_start3A_534 = tpu.memref_squeeze %dma_start3A_533 : memref<1x1x1x8x128xf32, #tpu.memory_space<hbm>> -> memref<8x128xf32, #tpu.memory_space<hbm>>
      %dma_start3A_535 = arith.constant 16 : i32
      %dma_start3A_536 = arith.constant 0 : i32
      %dma_start3A_537 = tpu.memref_slice %arg8[%dma_start3A_535, %dma_start3A_536] : memref<64x128xf32, #tpu.memory_space<vmem>> -> memref<8x128xf32, #tpu.memory_space<vmem>>
      tpu.enqueue_dma source(%dma_start3A_537 : memref<8x128xf32, #tpu.memory_space<vmem>>) target(%dma_start3A_534 : memref<8x128xf32, #tpu.memory_space<hbm>>) target_semaphore(%arg11 : memref<!tpu.dma_semaphore, #tpu.memory_space<semaphore_mem>>)
      %dma_start3A_538 = arith.constant 3 : i32
      %dma_start3A_539 = arith.constant 24 : i32
      %dma_start3A_540 = arith.constant 0 : i32
      %dma_start3A_541 = tpu.memref_slice %arg8[%dma_start3A_539, %dma_start3A_540] : memref<64x128xf32, #tpu.memory_space<vmem>> -> memref<8x128xf32, #tpu.memory_space<vmem>>
      %dma_start3A_542 = arith.constant 0 : i32
      %dma_start3A_543 = arith.constant 0 : i32
      %dma_start3A_544 = tpu.memref_slice %arg4[%select_n3A_476, %dma_start3A_538, %select_n3A_492, %dma_start3A_542, %dma_start3A_543] : memref<200x8x8x8x128xf32, #tpu.memory_space<hbm>> -> memref<1x1x1x8x128xf32, #tpu.memory_space<hbm>>
      %dma_start3A_545 = tpu.memref_squeeze %dma_start3A_544 : memref<1x1x1x8x128xf32, #tpu.memory_space<hbm>> -> memref<8x128xf32, #tpu.memory_space<hbm>>
      %dma_start3A_546 = arith.constant 0 : i32
      %dma_start3A_547 = arith.constant 0 : i32
      %dma_start3A_548 = tpu.memref_slice %arg4[%select_n3A_476, %dma_start3A_538, %select_n3A_492, %dma_start3A_546, %dma_start3A_547] : memref<200x8x8x8x128xf32, #tpu.memory_space<hbm>> -> memref<1x1x1x8x128xf32, #tpu.memory_space<hbm>>
      %dma_start3A_549 = tpu.memref_squeeze %dma_start3A_548 : memref<1x1x1x8x128xf32, #tpu.memory_space<hbm>> -> memref<8x128xf32, #tpu.memory_space<hbm>>
      %dma_start3A_550 = arith.constant 24 : i32
      %dma_start3A_551 = arith.constant 0 : i32
      %dma_start3A_552 = tpu.memref_slice %arg8[%dma_start3A_550, %dma_start3A_551] : memref<64x128xf32, #tpu.memory_space<vmem>> -> memref<8x128xf32, #tpu.memory_space<vmem>>
      tpu.enqueue_dma source(%dma_start3A_552 : memref<8x128xf32, #tpu.memory_space<vmem>>) target(%dma_start3A_549 : memref<8x128xf32, #tpu.memory_space<hbm>>) target_semaphore(%arg11 : memref<!tpu.dma_semaphore, #tpu.memory_space<semaphore_mem>>)
      %dma_start3A_553 = arith.constant 4 : i32
      %dma_start3A_554 = arith.constant 32 : i32
      %dma_start3A_555 = arith.constant 0 : i32
      %dma_start3A_556 = tpu.memref_slice %arg8[%dma_start3A_554, %dma_start3A_555] : memref<64x128xf32, #tpu.memory_space<vmem>> -> memref<8x128xf32, #tpu.memory_space<vmem>>
      %dma_start3A_557 = arith.constant 0 : i32
      %dma_start3A_558 = arith.constant 0 : i32
      %dma_start3A_559 = tpu.memref_slice %arg4[%select_n3A_476, %dma_start3A_553, %select_n3A_492, %dma_start3A_557, %dma_start3A_558] : memref<200x8x8x8x128xf32, #tpu.memory_space<hbm>> -> memref<1x1x1x8x128xf32, #tpu.memory_space<hbm>>
      %dma_start3A_560 = tpu.memref_squeeze %dma_start3A_559 : memref<1x1x1x8x128xf32, #tpu.memory_space<hbm>> -> memref<8x128xf32, #tpu.memory_space<hbm>>
      %dma_start3A_561 = arith.constant 0 : i32
      %dma_start3A_562 = arith.constant 0 : i32
      %dma_start3A_563 = tpu.memref_slice %arg4[%select_n3A_476, %dma_start3A_553, %select_n3A_492, %dma_start3A_561, %dma_start3A_562] : memref<200x8x8x8x128xf32, #tpu.memory_space<hbm>> -> memref<1x1x1x8x128xf32, #tpu.memory_space<hbm>>
      %dma_start3A_564 = tpu.memref_squeeze %dma_start3A_563 : memref<1x1x1x8x128xf32, #tpu.memory_space<hbm>> -> memref<8x128xf32, #tpu.memory_space<hbm>>
      %dma_start3A_565 = arith.constant 32 : i32
      %dma_start3A_566 = arith.constant 0 : i32
      %dma_start3A_567 = tpu.memref_slice %arg8[%dma_start3A_565, %dma_start3A_566] : memref<64x128xf32, #tpu.memory_space<vmem>> -> memref<8x128xf32, #tpu.memory_space<vmem>>
      tpu.enqueue_dma source(%dma_start3A_567 : memref<8x128xf32, #tpu.memory_space<vmem>>) target(%dma_start3A_564 : memref<8x128xf32, #tpu.memory_space<hbm>>) target_semaphore(%arg11 : memref<!tpu.dma_semaphore, #tpu.memory_space<semaphore_mem>>)
      %dma_start3A_568 = arith.constant 5 : i32
      %dma_start3A_569 = arith.constant 40 : i32
      %dma_start3A_570 = arith.constant 0 : i32
      %dma_start3A_571 = tpu.memref_slice %arg8[%dma_start3A_569, %dma_start3A_570] : memref<64x128xf32, #tpu.memory_space<vmem>> -> memref<8x128xf32, #tpu.memory_space<vmem>>
      %dma_start3A_572 = arith.constant 0 : i32
      %dma_start3A_573 = arith.constant 0 : i32
      %dma_start3A_574 = tpu.memref_slice %arg4[%select_n3A_476, %dma_start3A_568, %select_n3A_492, %dma_start3A_572, %dma_start3A_573] : memref<200x8x8x8x128xf32, #tpu.memory_space<hbm>> -> memref<1x1x1x8x128xf32, #tpu.memory_space<hbm>>
      %dma_start3A_575 = tpu.memref_squeeze %dma_start3A_574 : memref<1x1x1x8x128xf32, #tpu.memory_space<hbm>> -> memref<8x128xf32, #tpu.memory_space<hbm>>
      %dma_start3A_576 = arith.constant 0 : i32
      %dma_start3A_577 = arith.constant 0 : i32
      %dma_start3A_578 = tpu.memref_slice %arg4[%select_n3A_476, %dma_start3A_568, %select_n3A_492, %dma_start3A_576, %dma_start3A_577] : memref<200x8x8x8x128xf32, #tpu.memory_space<hbm>> -> memref<1x1x1x8x128xf32, #tpu.memory_space<hbm>>
      %dma_start3A_579 = tpu.memref_squeeze %dma_start3A_578 : memref<1x1x1x8x128xf32, #tpu.memory_space<hbm>> -> memref<8x128xf32, #tpu.memory_space<hbm>>
      %dma_start3A_580 = arith.constant 40 : i32
      %dma_start3A_581 = arith.constant 0 : i32
      %dma_start3A_582 = tpu.memref_slice %arg8[%dma_start3A_580, %dma_start3A_581] : memref<64x128xf32, #tpu.memory_space<vmem>> -> memref<8x128xf32, #tpu.memory_space<vmem>>
      tpu.enqueue_dma source(%dma_start3A_582 : memref<8x128xf32, #tpu.memory_space<vmem>>) target(%dma_start3A_579 : memref<8x128xf32, #tpu.memory_space<hbm>>) target_semaphore(%arg11 : memref<!tpu.dma_semaphore, #tpu.memory_space<semaphore_mem>>)
      %dma_start3A_583 = arith.constant 6 : i32
      %dma_start3A_584 = arith.constant 48 : i32
      %dma_start3A_585 = arith.constant 0 : i32
      %dma_start3A_586 = tpu.memref_slice %arg8[%dma_start3A_584, %dma_start3A_585] : memref<64x128xf32, #tpu.memory_space<vmem>> -> memref<8x128xf32, #tpu.memory_space<vmem>>
      %dma_start3A_587 = arith.constant 0 : i32
      %dma_start3A_588 = arith.constant 0 : i32
      %dma_start3A_589 = tpu.memref_slice %arg4[%select_n3A_476, %dma_start3A_583, %select_n3A_492, %dma_start3A_587, %dma_start3A_588] : memref<200x8x8x8x128xf32, #tpu.memory_space<hbm>> -> memref<1x1x1x8x128xf32, #tpu.memory_space<hbm>>
      %dma_start3A_590 = tpu.memref_squeeze %dma_start3A_589 : memref<1x1x1x8x128xf32, #tpu.memory_space<hbm>> -> memref<8x128xf32, #tpu.memory_space<hbm>>
      %dma_start3A_591 = arith.constant 0 : i32
      %dma_start3A_592 = arith.constant 0 : i32
      %dma_start3A_593 = tpu.memref_slice %arg4[%select_n3A_476, %dma_start3A_583, %select_n3A_492, %dma_start3A_591, %dma_start3A_592] : memref<200x8x8x8x128xf32, #tpu.memory_space<hbm>> -> memref<1x1x1x8x128xf32, #tpu.memory_space<hbm>>
      %dma_start3A_594 = tpu.memref_squeeze %dma_start3A_593 : memref<1x1x1x8x128xf32, #tpu.memory_space<hbm>> -> memref<8x128xf32, #tpu.memory_space<hbm>>
      %dma_start3A_595 = arith.constant 48 : i32
      %dma_start3A_596 = arith.constant 0 : i32
      %dma_start3A_597 = tpu.memref_slice %arg8[%dma_start3A_595, %dma_start3A_596] : memref<64x128xf32, #tpu.memory_space<vmem>> -> memref<8x128xf32, #tpu.memory_space<vmem>>
      tpu.enqueue_dma source(%dma_start3A_597 : memref<8x128xf32, #tpu.memory_space<vmem>>) target(%dma_start3A_594 : memref<8x128xf32, #tpu.memory_space<hbm>>) target_semaphore(%arg11 : memref<!tpu.dma_semaphore, #tpu.memory_space<semaphore_mem>>)
      %dma_start3A_598 = arith.constant 7 : i32
      %dma_start3A_599 = arith.constant 56 : i32
      %dma_start3A_600 = arith.constant 0 : i32
      %dma_start3A_601 = tpu.memref_slice %arg8[%dma_start3A_599, %dma_start3A_600] : memref<64x128xf32, #tpu.memory_space<vmem>> -> memref<8x128xf32, #tpu.memory_space<vmem>>
      %dma_start3A_602 = arith.constant 0 : i32
      %dma_start3A_603 = arith.constant 0 : i32
      %dma_start3A_604 = tpu.memref_slice %arg4[%select_n3A_476, %dma_start3A_598, %select_n3A_492, %dma_start3A_602, %dma_start3A_603] : memref<200x8x8x8x128xf32, #tpu.memory_space<hbm>> -> memref<1x1x1x8x128xf32, #tpu.memory_space<hbm>>
      %dma_start3A_605 = tpu.memref_squeeze %dma_start3A_604 : memref<1x1x1x8x128xf32, #tpu.memory_space<hbm>> -> memref<8x128xf32, #tpu.memory_space<hbm>>
      %dma_start3A_606 = arith.constant 0 : i32
      %dma_start3A_607 = arith.constant 0 : i32
      %dma_start3A_608 = tpu.memref_slice %arg4[%select_n3A_476, %dma_start3A_598, %select_n3A_492, %dma_start3A_606, %dma_start3A_607] : memref<200x8x8x8x128xf32, #tpu.memory_space<hbm>> -> memref<1x1x1x8x128xf32, #tpu.memory_space<hbm>>
      %dma_start3A_609 = tpu.memref_squeeze %dma_start3A_608 : memref<1x1x1x8x128xf32, #tpu.memory_space<hbm>> -> memref<8x128xf32, #tpu.memory_space<hbm>>
      %dma_start3A_610 = arith.constant 56 : i32
      %dma_start3A_611 = arith.constant 0 : i32
      %dma_start3A_612 = tpu.memref_slice %arg8[%dma_start3A_610, %dma_start3A_611] : memref<64x128xf32, #tpu.memory_space<vmem>> -> memref<8x128xf32, #tpu.memory_space<vmem>>
      tpu.enqueue_dma source(%dma_start3A_612 : memref<8x128xf32, #tpu.memory_space<vmem>>) target(%dma_start3A_609 : memref<8x128xf32, #tpu.memory_space<hbm>>) target_semaphore(%arg11 : memref<!tpu.dma_semaphore, #tpu.memory_space<semaphore_mem>>)
      %mul3A_613 = arith.constant 2 : i32
      %mul3A_614 = arith.muli %scan3A_426, %mul3A_613 : i32
      %add3A_615 = arith.constant 1 : i32
      %add3A_616 = arith.addi %mul3A_614, %add3A_615 : i32
      %mul3A_617 = arith.constant 128 : i32
      %mul3A_618 = arith.muli %add3A_616, %mul3A_617 : i32
      %dma_wait3A_619 = tpu.memref_slice %arg5[%mul3A_618] : memref<6400xi32, #tpu.memory_space<vmem>> -> memref<128xi32, #tpu.memory_space<vmem>>
      %dma_wait3A_620 = arith.constant 0 : i32
      %dma_wait3A_621 = arith.constant 0 : i32
      %dma_wait3A_622 = tpu.memref_slice %arg2[%dma_wait3A_620, %dma_wait3A_621] : memref<100000x64xf32, #tpu.memory_space<hbm>> -> memref<100000x64xf32, #tpu.memory_space<hbm>>
      tpu.wait_indirect_dma semaphore(%arg10 : memref<!tpu.dma_semaphore, #tpu.memory_space<semaphore_mem>>) src(%dma_wait3A_622 : memref<100000x64xf32, #tpu.memory_space<hbm>>) dst(%arg7 : memref<128x64xf32, #tpu.memory_space<vmem>>)
      %add3A_623 = arith.constant 1 : i32
      %add3A_624 = arith.addi %add3A_616, %add3A_623 : i32
      %lt3A_625 = arith.constant 50 : i32
      %lt3A_626 = arith.cmpi slt, %add3A_624, %lt3A_625 : i32
      %convert_element_type3A_627 = arith.extui %lt3A_626 : i1 to i32
      %cond3A_628 = arith.constant 0 : i32
      %cond3A_629 = arith.cmpi ne, %convert_element_type3A_627, %cond3A_628 : i32
      scf.if %cond3A_629 {
        %add3A_802 = arith.constant 1 : i32
        %add3A_803 = arith.addi %add3A_616, %add3A_802 : i32
        %mul3A_804 = arith.constant 128 : i32
        %mul3A_805 = arith.muli %add3A_803, %mul3A_804 : i32
        %dma_start3A_806 = tpu.memref_slice %arg5[%mul3A_805] : memref<6400xi32, #tpu.memory_space<vmem>> -> memref<128xi32, #tpu.memory_space<vmem>>
        %dma_start3A_807 = arith.constant 0 : i32
        %dma_start3A_808 = arith.constant 0 : i32
        %dma_start3A_809 = tpu.memref_slice %arg2[%dma_start3A_807, %dma_start3A_808] : memref<100000x64xf32, #tpu.memory_space<hbm>> -> memref<100000x64xf32, #tpu.memory_space<hbm>>
        tpu.enqueue_indirect_dma source(%dma_start3A_809 : memref<100000x64xf32, #tpu.memory_space<hbm>>) target(%arg6 : memref<128x64xf32, #tpu.memory_space<vmem>>) offsets(%dma_start3A_806 : memref<128xi32, #tpu.memory_space<vmem>>) semaphore(%arg10 : memref<!tpu.dma_semaphore, #tpu.memory_space<semaphore_mem>>)
      } else {
      }
      %ge3A_630 = arith.constant 2 : i32
      %ge3A_631 = arith.cmpi sge, %add3A_616, %ge3A_630 : i32
      %convert_element_type3A_632 = arith.extui %ge3A_631 : i1 to i32
      %cond3A_633 = arith.constant 0 : i32
      %cond3A_634 = arith.cmpi ne, %convert_element_type3A_632, %cond3A_633 : i32
      scf.if %cond3A_634 {
        %sub3A_802 = arith.constant 2 : i32
        %sub3A_803 = arith.subi %add3A_616, %sub3A_802 : i32
        %add3A_804 = arith.addi %mul3A_4, %sub3A_803 : i32
        %jit3A_805 = arith.constant 8 : i32
        %div3A_806 = arith.divsi %add3A_804, %jit3A_805 : i32
        %sign3A_807 = arith.constant 0 : i32
        %sign3A_808 = arith.cmpi sgt, %add3A_804, %sign3A_807 : i32
        %sign3A_809 = arith.extui %sign3A_808 : i1 to i32
        %sign3A_810 = arith.constant 0 : i32
        %sign3A_811 = arith.cmpi slt, %add3A_804, %sign3A_810 : i32
        %sign3A_812 = arith.extui %sign3A_811 : i1 to i32
        %sign3A_813 = arith.subi %sign3A_809, %sign3A_812 : i32
        %sign3A_814 = arith.constant 0 : i32
        %sign3A_815 = arith.cmpi sgt, %jit3A_805, %sign3A_814 : i32
        %sign3A_816 = arith.extui %sign3A_815 : i1 to i32
        %sign3A_817 = arith.constant 0 : i32
        %sign3A_818 = arith.cmpi slt, %jit3A_805, %sign3A_817 : i32
        %sign3A_819 = arith.extui %sign3A_818 : i1 to i32
        %sign3A_820 = arith.subi %sign3A_816, %sign3A_819 : i32
        %ne3A_821 = arith.cmpi ne, %sign3A_813, %sign3A_820 : i32
        %rem3A_822 = arith.remsi %add3A_804, %jit3A_805 : i32
        %ne3A_823 = arith.constant 0 : i32
        %ne3A_824 = arith.cmpi ne, %rem3A_822, %ne3A_823 : i32
        %and3A_825 = arith.andi %ne3A_821, %ne3A_824 : i1
        %sub3A_826 = arith.constant 1 : i32
        %sub3A_827 = arith.subi %div3A_806, %sub3A_826 : i32
        %select_n3A_828 = arith.select %and3A_825, %sub3A_827, %div3A_806 : i32
        %jit3A_829 = arith.constant 8 : i32
        %eq3A_830 = arith.constant 0 : i32
        %eq3A_831 = arith.cmpi eq, %jit3A_829, %eq3A_830 : i32
        %jit3A_832 = arith.constant 1 : i32
        %select_n3A_833 = arith.select %eq3A_831, %jit3A_832, %jit3A_829 : i32
        %rem3A_834 = arith.remsi %add3A_804, %select_n3A_833 : i32
        %ne3A_835 = arith.constant 0 : i32
        %ne3A_836 = arith.cmpi ne, %rem3A_834, %ne3A_835 : i32
        %lt3A_837 = arith.constant 0 : i32
        %lt3A_838 = arith.cmpi slt, %rem3A_834, %lt3A_837 : i32
        %lt3A_839 = arith.constant 0 : i32
        %lt3A_840 = arith.cmpi slt, %select_n3A_833, %lt3A_839 : i32
        %ne3A_841 = arith.xori %lt3A_838, %lt3A_840 : i1
        %and3A_842 = arith.andi %ne3A_841, %ne3A_836 : i1
        %add3A_843 = arith.addi %rem3A_834, %select_n3A_833 : i32
        %select_n3A_844 = arith.select %and3A_842, %add3A_843, %rem3A_834 : i32
        %dma_wait3A_845 = arith.constant 0 : i32
        %dma_wait3A_846 = arith.constant 0 : i32
        %dma_wait3A_847 = arith.constant 0 : i32
        %dma_wait3A_848 = tpu.memref_slice %arg9[%dma_wait3A_846, %dma_wait3A_847] : memref<64x128xf32, #tpu.memory_space<vmem>> -> memref<8x128xf32, #tpu.memory_space<vmem>>
        %dma_wait3A_849 = arith.constant 0 : i32
        %dma_wait3A_850 = arith.constant 0 : i32
        %dma_wait3A_851 = tpu.memref_slice %arg4[%select_n3A_828, %dma_wait3A_845, %select_n3A_844, %dma_wait3A_849, %dma_wait3A_850] : memref<200x8x8x8x128xf32, #tpu.memory_space<hbm>> -> memref<1x1x1x8x128xf32, #tpu.memory_space<hbm>>
        %dma_wait3A_852 = tpu.memref_squeeze %dma_wait3A_851 : memref<1x1x1x8x128xf32, #tpu.memory_space<hbm>> -> memref<8x128xf32, #tpu.memory_space<hbm>>
        %dma_wait3A_853 = arith.constant 0 : i32
        %dma_wait3A_854 = arith.constant 0 : i32
        %dma_wait3A_855 = tpu.memref_slice %arg4[%select_n3A_828, %dma_wait3A_845, %select_n3A_844, %dma_wait3A_853, %dma_wait3A_854] : memref<200x8x8x8x128xf32, #tpu.memory_space<hbm>> -> memref<1x1x1x8x128xf32, #tpu.memory_space<hbm>>
        %dma_wait3A_856 = tpu.memref_squeeze %dma_wait3A_855 : memref<1x1x1x8x128xf32, #tpu.memory_space<hbm>> -> memref<8x128xf32, #tpu.memory_space<hbm>>
        %dma_wait3A_857 = arith.constant 0 : i32
        %dma_wait3A_858 = arith.constant 0 : i32
        %dma_wait3A_859 = tpu.memref_slice %arg9[%dma_wait3A_857, %dma_wait3A_858] : memref<64x128xf32, #tpu.memory_space<vmem>> -> memref<8x128xf32, #tpu.memory_space<vmem>>
        tpu.wait_dma2 semaphore(%arg11 : memref<!tpu.dma_semaphore, #tpu.memory_space<semaphore_mem>>) src(%dma_wait3A_859 : memref<8x128xf32, #tpu.memory_space<vmem>>) dst(%dma_wait3A_856 : memref<8x128xf32, #tpu.memory_space<hbm>>)
        %dma_wait3A_860 = arith.constant 1 : i32
        %dma_wait3A_861 = arith.constant 8 : i32
        %dma_wait3A_862 = arith.constant 0 : i32
        %dma_wait3A_863 = tpu.memref_slice %arg9[%dma_wait3A_861, %dma_wait3A_862] : memref<64x128xf32, #tpu.memory_space<vmem>> -> memref<8x128xf32, #tpu.memory_space<vmem>>
        %dma_wait3A_864 = arith.constant 0 : i32
        %dma_wait3A_865 = arith.constant 0 : i32
        %dma_wait3A_866 = tpu.memref_slice %arg4[%select_n3A_828, %dma_wait3A_860, %select_n3A_844, %dma_wait3A_864, %dma_wait3A_865] : memref<200x8x8x8x128xf32, #tpu.memory_space<hbm>> -> memref<1x1x1x8x128xf32, #tpu.memory_space<hbm>>
        %dma_wait3A_867 = tpu.memref_squeeze %dma_wait3A_866 : memref<1x1x1x8x128xf32, #tpu.memory_space<hbm>> -> memref<8x128xf32, #tpu.memory_space<hbm>>
        %dma_wait3A_868 = arith.constant 0 : i32
        %dma_wait3A_869 = arith.constant 0 : i32
        %dma_wait3A_870 = tpu.memref_slice %arg4[%select_n3A_828, %dma_wait3A_860, %select_n3A_844, %dma_wait3A_868, %dma_wait3A_869] : memref<200x8x8x8x128xf32, #tpu.memory_space<hbm>> -> memref<1x1x1x8x128xf32, #tpu.memory_space<hbm>>
        %dma_wait3A_871 = tpu.memref_squeeze %dma_wait3A_870 : memref<1x1x1x8x128xf32, #tpu.memory_space<hbm>> -> memref<8x128xf32, #tpu.memory_space<hbm>>
        %dma_wait3A_872 = arith.constant 8 : i32
        %dma_wait3A_873 = arith.constant 0 : i32
        %dma_wait3A_874 = tpu.memref_slice %arg9[%dma_wait3A_872, %dma_wait3A_873] : memref<64x128xf32, #tpu.memory_space<vmem>> -> memref<8x128xf32, #tpu.memory_space<vmem>>
        tpu.wait_dma2 semaphore(%arg11 : memref<!tpu.dma_semaphore, #tpu.memory_space<semaphore_mem>>) src(%dma_wait3A_874 : memref<8x128xf32, #tpu.memory_space<vmem>>) dst(%dma_wait3A_871 : memref<8x128xf32, #tpu.memory_space<hbm>>)
        %dma_wait3A_875 = arith.constant 2 : i32
        %dma_wait3A_876 = arith.constant 16 : i32
        %dma_wait3A_877 = arith.constant 0 : i32
        %dma_wait3A_878 = tpu.memref_slice %arg9[%dma_wait3A_876, %dma_wait3A_877] : memref<64x128xf32, #tpu.memory_space<vmem>> -> memref<8x128xf32, #tpu.memory_space<vmem>>
        %dma_wait3A_879 = arith.constant 0 : i32
        %dma_wait3A_880 = arith.constant 0 : i32
        %dma_wait3A_881 = tpu.memref_slice %arg4[%select_n3A_828, %dma_wait3A_875, %select_n3A_844, %dma_wait3A_879, %dma_wait3A_880] : memref<200x8x8x8x128xf32, #tpu.memory_space<hbm>> -> memref<1x1x1x8x128xf32, #tpu.memory_space<hbm>>
        %dma_wait3A_882 = tpu.memref_squeeze %dma_wait3A_881 : memref<1x1x1x8x128xf32, #tpu.memory_space<hbm>> -> memref<8x128xf32, #tpu.memory_space<hbm>>
        %dma_wait3A_883 = arith.constant 0 : i32
        %dma_wait3A_884 = arith.constant 0 : i32
        %dma_wait3A_885 = tpu.memref_slice %arg4[%select_n3A_828, %dma_wait3A_875, %select_n3A_844, %dma_wait3A_883, %dma_wait3A_884] : memref<200x8x8x8x128xf32, #tpu.memory_space<hbm>> -> memref<1x1x1x8x128xf32, #tpu.memory_space<hbm>>
        %dma_wait3A_886 = tpu.memref_squeeze %dma_wait3A_885 : memref<1x1x1x8x128xf32, #tpu.memory_space<hbm>> -> memref<8x128xf32, #tpu.memory_space<hbm>>
        %dma_wait3A_887 = arith.constant 16 : i32
        %dma_wait3A_888 = arith.constant 0 : i32
        %dma_wait3A_889 = tpu.memref_slice %arg9[%dma_wait3A_887, %dma_wait3A_888] : memref<64x128xf32, #tpu.memory_space<vmem>> -> memref<8x128xf32, #tpu.memory_space<vmem>>
        tpu.wait_dma2 semaphore(%arg11 : memref<!tpu.dma_semaphore, #tpu.memory_space<semaphore_mem>>) src(%dma_wait3A_889 : memref<8x128xf32, #tpu.memory_space<vmem>>) dst(%dma_wait3A_886 : memref<8x128xf32, #tpu.memory_space<hbm>>)
        %dma_wait3A_890 = arith.constant 3 : i32
        %dma_wait3A_891 = arith.constant 24 : i32
        %dma_wait3A_892 = arith.constant 0 : i32
        %dma_wait3A_893 = tpu.memref_slice %arg9[%dma_wait3A_891, %dma_wait3A_892] : memref<64x128xf32, #tpu.memory_space<vmem>> -> memref<8x128xf32, #tpu.memory_space<vmem>>
        %dma_wait3A_894 = arith.constant 0 : i32
        %dma_wait3A_895 = arith.constant 0 : i32
        %dma_wait3A_896 = tpu.memref_slice %arg4[%select_n3A_828, %dma_wait3A_890, %select_n3A_844, %dma_wait3A_894, %dma_wait3A_895] : memref<200x8x8x8x128xf32, #tpu.memory_space<hbm>> -> memref<1x1x1x8x128xf32, #tpu.memory_space<hbm>>
        %dma_wait3A_897 = tpu.memref_squeeze %dma_wait3A_896 : memref<1x1x1x8x128xf32, #tpu.memory_space<hbm>> -> memref<8x128xf32, #tpu.memory_space<hbm>>
        %dma_wait3A_898 = arith.constant 0 : i32
        %dma_wait3A_899 = arith.constant 0 : i32
        %dma_wait3A_900 = tpu.memref_slice %arg4[%select_n3A_828, %dma_wait3A_890, %select_n3A_844, %dma_wait3A_898, %dma_wait3A_899] : memref<200x8x8x8x128xf32, #tpu.memory_space<hbm>> -> memref<1x1x1x8x128xf32, #tpu.memory_space<hbm>>
        %dma_wait3A_901 = tpu.memref_squeeze %dma_wait3A_900 : memref<1x1x1x8x128xf32, #tpu.memory_space<hbm>> -> memref<8x128xf32, #tpu.memory_space<hbm>>
        %dma_wait3A_902 = arith.constant 24 : i32
        %dma_wait3A_903 = arith.constant 0 : i32
        %dma_wait3A_904 = tpu.memref_slice %arg9[%dma_wait3A_902, %dma_wait3A_903] : memref<64x128xf32, #tpu.memory_space<vmem>> -> memref<8x128xf32, #tpu.memory_space<vmem>>
        tpu.wait_dma2 semaphore(%arg11 : memref<!tpu.dma_semaphore, #tpu.memory_space<semaphore_mem>>) src(%dma_wait3A_904 : memref<8x128xf32, #tpu.memory_space<vmem>>) dst(%dma_wait3A_901 : memref<8x128xf32, #tpu.memory_space<hbm>>)
        %dma_wait3A_905 = arith.constant 4 : i32
        %dma_wait3A_906 = arith.constant 32 : i32
        %dma_wait3A_907 = arith.constant 0 : i32
        %dma_wait3A_908 = tpu.memref_slice %arg9[%dma_wait3A_906, %dma_wait3A_907] : memref<64x128xf32, #tpu.memory_space<vmem>> -> memref<8x128xf32, #tpu.memory_space<vmem>>
        %dma_wait3A_909 = arith.constant 0 : i32
        %dma_wait3A_910 = arith.constant 0 : i32
        %dma_wait3A_911 = tpu.memref_slice %arg4[%select_n3A_828, %dma_wait3A_905, %select_n3A_844, %dma_wait3A_909, %dma_wait3A_910] : memref<200x8x8x8x128xf32, #tpu.memory_space<hbm>> -> memref<1x1x1x8x128xf32, #tpu.memory_space<hbm>>
        %dma_wait3A_912 = tpu.memref_squeeze %dma_wait3A_911 : memref<1x1x1x8x128xf32, #tpu.memory_space<hbm>> -> memref<8x128xf32, #tpu.memory_space<hbm>>
        %dma_wait3A_913 = arith.constant 0 : i32
        %dma_wait3A_914 = arith.constant 0 : i32
        %dma_wait3A_915 = tpu.memref_slice %arg4[%select_n3A_828, %dma_wait3A_905, %select_n3A_844, %dma_wait3A_913, %dma_wait3A_914] : memref<200x8x8x8x128xf32, #tpu.memory_space<hbm>> -> memref<1x1x1x8x128xf32, #tpu.memory_space<hbm>>
        %dma_wait3A_916 = tpu.memref_squeeze %dma_wait3A_915 : memref<1x1x1x8x128xf32, #tpu.memory_space<hbm>> -> memref<8x128xf32, #tpu.memory_space<hbm>>
        %dma_wait3A_917 = arith.constant 32 : i32
        %dma_wait3A_918 = arith.constant 0 : i32
        %dma_wait3A_919 = tpu.memref_slice %arg9[%dma_wait3A_917, %dma_wait3A_918] : memref<64x128xf32, #tpu.memory_space<vmem>> -> memref<8x128xf32, #tpu.memory_space<vmem>>
        tpu.wait_dma2 semaphore(%arg11 : memref<!tpu.dma_semaphore, #tpu.memory_space<semaphore_mem>>) src(%dma_wait3A_919 : memref<8x128xf32, #tpu.memory_space<vmem>>) dst(%dma_wait3A_916 : memref<8x128xf32, #tpu.memory_space<hbm>>)
        %dma_wait3A_920 = arith.constant 5 : i32
        %dma_wait3A_921 = arith.constant 40 : i32
        %dma_wait3A_922 = arith.constant 0 : i32
        %dma_wait3A_923 = tpu.memref_slice %arg9[%dma_wait3A_921, %dma_wait3A_922] : memref<64x128xf32, #tpu.memory_space<vmem>> -> memref<8x128xf32, #tpu.memory_space<vmem>>
        %dma_wait3A_924 = arith.constant 0 : i32
        %dma_wait3A_925 = arith.constant 0 : i32
        %dma_wait3A_926 = tpu.memref_slice %arg4[%select_n3A_828, %dma_wait3A_920, %select_n3A_844, %dma_wait3A_924, %dma_wait3A_925] : memref<200x8x8x8x128xf32, #tpu.memory_space<hbm>> -> memref<1x1x1x8x128xf32, #tpu.memory_space<hbm>>
        %dma_wait3A_927 = tpu.memref_squeeze %dma_wait3A_926 : memref<1x1x1x8x128xf32, #tpu.memory_space<hbm>> -> memref<8x128xf32, #tpu.memory_space<hbm>>
        %dma_wait3A_928 = arith.constant 0 : i32
        %dma_wait3A_929 = arith.constant 0 : i32
        %dma_wait3A_930 = tpu.memref_slice %arg4[%select_n3A_828, %dma_wait3A_920, %select_n3A_844, %dma_wait3A_928, %dma_wait3A_929] : memref<200x8x8x8x128xf32, #tpu.memory_space<hbm>> -> memref<1x1x1x8x128xf32, #tpu.memory_space<hbm>>
        %dma_wait3A_931 = tpu.memref_squeeze %dma_wait3A_930 : memref<1x1x1x8x128xf32, #tpu.memory_space<hbm>> -> memref<8x128xf32, #tpu.memory_space<hbm>>
        %dma_wait3A_932 = arith.constant 40 : i32
        %dma_wait3A_933 = arith.constant 0 : i32
        %dma_wait3A_934 = tpu.memref_slice %arg9[%dma_wait3A_932, %dma_wait3A_933] : memref<64x128xf32, #tpu.memory_space<vmem>> -> memref<8x128xf32, #tpu.memory_space<vmem>>
        tpu.wait_dma2 semaphore(%arg11 : memref<!tpu.dma_semaphore, #tpu.memory_space<semaphore_mem>>) src(%dma_wait3A_934 : memref<8x128xf32, #tpu.memory_space<vmem>>) dst(%dma_wait3A_931 : memref<8x128xf32, #tpu.memory_space<hbm>>)
        %dma_wait3A_935 = arith.constant 6 : i32
        %dma_wait3A_936 = arith.constant 48 : i32
        %dma_wait3A_937 = arith.constant 0 : i32
        %dma_wait3A_938 = tpu.memref_slice %arg9[%dma_wait3A_936, %dma_wait3A_937] : memref<64x128xf32, #tpu.memory_space<vmem>> -> memref<8x128xf32, #tpu.memory_space<vmem>>
        %dma_wait3A_939 = arith.constant 0 : i32
        %dma_wait3A_940 = arith.constant 0 : i32
        %dma_wait3A_941 = tpu.memref_slice %arg4[%select_n3A_828, %dma_wait3A_935, %select_n3A_844, %dma_wait3A_939, %dma_wait3A_940] : memref<200x8x8x8x128xf32, #tpu.memory_space<hbm>> -> memref<1x1x1x8x128xf32, #tpu.memory_space<hbm>>
        %dma_wait3A_942 = tpu.memref_squeeze %dma_wait3A_941 : memref<1x1x1x8x128xf32, #tpu.memory_space<hbm>> -> memref<8x128xf32, #tpu.memory_space<hbm>>
        %dma_wait3A_943 = arith.constant 0 : i32
        %dma_wait3A_944 = arith.constant 0 : i32
        %dma_wait3A_945 = tpu.memref_slice %arg4[%select_n3A_828, %dma_wait3A_935, %select_n3A_844, %dma_wait3A_943, %dma_wait3A_944] : memref<200x8x8x8x128xf32, #tpu.memory_space<hbm>> -> memref<1x1x1x8x128xf32, #tpu.memory_space<hbm>>
        %dma_wait3A_946 = tpu.memref_squeeze %dma_wait3A_945 : memref<1x1x1x8x128xf32, #tpu.memory_space<hbm>> -> memref<8x128xf32, #tpu.memory_space<hbm>>
        %dma_wait3A_947 = arith.constant 48 : i32
        %dma_wait3A_948 = arith.constant 0 : i32
        %dma_wait3A_949 = tpu.memref_slice %arg9[%dma_wait3A_947, %dma_wait3A_948] : memref<64x128xf32, #tpu.memory_space<vmem>> -> memref<8x128xf32, #tpu.memory_space<vmem>>
        tpu.wait_dma2 semaphore(%arg11 : memref<!tpu.dma_semaphore, #tpu.memory_space<semaphore_mem>>) src(%dma_wait3A_949 : memref<8x128xf32, #tpu.memory_space<vmem>>) dst(%dma_wait3A_946 : memref<8x128xf32, #tpu.memory_space<hbm>>)
        %dma_wait3A_950 = arith.constant 7 : i32
        %dma_wait3A_951 = arith.constant 56 : i32
        %dma_wait3A_952 = arith.constant 0 : i32
        %dma_wait3A_953 = tpu.memref_slice %arg9[%dma_wait3A_951, %dma_wait3A_952] : memref<64x128xf32, #tpu.memory_space<vmem>> -> memref<8x128xf32, #tpu.memory_space<vmem>>
        %dma_wait3A_954 = arith.constant 0 : i32
        %dma_wait3A_955 = arith.constant 0 : i32
        %dma_wait3A_956 = tpu.memref_slice %arg4[%select_n3A_828, %dma_wait3A_950, %select_n3A_844, %dma_wait3A_954, %dma_wait3A_955] : memref<200x8x8x8x128xf32, #tpu.memory_space<hbm>> -> memref<1x1x1x8x128xf32, #tpu.memory_space<hbm>>
        %dma_wait3A_957 = tpu.memref_squeeze %dma_wait3A_956 : memref<1x1x1x8x128xf32, #tpu.memory_space<hbm>> -> memref<8x128xf32, #tpu.memory_space<hbm>>
        %dma_wait3A_958 = arith.constant 0 : i32
        %dma_wait3A_959 = arith.constant 0 : i32
        %dma_wait3A_960 = tpu.memref_slice %arg4[%select_n3A_828, %dma_wait3A_950, %select_n3A_844, %dma_wait3A_958, %dma_wait3A_959] : memref<200x8x8x8x128xf32, #tpu.memory_space<hbm>> -> memref<1x1x1x8x128xf32, #tpu.memory_space<hbm>>
        %dma_wait3A_961 = tpu.memref_squeeze %dma_wait3A_960 : memref<1x1x1x8x128xf32, #tpu.memory_space<hbm>> -> memref<8x128xf32, #tpu.memory_space<hbm>>
        %dma_wait3A_962 = arith.constant 56 : i32
        %dma_wait3A_963 = arith.constant 0 : i32
        %dma_wait3A_964 = tpu.memref_slice %arg9[%dma_wait3A_962, %dma_wait3A_963] : memref<64x128xf32, #tpu.memory_space<vmem>> -> memref<8x128xf32, #tpu.memory_space<vmem>>
        tpu.wait_dma2 semaphore(%arg11 : memref<!tpu.dma_semaphore, #tpu.memory_space<semaphore_mem>>) src(%dma_wait3A_964 : memref<8x128xf32, #tpu.memory_space<vmem>>) dst(%dma_wait3A_961 : memref<8x128xf32, #tpu.memory_space<hbm>>)
      } else {
      }
      %scan3A_635 = arith.constant 0 : i32
      %scan3A_636 = arith.constant 0 : i32
      %scan3A_637 = arith.constant 8 : i32
      %scan3A_638 = arith.addi %scan3A_636, %scan3A_637 : i32
      %scan3A_639 = arith.constant 1 : i32
      scf.for %scan3A_802 = %scan3A_636 to %scan3A_638 step %scan3A_639  : i32 {
        %mul3A_803 = arith.constant 16 : i32
        %mul3A_804 = arith.muli %scan3A_802, %mul3A_803 : i32
        %add3A_805 = vector.broadcast %mul3A_804 : i32 to vector<16xi32>
        %add3A_806 = arith.addi %add3A_805, %and3A_9 : vector<16xi32>
        %add3A_807 = vector.broadcast %mul3A_804 : i32 to vector<16xi32>
        %add3A_808 = arith.addi %add3A_807, %and3A_15 : vector<16xi32>
        %add3A_809 = vector.broadcast %mul3A_804 : i32 to vector<16xi32>
        %add3A_810 = arith.addi %add3A_809, %and3A_21 : vector<16xi32>
        %add3A_811 = vector.broadcast %mul3A_804 : i32 to vector<16xi32>
        %add3A_812 = arith.addi %add3A_811, %and3A_27 : vector<16xi32>
        %add3A_813 = vector.broadcast %mul3A_804 : i32 to vector<16xi32>
        %add3A_814 = arith.addi %add3A_813, %and3A_33 : vector<16xi32>
        %add3A_815 = vector.broadcast %mul3A_804 : i32 to vector<16xi32>
        %add3A_816 = arith.addi %add3A_815, %and3A_39 : vector<16xi32>
        %add3A_817 = vector.broadcast %mul3A_804 : i32 to vector<16xi32>
        %add3A_818 = arith.addi %add3A_817, %and3A_45 : vector<16xi32>
        %add3A_819 = vector.broadcast %mul3A_804 : i32 to vector<16xi32>
        %add3A_820 = arith.addi %add3A_819, %and3A_51 : vector<16xi32>
        %add3A_821 = vector.broadcast %mul3A_804 : i32 to vector<16xi32>
        %add3A_822 = arith.addi %add3A_821, %and3A_57 : vector<16xi32>
        %add3A_823 = vector.broadcast %mul3A_804 : i32 to vector<16xi32>
        %add3A_824 = arith.addi %add3A_823, %and3A_63 : vector<16xi32>
        %add3A_825 = vector.broadcast %mul3A_804 : i32 to vector<16xi32>
        %add3A_826 = arith.addi %add3A_825, %and3A_69 : vector<16xi32>
        %add3A_827 = vector.broadcast %mul3A_804 : i32 to vector<16xi32>
        %add3A_828 = arith.addi %add3A_827, %and3A_75 : vector<16xi32>
        %add3A_829 = vector.broadcast %mul3A_804 : i32 to vector<16xi32>
        %add3A_830 = arith.addi %add3A_829, %and3A_81 : vector<16xi32>
        %add3A_831 = vector.broadcast %mul3A_804 : i32 to vector<16xi32>
        %add3A_832 = arith.addi %add3A_831, %and3A_87 : vector<16xi32>
        %add3A_833 = vector.broadcast %mul3A_804 : i32 to vector<16xi32>
        %add3A_834 = arith.addi %add3A_833, %and3A_93 : vector<16xi32>
        %add3A_835 = vector.broadcast %mul3A_804 : i32 to vector<16xi32>
        %add3A_836 = arith.addi %add3A_835, %and3A_99 : vector<16xi32>
        %add3A_837 = arith.constant 0 : i32
        %add3A_838 = vector.broadcast %add3A_837 : i32 to vector<16xi32>
        %add3A_839 = arith.addi %add3A_838, %iota3A : vector<16xi32>
        %gather3A = tpu.vector_load_idx %arg7[%add3A_806, %add3A_839] : memref<128x64xf32, #tpu.memory_space<vmem>>[vector<16xi32>, vector<16xi32>], vector<16xf32>,
        %gather3A_840 = tpu.vector_load_idx %arg7[%add3A_808, %add3A_839] : memref<128x64xf32, #tpu.memory_space<vmem>>[vector<16xi32>, vector<16xi32>], vector<16xf32>,
        %gather3A_841 = tpu.vector_load_idx %arg7[%add3A_810, %add3A_839] : memref<128x64xf32, #tpu.memory_space<vmem>>[vector<16xi32>, vector<16xi32>], vector<16xf32>,
        %gather3A_842 = tpu.vector_load_idx %arg7[%add3A_812, %add3A_839] : memref<128x64xf32, #tpu.memory_space<vmem>>[vector<16xi32>, vector<16xi32>], vector<16xf32>,
        %gather3A_843 = tpu.vector_load_idx %arg7[%add3A_814, %add3A_839] : memref<128x64xf32, #tpu.memory_space<vmem>>[vector<16xi32>, vector<16xi32>], vector<16xf32>,
        %gather3A_844 = tpu.vector_load_idx %arg7[%add3A_816, %add3A_839] : memref<128x64xf32, #tpu.memory_space<vmem>>[vector<16xi32>, vector<16xi32>], vector<16xf32>,
        %gather3A_845 = tpu.vector_load_idx %arg7[%add3A_818, %add3A_839] : memref<128x64xf32, #tpu.memory_space<vmem>>[vector<16xi32>, vector<16xi32>], vector<16xf32>,
        %gather3A_846 = tpu.vector_load_idx %arg7[%add3A_820, %add3A_839] : memref<128x64xf32, #tpu.memory_space<vmem>>[vector<16xi32>, vector<16xi32>], vector<16xf32>,
        %gather3A_847 = tpu.vector_load_idx %arg7[%add3A_822, %add3A_839] : memref<128x64xf32, #tpu.memory_space<vmem>>[vector<16xi32>, vector<16xi32>], vector<16xf32>,
        %gather3A_848 = tpu.vector_load_idx %arg7[%add3A_824, %add3A_839] : memref<128x64xf32, #tpu.memory_space<vmem>>[vector<16xi32>, vector<16xi32>], vector<16xf32>,
        %gather3A_849 = tpu.vector_load_idx %arg7[%add3A_826, %add3A_839] : memref<128x64xf32, #tpu.memory_space<vmem>>[vector<16xi32>, vector<16xi32>], vector<16xf32>,
        %gather3A_850 = tpu.vector_load_idx %arg7[%add3A_828, %add3A_839] : memref<128x64xf32, #tpu.memory_space<vmem>>[vector<16xi32>, vector<16xi32>], vector<16xf32>,
        %gather3A_851 = tpu.vector_load_idx %arg7[%add3A_830, %add3A_839] : memref<128x64xf32, #tpu.memory_space<vmem>>[vector<16xi32>, vector<16xi32>], vector<16xf32>,
        %gather3A_852 = tpu.vector_load_idx %arg7[%add3A_832, %add3A_839] : memref<128x64xf32, #tpu.memory_space<vmem>>[vector<16xi32>, vector<16xi32>], vector<16xf32>,
        %gather3A_853 = tpu.vector_load_idx %arg7[%add3A_834, %add3A_839] : memref<128x64xf32, #tpu.memory_space<vmem>>[vector<16xi32>, vector<16xi32>], vector<16xf32>,
        %gather3A_854 = tpu.vector_load_idx %arg7[%add3A_836, %add3A_839] : memref<128x64xf32, #tpu.memory_space<vmem>>[vector<16xi32>, vector<16xi32>], vector<16xf32>,
        tpu.vector_store_idx %arg9[%add3A_839, %add3A_806], %gather3A : memref<64x128xf32, #tpu.memory_space<vmem>>[vector<16xi32>, vector<16xi32>], vector<16xf32>,
        tpu.vector_store_idx %arg9[%add3A_839, %add3A_808], %gather3A_840 : memref<64x128xf32, #tpu.memory_space<vmem>>[vector<16xi32>, vector<16xi32>], vector<16xf32>,
        tpu.vector_store_idx %arg9[%add3A_839, %add3A_810], %gather3A_841 : memref<64x128xf32, #tpu.memory_space<vmem>>[vector<16xi32>, vector<16xi32>], vector<16xf32>,
        tpu.vector_store_idx %arg9[%add3A_839, %add3A_812], %gather3A_842 : memref<64x128xf32, #tpu.memory_space<vmem>>[vector<16xi32>, vector<16xi32>], vector<16xf32>,
        tpu.vector_store_idx %arg9[%add3A_839, %add3A_814], %gather3A_843 : memref<64x128xf32, #tpu.memory_space<vmem>>[vector<16xi32>, vector<16xi32>], vector<16xf32>,
        tpu.vector_store_idx %arg9[%add3A_839, %add3A_816], %gather3A_844 : memref<64x128xf32, #tpu.memory_space<vmem>>[vector<16xi32>, vector<16xi32>], vector<16xf32>,
        tpu.vector_store_idx %arg9[%add3A_839, %add3A_818], %gather3A_845 : memref<64x128xf32, #tpu.memory_space<vmem>>[vector<16xi32>, vector<16xi32>], vector<16xf32>,
        tpu.vector_store_idx %arg9[%add3A_839, %add3A_820], %gather3A_846 : memref<64x128xf32, #tpu.memory_space<vmem>>[vector<16xi32>, vector<16xi32>], vector<16xf32>,
        tpu.vector_store_idx %arg9[%add3A_839, %add3A_822], %gather3A_847 : memref<64x128xf32, #tpu.memory_space<vmem>>[vector<16xi32>, vector<16xi32>], vector<16xf32>,
        tpu.vector_store_idx %arg9[%add3A_839, %add3A_824], %gather3A_848 : memref<64x128xf32, #tpu.memory_space<vmem>>[vector<16xi32>, vector<16xi32>], vector<16xf32>,
        tpu.vector_store_idx %arg9[%add3A_839, %add3A_826], %gather3A_849 : memref<64x128xf32, #tpu.memory_space<vmem>>[vector<16xi32>, vector<16xi32>], vector<16xf32>,
        tpu.vector_store_idx %arg9[%add3A_839, %add3A_828], %gather3A_850 : memref<64x128xf32, #tpu.memory_space<vmem>>[vector<16xi32>, vector<16xi32>], vector<16xf32>,
        tpu.vector_store_idx %arg9[%add3A_839, %add3A_830], %gather3A_851 : memref<64x128xf32, #tpu.memory_space<vmem>>[vector<16xi32>, vector<16xi32>], vector<16xf32>,
        tpu.vector_store_idx %arg9[%add3A_839, %add3A_832], %gather3A_852 : memref<64x128xf32, #tpu.memory_space<vmem>>[vector<16xi32>, vector<16xi32>], vector<16xf32>,
        tpu.vector_store_idx %arg9[%add3A_839, %add3A_834], %gather3A_853 : memref<64x128xf32, #tpu.memory_space<vmem>>[vector<16xi32>, vector<16xi32>], vector<16xf32>,
        tpu.vector_store_idx %arg9[%add3A_839, %add3A_836], %gather3A_854 : memref<64x128xf32, #tpu.memory_space<vmem>>[vector<16xi32>, vector<16xi32>], vector<16xf32>,
        %add3A_855 = arith.constant 16 : i32
        %add3A_856 = vector.broadcast %add3A_855 : i32 to vector<16xi32>
        %add3A_857 = arith.addi %add3A_856, %iota3A : vector<16xi32>
        %gather3A_858 = tpu.vector_load_idx %arg7[%add3A_806, %add3A_857] : memref<128x64xf32, #tpu.memory_space<vmem>>[vector<16xi32>, vector<16xi32>], vector<16xf32>,
        %gather3A_859 = tpu.vector_load_idx %arg7[%add3A_808, %add3A_857] : memref<128x64xf32, #tpu.memory_space<vmem>>[vector<16xi32>, vector<16xi32>], vector<16xf32>,
        %gather3A_860 = tpu.vector_load_idx %arg7[%add3A_810, %add3A_857] : memref<128x64xf32, #tpu.memory_space<vmem>>[vector<16xi32>, vector<16xi32>], vector<16xf32>,
        %gather3A_861 = tpu.vector_load_idx %arg7[%add3A_812, %add3A_857] : memref<128x64xf32, #tpu.memory_space<vmem>>[vector<16xi32>, vector<16xi32>], vector<16xf32>,
        %gather3A_862 = tpu.vector_load_idx %arg7[%add3A_814, %add3A_857] : memref<128x64xf32, #tpu.memory_space<vmem>>[vector<16xi32>, vector<16xi32>], vector<16xf32>,
        %gather3A_863 = tpu.vector_load_idx %arg7[%add3A_816, %add3A_857] : memref<128x64xf32, #tpu.memory_space<vmem>>[vector<16xi32>, vector<16xi32>], vector<16xf32>,
        %gather3A_864 = tpu.vector_load_idx %arg7[%add3A_818, %add3A_857] : memref<128x64xf32, #tpu.memory_space<vmem>>[vector<16xi32>, vector<16xi32>], vector<16xf32>,
        %gather3A_865 = tpu.vector_load_idx %arg7[%add3A_820, %add3A_857] : memref<128x64xf32, #tpu.memory_space<vmem>>[vector<16xi32>, vector<16xi32>], vector<16xf32>,
        %gather3A_866 = tpu.vector_load_idx %arg7[%add3A_822, %add3A_857] : memref<128x64xf32, #tpu.memory_space<vmem>>[vector<16xi32>, vector<16xi32>], vector<16xf32>,
        %gather3A_867 = tpu.vector_load_idx %arg7[%add3A_824, %add3A_857] : memref<128x64xf32, #tpu.memory_space<vmem>>[vector<16xi32>, vector<16xi32>], vector<16xf32>,
        %gather3A_868 = tpu.vector_load_idx %arg7[%add3A_826, %add3A_857] : memref<128x64xf32, #tpu.memory_space<vmem>>[vector<16xi32>, vector<16xi32>], vector<16xf32>,
        %gather3A_869 = tpu.vector_load_idx %arg7[%add3A_828, %add3A_857] : memref<128x64xf32, #tpu.memory_space<vmem>>[vector<16xi32>, vector<16xi32>], vector<16xf32>,
        %gather3A_870 = tpu.vector_load_idx %arg7[%add3A_830, %add3A_857] : memref<128x64xf32, #tpu.memory_space<vmem>>[vector<16xi32>, vector<16xi32>], vector<16xf32>,
        %gather3A_871 = tpu.vector_load_idx %arg7[%add3A_832, %add3A_857] : memref<128x64xf32, #tpu.memory_space<vmem>>[vector<16xi32>, vector<16xi32>], vector<16xf32>,
        %gather3A_872 = tpu.vector_load_idx %arg7[%add3A_834, %add3A_857] : memref<128x64xf32, #tpu.memory_space<vmem>>[vector<16xi32>, vector<16xi32>], vector<16xf32>,
        %gather3A_873 = tpu.vector_load_idx %arg7[%add3A_836, %add3A_857] : memref<128x64xf32, #tpu.memory_space<vmem>>[vector<16xi32>, vector<16xi32>], vector<16xf32>,
        tpu.vector_store_idx %arg9[%add3A_857, %add3A_806], %gather3A_858 : memref<64x128xf32, #tpu.memory_space<vmem>>[vector<16xi32>, vector<16xi32>], vector<16xf32>,
        tpu.vector_store_idx %arg9[%add3A_857, %add3A_808], %gather3A_859 : memref<64x128xf32, #tpu.memory_space<vmem>>[vector<16xi32>, vector<16xi32>], vector<16xf32>,
        tpu.vector_store_idx %arg9[%add3A_857, %add3A_810], %gather3A_860 : memref<64x128xf32, #tpu.memory_space<vmem>>[vector<16xi32>, vector<16xi32>], vector<16xf32>,
        tpu.vector_store_idx %arg9[%add3A_857, %add3A_812], %gather3A_861 : memref<64x128xf32, #tpu.memory_space<vmem>>[vector<16xi32>, vector<16xi32>], vector<16xf32>,
        tpu.vector_store_idx %arg9[%add3A_857, %add3A_814], %gather3A_862 : memref<64x128xf32, #tpu.memory_space<vmem>>[vector<16xi32>, vector<16xi32>], vector<16xf32>,
        tpu.vector_store_idx %arg9[%add3A_857, %add3A_816], %gather3A_863 : memref<64x128xf32, #tpu.memory_space<vmem>>[vector<16xi32>, vector<16xi32>], vector<16xf32>,
        tpu.vector_store_idx %arg9[%add3A_857, %add3A_818], %gather3A_864 : memref<64x128xf32, #tpu.memory_space<vmem>>[vector<16xi32>, vector<16xi32>], vector<16xf32>,
        tpu.vector_store_idx %arg9[%add3A_857, %add3A_820], %gather3A_865 : memref<64x128xf32, #tpu.memory_space<vmem>>[vector<16xi32>, vector<16xi32>], vector<16xf32>,
        tpu.vector_store_idx %arg9[%add3A_857, %add3A_822], %gather3A_866 : memref<64x128xf32, #tpu.memory_space<vmem>>[vector<16xi32>, vector<16xi32>], vector<16xf32>,
        tpu.vector_store_idx %arg9[%add3A_857, %add3A_824], %gather3A_867 : memref<64x128xf32, #tpu.memory_space<vmem>>[vector<16xi32>, vector<16xi32>], vector<16xf32>,
        tpu.vector_store_idx %arg9[%add3A_857, %add3A_826], %gather3A_868 : memref<64x128xf32, #tpu.memory_space<vmem>>[vector<16xi32>, vector<16xi32>], vector<16xf32>,
        tpu.vector_store_idx %arg9[%add3A_857, %add3A_828], %gather3A_869 : memref<64x128xf32, #tpu.memory_space<vmem>>[vector<16xi32>, vector<16xi32>], vector<16xf32>,
        tpu.vector_store_idx %arg9[%add3A_857, %add3A_830], %gather3A_870 : memref<64x128xf32, #tpu.memory_space<vmem>>[vector<16xi32>, vector<16xi32>], vector<16xf32>,
        tpu.vector_store_idx %arg9[%add3A_857, %add3A_832], %gather3A_871 : memref<64x128xf32, #tpu.memory_space<vmem>>[vector<16xi32>, vector<16xi32>], vector<16xf32>,
        tpu.vector_store_idx %arg9[%add3A_857, %add3A_834], %gather3A_872 : memref<64x128xf32, #tpu.memory_space<vmem>>[vector<16xi32>, vector<16xi32>], vector<16xf32>,
        tpu.vector_store_idx %arg9[%add3A_857, %add3A_836], %gather3A_873 : memref<64x128xf32, #tpu.memory_space<vmem>>[vector<16xi32>, vector<16xi32>], vector<16xf32>,
        %add3A_874 = arith.constant 32 : i32
        %add3A_875 = vector.broadcast %add3A_874 : i32 to vector<16xi32>
        %add3A_876 = arith.addi %add3A_875, %iota3A : vector<16xi32>
        %gather3A_877 = tpu.vector_load_idx %arg7[%add3A_806, %add3A_876] : memref<128x64xf32, #tpu.memory_space<vmem>>[vector<16xi32>, vector<16xi32>], vector<16xf32>,
        %gather3A_878 = tpu.vector_load_idx %arg7[%add3A_808, %add3A_876] : memref<128x64xf32, #tpu.memory_space<vmem>>[vector<16xi32>, vector<16xi32>], vector<16xf32>,
        %gather3A_879 = tpu.vector_load_idx %arg7[%add3A_810, %add3A_876] : memref<128x64xf32, #tpu.memory_space<vmem>>[vector<16xi32>, vector<16xi32>], vector<16xf32>,
        %gather3A_880 = tpu.vector_load_idx %arg7[%add3A_812, %add3A_876] : memref<128x64xf32, #tpu.memory_space<vmem>>[vector<16xi32>, vector<16xi32>], vector<16xf32>,
        %gather3A_881 = tpu.vector_load_idx %arg7[%add3A_814, %add3A_876] : memref<128x64xf32, #tpu.memory_space<vmem>>[vector<16xi32>, vector<16xi32>], vector<16xf32>,
        %gather3A_882 = tpu.vector_load_idx %arg7[%add3A_816, %add3A_876] : memref<128x64xf32, #tpu.memory_space<vmem>>[vector<16xi32>, vector<16xi32>], vector<16xf32>,
        %gather3A_883 = tpu.vector_load_idx %arg7[%add3A_818, %add3A_876] : memref<128x64xf32, #tpu.memory_space<vmem>>[vector<16xi32>, vector<16xi32>], vector<16xf32>,
        %gather3A_884 = tpu.vector_load_idx %arg7[%add3A_820, %add3A_876] : memref<128x64xf32, #tpu.memory_space<vmem>>[vector<16xi32>, vector<16xi32>], vector<16xf32>,
        %gather3A_885 = tpu.vector_load_idx %arg7[%add3A_822, %add3A_876] : memref<128x64xf32, #tpu.memory_space<vmem>>[vector<16xi32>, vector<16xi32>], vector<16xf32>,
        %gather3A_886 = tpu.vector_load_idx %arg7[%add3A_824, %add3A_876] : memref<128x64xf32, #tpu.memory_space<vmem>>[vector<16xi32>, vector<16xi32>], vector<16xf32>,
        %gather3A_887 = tpu.vector_load_idx %arg7[%add3A_826, %add3A_876] : memref<128x64xf32, #tpu.memory_space<vmem>>[vector<16xi32>, vector<16xi32>], vector<16xf32>,
        %gather3A_888 = tpu.vector_load_idx %arg7[%add3A_828, %add3A_876] : memref<128x64xf32, #tpu.memory_space<vmem>>[vector<16xi32>, vector<16xi32>], vector<16xf32>,
        %gather3A_889 = tpu.vector_load_idx %arg7[%add3A_830, %add3A_876] : memref<128x64xf32, #tpu.memory_space<vmem>>[vector<16xi32>, vector<16xi32>], vector<16xf32>,
        %gather3A_890 = tpu.vector_load_idx %arg7[%add3A_832, %add3A_876] : memref<128x64xf32, #tpu.memory_space<vmem>>[vector<16xi32>, vector<16xi32>], vector<16xf32>,
        %gather3A_891 = tpu.vector_load_idx %arg7[%add3A_834, %add3A_876] : memref<128x64xf32, #tpu.memory_space<vmem>>[vector<16xi32>, vector<16xi32>], vector<16xf32>,
        %gather3A_892 = tpu.vector_load_idx %arg7[%add3A_836, %add3A_876] : memref<128x64xf32, #tpu.memory_space<vmem>>[vector<16xi32>, vector<16xi32>], vector<16xf32>,
        tpu.vector_store_idx %arg9[%add3A_876, %add3A_806], %gather3A_877 : memref<64x128xf32, #tpu.memory_space<vmem>>[vector<16xi32>, vector<16xi32>], vector<16xf32>,
        tpu.vector_store_idx %arg9[%add3A_876, %add3A_808], %gather3A_878 : memref<64x128xf32, #tpu.memory_space<vmem>>[vector<16xi32>, vector<16xi32>], vector<16xf32>,
        tpu.vector_store_idx %arg9[%add3A_876, %add3A_810], %gather3A_879 : memref<64x128xf32, #tpu.memory_space<vmem>>[vector<16xi32>, vector<16xi32>], vector<16xf32>,
        tpu.vector_store_idx %arg9[%add3A_876, %add3A_812], %gather3A_880 : memref<64x128xf32, #tpu.memory_space<vmem>>[vector<16xi32>, vector<16xi32>], vector<16xf32>,
        tpu.vector_store_idx %arg9[%add3A_876, %add3A_814], %gather3A_881 : memref<64x128xf32, #tpu.memory_space<vmem>>[vector<16xi32>, vector<16xi32>], vector<16xf32>,
        tpu.vector_store_idx %arg9[%add3A_876, %add3A_816], %gather3A_882 : memref<64x128xf32, #tpu.memory_space<vmem>>[vector<16xi32>, vector<16xi32>], vector<16xf32>,
        tpu.vector_store_idx %arg9[%add3A_876, %add3A_818], %gather3A_883 : memref<64x128xf32, #tpu.memory_space<vmem>>[vector<16xi32>, vector<16xi32>], vector<16xf32>,
        tpu.vector_store_idx %arg9[%add3A_876, %add3A_820], %gather3A_884 : memref<64x128xf32, #tpu.memory_space<vmem>>[vector<16xi32>, vector<16xi32>], vector<16xf32>,
        tpu.vector_store_idx %arg9[%add3A_876, %add3A_822], %gather3A_885 : memref<64x128xf32, #tpu.memory_space<vmem>>[vector<16xi32>, vector<16xi32>], vector<16xf32>,
        tpu.vector_store_idx %arg9[%add3A_876, %add3A_824], %gather3A_886 : memref<64x128xf32, #tpu.memory_space<vmem>>[vector<16xi32>, vector<16xi32>], vector<16xf32>,
        tpu.vector_store_idx %arg9[%add3A_876, %add3A_826], %gather3A_887 : memref<64x128xf32, #tpu.memory_space<vmem>>[vector<16xi32>, vector<16xi32>], vector<16xf32>,
        tpu.vector_store_idx %arg9[%add3A_876, %add3A_828], %gather3A_888 : memref<64x128xf32, #tpu.memory_space<vmem>>[vector<16xi32>, vector<16xi32>], vector<16xf32>,
        tpu.vector_store_idx %arg9[%add3A_876, %add3A_830], %gather3A_889 : memref<64x128xf32, #tpu.memory_space<vmem>>[vector<16xi32>, vector<16xi32>], vector<16xf32>,
        tpu.vector_store_idx %arg9[%add3A_876, %add3A_832], %gather3A_890 : memref<64x128xf32, #tpu.memory_space<vmem>>[vector<16xi32>, vector<16xi32>], vector<16xf32>,
        tpu.vector_store_idx %arg9[%add3A_876, %add3A_834], %gather3A_891 : memref<64x128xf32, #tpu.memory_space<vmem>>[vector<16xi32>, vector<16xi32>], vector<16xf32>,
        tpu.vector_store_idx %arg9[%add3A_876, %add3A_836], %gather3A_892 : memref<64x128xf32, #tpu.memory_space<vmem>>[vector<16xi32>, vector<16xi32>], vector<16xf32>,
        %add3A_893 = arith.constant 48 : i32
        %add3A_894 = vector.broadcast %add3A_893 : i32 to vector<16xi32>
        %add3A_895 = arith.addi %add3A_894, %iota3A : vector<16xi32>
        %gather3A_896 = tpu.vector_load_idx %arg7[%add3A_806, %add3A_895] : memref<128x64xf32, #tpu.memory_space<vmem>>[vector<16xi32>, vector<16xi32>], vector<16xf32>,
        %gather3A_897 = tpu.vector_load_idx %arg7[%add3A_808, %add3A_895] : memref<128x64xf32, #tpu.memory_space<vmem>>[vector<16xi32>, vector<16xi32>], vector<16xf32>,
        %gather3A_898 = tpu.vector_load_idx %arg7[%add3A_810, %add3A_895] : memref<128x64xf32, #tpu.memory_space<vmem>>[vector<16xi32>, vector<16xi32>], vector<16xf32>,
        %gather3A_899 = tpu.vector_load_idx %arg7[%add3A_812, %add3A_895] : memref<128x64xf32, #tpu.memory_space<vmem>>[vector<16xi32>, vector<16xi32>], vector<16xf32>,
        %gather3A_900 = tpu.vector_load_idx %arg7[%add3A_814, %add3A_895] : memref<128x64xf32, #tpu.memory_space<vmem>>[vector<16xi32>, vector<16xi32>], vector<16xf32>,
        %gather3A_901 = tpu.vector_load_idx %arg7[%add3A_816, %add3A_895] : memref<128x64xf32, #tpu.memory_space<vmem>>[vector<16xi32>, vector<16xi32>], vector<16xf32>,
        %gather3A_902 = tpu.vector_load_idx %arg7[%add3A_818, %add3A_895] : memref<128x64xf32, #tpu.memory_space<vmem>>[vector<16xi32>, vector<16xi32>], vector<16xf32>,
        %gather3A_903 = tpu.vector_load_idx %arg7[%add3A_820, %add3A_895] : memref<128x64xf32, #tpu.memory_space<vmem>>[vector<16xi32>, vector<16xi32>], vector<16xf32>,
        %gather3A_904 = tpu.vector_load_idx %arg7[%add3A_822, %add3A_895] : memref<128x64xf32, #tpu.memory_space<vmem>>[vector<16xi32>, vector<16xi32>], vector<16xf32>,
        %gather3A_905 = tpu.vector_load_idx %arg7[%add3A_824, %add3A_895] : memref<128x64xf32, #tpu.memory_space<vmem>>[vector<16xi32>, vector<16xi32>], vector<16xf32>,
        %gather3A_906 = tpu.vector_load_idx %arg7[%add3A_826, %add3A_895] : memref<128x64xf32, #tpu.memory_space<vmem>>[vector<16xi32>, vector<16xi32>], vector<16xf32>,
        %gather3A_907 = tpu.vector_load_idx %arg7[%add3A_828, %add3A_895] : memref<128x64xf32, #tpu.memory_space<vmem>>[vector<16xi32>, vector<16xi32>], vector<16xf32>,
        %gather3A_908 = tpu.vector_load_idx %arg7[%add3A_830, %add3A_895] : memref<128x64xf32, #tpu.memory_space<vmem>>[vector<16xi32>, vector<16xi32>], vector<16xf32>,
        %gather3A_909 = tpu.vector_load_idx %arg7[%add3A_832, %add3A_895] : memref<128x64xf32, #tpu.memory_space<vmem>>[vector<16xi32>, vector<16xi32>], vector<16xf32>,
        %gather3A_910 = tpu.vector_load_idx %arg7[%add3A_834, %add3A_895] : memref<128x64xf32, #tpu.memory_space<vmem>>[vector<16xi32>, vector<16xi32>], vector<16xf32>,
        %gather3A_911 = tpu.vector_load_idx %arg7[%add3A_836, %add3A_895] : memref<128x64xf32, #tpu.memory_space<vmem>>[vector<16xi32>, vector<16xi32>], vector<16xf32>,
        tpu.vector_store_idx %arg9[%add3A_895, %add3A_806], %gather3A_896 : memref<64x128xf32, #tpu.memory_space<vmem>>[vector<16xi32>, vector<16xi32>], vector<16xf32>,
        tpu.vector_store_idx %arg9[%add3A_895, %add3A_808], %gather3A_897 : memref<64x128xf32, #tpu.memory_space<vmem>>[vector<16xi32>, vector<16xi32>], vector<16xf32>,
        tpu.vector_store_idx %arg9[%add3A_895, %add3A_810], %gather3A_898 : memref<64x128xf32, #tpu.memory_space<vmem>>[vector<16xi32>, vector<16xi32>], vector<16xf32>,
        tpu.vector_store_idx %arg9[%add3A_895, %add3A_812], %gather3A_899 : memref<64x128xf32, #tpu.memory_space<vmem>>[vector<16xi32>, vector<16xi32>], vector<16xf32>,
        tpu.vector_store_idx %arg9[%add3A_895, %add3A_814], %gather3A_900 : memref<64x128xf32, #tpu.memory_space<vmem>>[vector<16xi32>, vector<16xi32>], vector<16xf32>,
        tpu.vector_store_idx %arg9[%add3A_895, %add3A_816], %gather3A_901 : memref<64x128xf32, #tpu.memory_space<vmem>>[vector<16xi32>, vector<16xi32>], vector<16xf32>,
        tpu.vector_store_idx %arg9[%add3A_895, %add3A_818], %gather3A_902 : memref<64x128xf32, #tpu.memory_space<vmem>>[vector<16xi32>, vector<16xi32>], vector<16xf32>,
        tpu.vector_store_idx %arg9[%add3A_895, %add3A_820], %gather3A_903 : memref<64x128xf32, #tpu.memory_space<vmem>>[vector<16xi32>, vector<16xi32>], vector<16xf32>,
        tpu.vector_store_idx %arg9[%add3A_895, %add3A_822], %gather3A_904 : memref<64x128xf32, #tpu.memory_space<vmem>>[vector<16xi32>, vector<16xi32>], vector<16xf32>,
        tpu.vector_store_idx %arg9[%add3A_895, %add3A_824], %gather3A_905 : memref<64x128xf32, #tpu.memory_space<vmem>>[vector<16xi32>, vector<16xi32>], vector<16xf32>,
        tpu.vector_store_idx %arg9[%add3A_895, %add3A_826], %gather3A_906 : memref<64x128xf32, #tpu.memory_space<vmem>>[vector<16xi32>, vector<16xi32>], vector<16xf32>,
        tpu.vector_store_idx %arg9[%add3A_895, %add3A_828], %gather3A_907 : memref<64x128xf32, #tpu.memory_space<vmem>>[vector<16xi32>, vector<16xi32>], vector<16xf32>,
        tpu.vector_store_idx %arg9[%add3A_895, %add3A_830], %gather3A_908 : memref<64x128xf32, #tpu.memory_space<vmem>>[vector<16xi32>, vector<16xi32>], vector<16xf32>,
        tpu.vector_store_idx %arg9[%add3A_895, %add3A_832], %gather3A_909 : memref<64x128xf32, #tpu.memory_space<vmem>>[vector<16xi32>, vector<16xi32>], vector<16xf32>,
        tpu.vector_store_idx %arg9[%add3A_895, %add3A_834], %gather3A_910 : memref<64x128xf32, #tpu.memory_space<vmem>>[vector<16xi32>, vector<16xi32>], vector<16xf32>,
        tpu.vector_store_idx %arg9[%add3A_895, %add3A_836], %gather3A_911 : memref<64x128xf32, #tpu.memory_space<vmem>>[vector<16xi32>, vector<16xi32>], vector<16xf32>,
      }
      %scan3A_640 = arith.constant 8 : i32
      %add3A_641 = arith.addi %mul3A_4, %add3A_616 : i32
      %jit3A_642 = arith.constant 8 : i32
      %div3A_643 = arith.divsi %add3A_641, %jit3A_642 : i32
      %sign3A_644 = arith.constant 0 : i32
      %sign3A_645 = arith.cmpi sgt, %add3A_641, %sign3A_644 : i32
      %sign3A_646 = arith.extui %sign3A_645 : i1 to i32
      %sign3A_647 = arith.constant 0 : i32
      %sign3A_648 = arith.cmpi slt, %add3A_641, %sign3A_647 : i32
      %sign3A_649 = arith.extui %sign3A_648 : i1 to i32
      %sign3A_650 = arith.subi %sign3A_646, %sign3A_649 : i32
      %sign3A_651 = arith.constant 0 : i32
      %sign3A_652 = arith.cmpi sgt, %jit3A_642, %sign3A_651 : i32
      %sign3A_653 = arith.extui %sign3A_652 : i1 to i32
      %sign3A_654 = arith.constant 0 : i32
      %sign3A_655 = arith.cmpi slt, %jit3A_642, %sign3A_654 : i32
      %sign3A_656 = arith.extui %sign3A_655 : i1 to i32
      %sign3A_657 = arith.subi %sign3A_653, %sign3A_656 : i32
      %ne3A_658 = arith.cmpi ne, %sign3A_650, %sign3A_657 : i32
      %rem3A_659 = arith.remsi %add3A_641, %jit3A_642 : i32
      %ne3A_660 = arith.constant 0 : i32
      %ne3A_661 = arith.cmpi ne, %rem3A_659, %ne3A_660 : i32
      %and3A_662 = arith.andi %ne3A_658, %ne3A_661 : i1
      %sub3A_663 = arith.constant 1 : i32
      %sub3A_664 = arith.subi %div3A_643, %sub3A_663 : i32
      %select_n3A_665 = arith.select %and3A_662, %sub3A_664, %div3A_643 : i32
      %jit3A_666 = arith.constant 8 : i32
      %eq3A_667 = arith.constant 0 : i32
      %eq3A_668 = arith.cmpi eq, %jit3A_666, %eq3A_667 : i32
      %jit3A_669 = arith.constant 1 : i32
      %select_n3A_670 = arith.select %eq3A_668, %jit3A_669, %jit3A_666 : i32
      %rem3A_671 = arith.remsi %add3A_641, %select_n3A_670 : i32
      %ne3A_672 = arith.constant 0 : i32
      %ne3A_673 = arith.cmpi ne, %rem3A_671, %ne3A_672 : i32
      %lt3A_674 = arith.constant 0 : i32
      %lt3A_675 = arith.cmpi slt, %rem3A_671, %lt3A_674 : i32
      %lt3A_676 = arith.constant 0 : i32
      %lt3A_677 = arith.cmpi slt, %select_n3A_670, %lt3A_676 : i32
      %ne3A_678 = arith.xori %lt3A_675, %lt3A_677 : i1
      %and3A_679 = arith.andi %ne3A_678, %ne3A_673 : i1
      %add3A_680 = arith.addi %rem3A_671, %select_n3A_670 : i32
      %select_n3A_681 = arith.select %and3A_679, %add3A_680, %rem3A_671 : i32
      %dma_start3A_682 = arith.constant 0 : i32
      %dma_start3A_683 = arith.constant 0 : i32
      %dma_start3A_684 = arith.constant 0 : i32
      %dma_start3A_685 = tpu.memref_slice %arg9[%dma_start3A_683, %dma_start3A_684] : memref<64x128xf32, #tpu.memory_space<vmem>> -> memref<8x128xf32, #tpu.memory_space<vmem>>
      %dma_start3A_686 = arith.constant 0 : i32
      %dma_start3A_687 = arith.constant 0 : i32
      %dma_start3A_688 = tpu.memref_slice %arg4[%select_n3A_665, %dma_start3A_682, %select_n3A_681, %dma_start3A_686, %dma_start3A_687] : memref<200x8x8x8x128xf32, #tpu.memory_space<hbm>> -> memref<1x1x1x8x128xf32, #tpu.memory_space<hbm>>
      %dma_start3A_689 = tpu.memref_squeeze %dma_start3A_688 : memref<1x1x1x8x128xf32, #tpu.memory_space<hbm>> -> memref<8x128xf32, #tpu.memory_space<hbm>>
      %dma_start3A_690 = arith.constant 0 : i32
      %dma_start3A_691 = arith.constant 0 : i32
      %dma_start3A_692 = tpu.memref_slice %arg4[%select_n3A_665, %dma_start3A_682, %select_n3A_681, %dma_start3A_690, %dma_start3A_691] : memref<200x8x8x8x128xf32, #tpu.memory_space<hbm>> -> memref<1x1x1x8x128xf32, #tpu.memory_space<hbm>>
      %dma_start3A_693 = tpu.memref_squeeze %dma_start3A_692 : memref<1x1x1x8x128xf32, #tpu.memory_space<hbm>> -> memref<8x128xf32, #tpu.memory_space<hbm>>
      %dma_start3A_694 = arith.constant 0 : i32
      %dma_start3A_695 = arith.constant 0 : i32
      %dma_start3A_696 = tpu.memref_slice %arg9[%dma_start3A_694, %dma_start3A_695] : memref<64x128xf32, #tpu.memory_space<vmem>> -> memref<8x128xf32, #tpu.memory_space<vmem>>
      tpu.enqueue_dma source(%dma_start3A_696 : memref<8x128xf32, #tpu.memory_space<vmem>>) target(%dma_start3A_693 : memref<8x128xf32, #tpu.memory_space<hbm>>) target_semaphore(%arg11 : memref<!tpu.dma_semaphore, #tpu.memory_space<semaphore_mem>>)
      %dma_start3A_697 = arith.constant 1 : i32
      %dma_start3A_698 = arith.constant 8 : i32
      %dma_start3A_699 = arith.constant 0 : i32
      %dma_start3A_700 = tpu.memref_slice %arg9[%dma_start3A_698, %dma_start3A_699] : memref<64x128xf32, #tpu.memory_space<vmem>> -> memref<8x128xf32, #tpu.memory_space<vmem>>
      %dma_start3A_701 = arith.constant 0 : i32
      %dma_start3A_702 = arith.constant 0 : i32
      %dma_start3A_703 = tpu.memref_slice %arg4[%select_n3A_665, %dma_start3A_697, %select_n3A_681, %dma_start3A_701, %dma_start3A_702] : memref<200x8x8x8x128xf32, #tpu.memory_space<hbm>> -> memref<1x1x1x8x128xf32, #tpu.memory_space<hbm>>
      %dma_start3A_704 = tpu.memref_squeeze %dma_start3A_703 : memref<1x1x1x8x128xf32, #tpu.memory_space<hbm>> -> memref<8x128xf32, #tpu.memory_space<hbm>>
      %dma_start3A_705 = arith.constant 0 : i32
      %dma_start3A_706 = arith.constant 0 : i32
      %dma_start3A_707 = tpu.memref_slice %arg4[%select_n3A_665, %dma_start3A_697, %select_n3A_681, %dma_start3A_705, %dma_start3A_706] : memref<200x8x8x8x128xf32, #tpu.memory_space<hbm>> -> memref<1x1x1x8x128xf32, #tpu.memory_space<hbm>>
      %dma_start3A_708 = tpu.memref_squeeze %dma_start3A_707 : memref<1x1x1x8x128xf32, #tpu.memory_space<hbm>> -> memref<8x128xf32, #tpu.memory_space<hbm>>
      %dma_start3A_709 = arith.constant 8 : i32
      %dma_start3A_710 = arith.constant 0 : i32
      %dma_start3A_711 = tpu.memref_slice %arg9[%dma_start3A_709, %dma_start3A_710] : memref<64x128xf32, #tpu.memory_space<vmem>> -> memref<8x128xf32, #tpu.memory_space<vmem>>
      tpu.enqueue_dma source(%dma_start3A_711 : memref<8x128xf32, #tpu.memory_space<vmem>>) target(%dma_start3A_708 : memref<8x128xf32, #tpu.memory_space<hbm>>) target_semaphore(%arg11 : memref<!tpu.dma_semaphore, #tpu.memory_space<semaphore_mem>>)
      %dma_start3A_712 = arith.constant 2 : i32
      %dma_start3A_713 = arith.constant 16 : i32
      %dma_start3A_714 = arith.constant 0 : i32
      %dma_start3A_715 = tpu.memref_slice %arg9[%dma_start3A_713, %dma_start3A_714] : memref<64x128xf32, #tpu.memory_space<vmem>> -> memref<8x128xf32, #tpu.memory_space<vmem>>
      %dma_start3A_716 = arith.constant 0 : i32
      %dma_start3A_717 = arith.constant 0 : i32
      %dma_start3A_718 = tpu.memref_slice %arg4[%select_n3A_665, %dma_start3A_712, %select_n3A_681, %dma_start3A_716, %dma_start3A_717] : memref<200x8x8x8x128xf32, #tpu.memory_space<hbm>> -> memref<1x1x1x8x128xf32, #tpu.memory_space<hbm>>
      %dma_start3A_719 = tpu.memref_squeeze %dma_start3A_718 : memref<1x1x1x8x128xf32, #tpu.memory_space<hbm>> -> memref<8x128xf32, #tpu.memory_space<hbm>>
      %dma_start3A_720 = arith.constant 0 : i32
      %dma_start3A_721 = arith.constant 0 : i32
      %dma_start3A_722 = tpu.memref_slice %arg4[%select_n3A_665, %dma_start3A_712, %select_n3A_681, %dma_start3A_720, %dma_start3A_721] : memref<200x8x8x8x128xf32, #tpu.memory_space<hbm>> -> memref<1x1x1x8x128xf32, #tpu.memory_space<hbm>>
      %dma_start3A_723 = tpu.memref_squeeze %dma_start3A_722 : memref<1x1x1x8x128xf32, #tpu.memory_space<hbm>> -> memref<8x128xf32, #tpu.memory_space<hbm>>
      %dma_start3A_724 = arith.constant 16 : i32
      %dma_start3A_725 = arith.constant 0 : i32
      %dma_start3A_726 = tpu.memref_slice %arg9[%dma_start3A_724, %dma_start3A_725] : memref<64x128xf32, #tpu.memory_space<vmem>> -> memref<8x128xf32, #tpu.memory_space<vmem>>
      tpu.enqueue_dma source(%dma_start3A_726 : memref<8x128xf32, #tpu.memory_space<vmem>>) target(%dma_start3A_723 : memref<8x128xf32, #tpu.memory_space<hbm>>) target_semaphore(%arg11 : memref<!tpu.dma_semaphore, #tpu.memory_space<semaphore_mem>>)
      %dma_start3A_727 = arith.constant 3 : i32
      %dma_start3A_728 = arith.constant 24 : i32
      %dma_start3A_729 = arith.constant 0 : i32
      %dma_start3A_730 = tpu.memref_slice %arg9[%dma_start3A_728, %dma_start3A_729] : memref<64x128xf32, #tpu.memory_space<vmem>> -> memref<8x128xf32, #tpu.memory_space<vmem>>
      %dma_start3A_731 = arith.constant 0 : i32
      %dma_start3A_732 = arith.constant 0 : i32
      %dma_start3A_733 = tpu.memref_slice %arg4[%select_n3A_665, %dma_start3A_727, %select_n3A_681, %dma_start3A_731, %dma_start3A_732] : memref<200x8x8x8x128xf32, #tpu.memory_space<hbm>> -> memref<1x1x1x8x128xf32, #tpu.memory_space<hbm>>
      %dma_start3A_734 = tpu.memref_squeeze %dma_start3A_733 : memref<1x1x1x8x128xf32, #tpu.memory_space<hbm>> -> memref<8x128xf32, #tpu.memory_space<hbm>>
      %dma_start3A_735 = arith.constant 0 : i32
      %dma_start3A_736 = arith.constant 0 : i32
      %dma_start3A_737 = tpu.memref_slice %arg4[%select_n3A_665, %dma_start3A_727, %select_n3A_681, %dma_start3A_735, %dma_start3A_736] : memref<200x8x8x8x128xf32, #tpu.memory_space<hbm>> -> memref<1x1x1x8x128xf32, #tpu.memory_space<hbm>>
      %dma_start3A_738 = tpu.memref_squeeze %dma_start3A_737 : memref<1x1x1x8x128xf32, #tpu.memory_space<hbm>> -> memref<8x128xf32, #tpu.memory_space<hbm>>
      %dma_start3A_739 = arith.constant 24 : i32
      %dma_start3A_740 = arith.constant 0 : i32
      %dma_start3A_741 = tpu.memref_slice %arg9[%dma_start3A_739, %dma_start3A_740] : memref<64x128xf32, #tpu.memory_space<vmem>> -> memref<8x128xf32, #tpu.memory_space<vmem>>
      tpu.enqueue_dma source(%dma_start3A_741 : memref<8x128xf32, #tpu.memory_space<vmem>>) target(%dma_start3A_738 : memref<8x128xf32, #tpu.memory_space<hbm>>) target_semaphore(%arg11 : memref<!tpu.dma_semaphore, #tpu.memory_space<semaphore_mem>>)
      %dma_start3A_742 = arith.constant 4 : i32
      %dma_start3A_743 = arith.constant 32 : i32
      %dma_start3A_744 = arith.constant 0 : i32
      %dma_start3A_745 = tpu.memref_slice %arg9[%dma_start3A_743, %dma_start3A_744] : memref<64x128xf32, #tpu.memory_space<vmem>> -> memref<8x128xf32, #tpu.memory_space<vmem>>
      %dma_start3A_746 = arith.constant 0 : i32
      %dma_start3A_747 = arith.constant 0 : i32
      %dma_start3A_748 = tpu.memref_slice %arg4[%select_n3A_665, %dma_start3A_742, %select_n3A_681, %dma_start3A_746, %dma_start3A_747] : memref<200x8x8x8x128xf32, #tpu.memory_space<hbm>> -> memref<1x1x1x8x128xf32, #tpu.memory_space<hbm>>
      %dma_start3A_749 = tpu.memref_squeeze %dma_start3A_748 : memref<1x1x1x8x128xf32, #tpu.memory_space<hbm>> -> memref<8x128xf32, #tpu.memory_space<hbm>>
      %dma_start3A_750 = arith.constant 0 : i32
      %dma_start3A_751 = arith.constant 0 : i32
      %dma_start3A_752 = tpu.memref_slice %arg4[%select_n3A_665, %dma_start3A_742, %select_n3A_681, %dma_start3A_750, %dma_start3A_751] : memref<200x8x8x8x128xf32, #tpu.memory_space<hbm>> -> memref<1x1x1x8x128xf32, #tpu.memory_space<hbm>>
      %dma_start3A_753 = tpu.memref_squeeze %dma_start3A_752 : memref<1x1x1x8x128xf32, #tpu.memory_space<hbm>> -> memref<8x128xf32, #tpu.memory_space<hbm>>
      %dma_start3A_754 = arith.constant 32 : i32
      %dma_start3A_755 = arith.constant 0 : i32
      %dma_start3A_756 = tpu.memref_slice %arg9[%dma_start3A_754, %dma_start3A_755] : memref<64x128xf32, #tpu.memory_space<vmem>> -> memref<8x128xf32, #tpu.memory_space<vmem>>
      tpu.enqueue_dma source(%dma_start3A_756 : memref<8x128xf32, #tpu.memory_space<vmem>>) target(%dma_start3A_753 : memref<8x128xf32, #tpu.memory_space<hbm>>) target_semaphore(%arg11 : memref<!tpu.dma_semaphore, #tpu.memory_space<semaphore_mem>>)
      %dma_start3A_757 = arith.constant 5 : i32
      %dma_start3A_758 = arith.constant 40 : i32
      %dma_start3A_759 = arith.constant 0 : i32
      %dma_start3A_760 = tpu.memref_slice %arg9[%dma_start3A_758, %dma_start3A_759] : memref<64x128xf32, #tpu.memory_space<vmem>> -> memref<8x128xf32, #tpu.memory_space<vmem>>
      %dma_start3A_761 = arith.constant 0 : i32
      %dma_start3A_762 = arith.constant 0 : i32
      %dma_start3A_763 = tpu.memref_slice %arg4[%select_n3A_665, %dma_start3A_757, %select_n3A_681, %dma_start3A_761, %dma_start3A_762] : memref<200x8x8x8x128xf32, #tpu.memory_space<hbm>> -> memref<1x1x1x8x128xf32, #tpu.memory_space<hbm>>
      %dma_start3A_764 = tpu.memref_squeeze %dma_start3A_763 : memref<1x1x1x8x128xf32, #tpu.memory_space<hbm>> -> memref<8x128xf32, #tpu.memory_space<hbm>>
      %dma_start3A_765 = arith.constant 0 : i32
      %dma_start3A_766 = arith.constant 0 : i32
      %dma_start3A_767 = tpu.memref_slice %arg4[%select_n3A_665, %dma_start3A_757, %select_n3A_681, %dma_start3A_765, %dma_start3A_766] : memref<200x8x8x8x128xf32, #tpu.memory_space<hbm>> -> memref<1x1x1x8x128xf32, #tpu.memory_space<hbm>>
      %dma_start3A_768 = tpu.memref_squeeze %dma_start3A_767 : memref<1x1x1x8x128xf32, #tpu.memory_space<hbm>> -> memref<8x128xf32, #tpu.memory_space<hbm>>
      %dma_start3A_769 = arith.constant 40 : i32
      %dma_start3A_770 = arith.constant 0 : i32
      %dma_start3A_771 = tpu.memref_slice %arg9[%dma_start3A_769, %dma_start3A_770] : memref<64x128xf32, #tpu.memory_space<vmem>> -> memref<8x128xf32, #tpu.memory_space<vmem>>
      tpu.enqueue_dma source(%dma_start3A_771 : memref<8x128xf32, #tpu.memory_space<vmem>>) target(%dma_start3A_768 : memref<8x128xf32, #tpu.memory_space<hbm>>) target_semaphore(%arg11 : memref<!tpu.dma_semaphore, #tpu.memory_space<semaphore_mem>>)
      %dma_start3A_772 = arith.constant 6 : i32
      %dma_start3A_773 = arith.constant 48 : i32
      %dma_start3A_774 = arith.constant 0 : i32
      %dma_start3A_775 = tpu.memref_slice %arg9[%dma_start3A_773, %dma_start3A_774] : memref<64x128xf32, #tpu.memory_space<vmem>> -> memref<8x128xf32, #tpu.memory_space<vmem>>
      %dma_start3A_776 = arith.constant 0 : i32
      %dma_start3A_777 = arith.constant 0 : i32
      %dma_start3A_778 = tpu.memref_slice %arg4[%select_n3A_665, %dma_start3A_772, %select_n3A_681, %dma_start3A_776, %dma_start3A_777] : memref<200x8x8x8x128xf32, #tpu.memory_space<hbm>> -> memref<1x1x1x8x128xf32, #tpu.memory_space<hbm>>
      %dma_start3A_779 = tpu.memref_squeeze %dma_start3A_778 : memref<1x1x1x8x128xf32, #tpu.memory_space<hbm>> -> memref<8x128xf32, #tpu.memory_space<hbm>>
      %dma_start3A_780 = arith.constant 0 : i32
      %dma_start3A_781 = arith.constant 0 : i32
      %dma_start3A_782 = tpu.memref_slice %arg4[%select_n3A_665, %dma_start3A_772, %select_n3A_681, %dma_start3A_780, %dma_start3A_781] : memref<200x8x8x8x128xf32, #tpu.memory_space<hbm>> -> memref<1x1x1x8x128xf32, #tpu.memory_space<hbm>>
      %dma_start3A_783 = tpu.memref_squeeze %dma_start3A_782 : memref<1x1x1x8x128xf32, #tpu.memory_space<hbm>> -> memref<8x128xf32, #tpu.memory_space<hbm>>
      %dma_start3A_784 = arith.constant 48 : i32
      %dma_start3A_785 = arith.constant 0 : i32
      %dma_start3A_786 = tpu.memref_slice %arg9[%dma_start3A_784, %dma_start3A_785] : memref<64x128xf32, #tpu.memory_space<vmem>> -> memref<8x128xf32, #tpu.memory_space<vmem>>
      tpu.enqueue_dma source(%dma_start3A_786 : memref<8x128xf32, #tpu.memory_space<vmem>>) target(%dma_start3A_783 : memref<8x128xf32, #tpu.memory_space<hbm>>) target_semaphore(%arg11 : memref<!tpu.dma_semaphore, #tpu.memory_space<semaphore_mem>>)
      %dma_start3A_787 = arith.constant 7 : i32
      %dma_start3A_788 = arith.constant 56 : i32
      %dma_start3A_789 = arith.constant 0 : i32
      %dma_start3A_790 = tpu.memref_slice %arg9[%dma_start3A_788, %dma_start3A_789] : memref<64x128xf32, #tpu.memory_space<vmem>> -> memref<8x128xf32, #tpu.memory_space<vmem>>
      %dma_start3A_791 = arith.constant 0 : i32
      %dma_start3A_792 = arith.constant 0 : i32
      %dma_start3A_793 = tpu.memref_slice %arg4[%select_n3A_665, %dma_start3A_787, %select_n3A_681, %dma_start3A_791, %dma_start3A_792] : memref<200x8x8x8x128xf32, #tpu.memory_space<hbm>> -> memref<1x1x1x8x128xf32, #tpu.memory_space<hbm>>
      %dma_start3A_794 = tpu.memref_squeeze %dma_start3A_793 : memref<1x1x1x8x128xf32, #tpu.memory_space<hbm>> -> memref<8x128xf32, #tpu.memory_space<hbm>>
      %dma_start3A_795 = arith.constant 0 : i32
      %dma_start3A_796 = arith.constant 0 : i32
      %dma_start3A_797 = tpu.memref_slice %arg4[%select_n3A_665, %dma_start3A_787, %select_n3A_681, %dma_start3A_795, %dma_start3A_796] : memref<200x8x8x8x128xf32, #tpu.memory_space<hbm>> -> memref<1x1x1x8x128xf32, #tpu.memory_space<hbm>>
      %dma_start3A_798 = tpu.memref_squeeze %dma_start3A_797 : memref<1x1x1x8x128xf32, #tpu.memory_space<hbm>> -> memref<8x128xf32, #tpu.memory_space<hbm>>
      %dma_start3A_799 = arith.constant 56 : i32
      %dma_start3A_800 = arith.constant 0 : i32
      %dma_start3A_801 = tpu.memref_slice %arg9[%dma_start3A_799, %dma_start3A_800] : memref<64x128xf32, #tpu.memory_space<vmem>> -> memref<8x128xf32, #tpu.memory_space<vmem>>
      tpu.enqueue_dma source(%dma_start3A_801 : memref<8x128xf32, #tpu.memory_space<vmem>>) target(%dma_start3A_798 : memref<8x128xf32, #tpu.memory_space<hbm>>) target_semaphore(%arg11 : memref<!tpu.dma_semaphore, #tpu.memory_space<semaphore_mem>>)
    }
    %scan3A_111 = arith.constant 25 : i32
    %add3A_112 = arith.constant 48 : i32
    %add3A_113 = arith.addi %mul3A_4, %add3A_112 : i32
    %jit3A = arith.constant 8 : i32
    %div3A = arith.divsi %add3A_113, %jit3A : i32
    %sign3A = arith.constant 0 : i32
    %sign3A_114 = arith.cmpi sgt, %add3A_113, %sign3A : i32
    %sign3A_115 = arith.extui %sign3A_114 : i1 to i32
    %sign3A_116 = arith.constant 0 : i32
    %sign3A_117 = arith.cmpi slt, %add3A_113, %sign3A_116 : i32
    %sign3A_118 = arith.extui %sign3A_117 : i1 to i32
    %sign3A_119 = arith.subi %sign3A_115, %sign3A_118 : i32
    %sign3A_120 = arith.constant 0 : i32
    %sign3A_121 = arith.cmpi sgt, %jit3A, %sign3A_120 : i32
    %sign3A_122 = arith.extui %sign3A_121 : i1 to i32
    %sign3A_123 = arith.constant 0 : i32
    %sign3A_124 = arith.cmpi slt, %jit3A, %sign3A_123 : i32
    %sign3A_125 = arith.extui %sign3A_124 : i1 to i32
    %sign3A_126 = arith.subi %sign3A_122, %sign3A_125 : i32
    %ne3A = arith.cmpi ne, %sign3A_119, %sign3A_126 : i32
    %rem3A = arith.remsi %add3A_113, %jit3A : i32
    %ne3A_127 = arith.constant 0 : i32
    %ne3A_128 = arith.cmpi ne, %rem3A, %ne3A_127 : i32
    %and3A_129 = arith.andi %ne3A, %ne3A_128 : i1
    %sub3A = arith.constant 1 : i32
    %sub3A_130 = arith.subi %div3A, %sub3A : i32
    %select_n3A = arith.select %and3A_129, %sub3A_130, %div3A : i32
    %jit3A_131 = arith.constant 8 : i32
    %eq3A = arith.constant 0 : i32
    %eq3A_132 = arith.cmpi eq, %jit3A_131, %eq3A : i32
    %jit3A_133 = arith.constant 1 : i32
    %select_n3A_134 = arith.select %eq3A_132, %jit3A_133, %jit3A_131 : i32
    %rem3A_135 = arith.remsi %add3A_113, %select_n3A_134 : i32
    %ne3A_136 = arith.constant 0 : i32
    %ne3A_137 = arith.cmpi ne, %rem3A_135, %ne3A_136 : i32
    %lt3A = arith.constant 0 : i32
    %lt3A_138 = arith.cmpi slt, %rem3A_135, %lt3A : i32
    %lt3A_139 = arith.constant 0 : i32
    %lt3A_140 = arith.cmpi slt, %select_n3A_134, %lt3A_139 : i32
    %ne3A_141 = arith.xori %lt3A_138, %lt3A_140 : i1
    %and3A_142 = arith.andi %ne3A_141, %ne3A_137 : i1
    %add3A_143 = arith.addi %rem3A_135, %select_n3A_134 : i32
    %select_n3A_144 = arith.select %and3A_142, %add3A_143, %rem3A_135 : i32
    %dma_wait3A = arith.constant 0 : i32
    %dma_wait3A_145 = arith.constant 0 : i32
    %dma_wait3A_146 = arith.constant 0 : i32
    %dma_wait3A_147 = tpu.memref_slice %arg8[%dma_wait3A_145, %dma_wait3A_146] : memref<64x128xf32, #tpu.memory_space<vmem>> -> memref<8x128xf32, #tpu.memory_space<vmem>>
    %dma_wait3A_148 = arith.constant 0 : i32
    %dma_wait3A_149 = arith.constant 0 : i32
    %dma_wait3A_150 = tpu.memref_slice %arg4[%select_n3A, %dma_wait3A, %select_n3A_144, %dma_wait3A_148, %dma_wait3A_149] : memref<200x8x8x8x128xf32, #tpu.memory_space<hbm>> -> memref<1x1x1x8x128xf32, #tpu.memory_space<hbm>>
    %dma_wait3A_151 = tpu.memref_squeeze %dma_wait3A_150 : memref<1x1x1x8x128xf32, #tpu.memory_space<hbm>> -> memref<8x128xf32, #tpu.memory_space<hbm>>
    %dma_wait3A_152 = arith.constant 0 : i32
    %dma_wait3A_153 = arith.constant 0 : i32
    %dma_wait3A_154 = tpu.memref_slice %arg4[%select_n3A, %dma_wait3A, %select_n3A_144, %dma_wait3A_152, %dma_wait3A_153] : memref<200x8x8x8x128xf32, #tpu.memory_space<hbm>> -> memref<1x1x1x8x128xf32, #tpu.memory_space<hbm>>
    %dma_wait3A_155 = tpu.memref_squeeze %dma_wait3A_154 : memref<1x1x1x8x128xf32, #tpu.memory_space<hbm>> -> memref<8x128xf32, #tpu.memory_space<hbm>>
    %dma_wait3A_156 = arith.constant 0 : i32
    %dma_wait3A_157 = arith.constant 0 : i32
    %dma_wait3A_158 = tpu.memref_slice %arg8[%dma_wait3A_156, %dma_wait3A_157] : memref<64x128xf32, #tpu.memory_space<vmem>> -> memref<8x128xf32, #tpu.memory_space<vmem>>
    tpu.wait_dma2 semaphore(%arg11 : memref<!tpu.dma_semaphore, #tpu.memory_space<semaphore_mem>>) src(%dma_wait3A_158 : memref<8x128xf32, #tpu.memory_space<vmem>>) dst(%dma_wait3A_155 : memref<8x128xf32, #tpu.memory_space<hbm>>)
    %dma_wait3A_159 = arith.constant 1 : i32
    %dma_wait3A_160 = arith.constant 8 : i32
    %dma_wait3A_161 = arith.constant 0 : i32
    %dma_wait3A_162 = tpu.memref_slice %arg8[%dma_wait3A_160, %dma_wait3A_161] : memref<64x128xf32, #tpu.memory_space<vmem>> -> memref<8x128xf32, #tpu.memory_space<vmem>>
    %dma_wait3A_163 = arith.constant 0 : i32
    %dma_wait3A_164 = arith.constant 0 : i32
    %dma_wait3A_165 = tpu.memref_slice %arg4[%select_n3A, %dma_wait3A_159, %select_n3A_144, %dma_wait3A_163, %dma_wait3A_164] : memref<200x8x8x8x128xf32, #tpu.memory_space<hbm>> -> memref<1x1x1x8x128xf32, #tpu.memory_space<hbm>>
    %dma_wait3A_166 = tpu.memref_squeeze %dma_wait3A_165 : memref<1x1x1x8x128xf32, #tpu.memory_space<hbm>> -> memref<8x128xf32, #tpu.memory_space<hbm>>
    %dma_wait3A_167 = arith.constant 0 : i32
    %dma_wait3A_168 = arith.constant 0 : i32
    %dma_wait3A_169 = tpu.memref_slice %arg4[%select_n3A, %dma_wait3A_159, %select_n3A_144, %dma_wait3A_167, %dma_wait3A_168] : memref<200x8x8x8x128xf32, #tpu.memory_space<hbm>> -> memref<1x1x1x8x128xf32, #tpu.memory_space<hbm>>
    %dma_wait3A_170 = tpu.memref_squeeze %dma_wait3A_169 : memref<1x1x1x8x128xf32, #tpu.memory_space<hbm>> -> memref<8x128xf32, #tpu.memory_space<hbm>>
    %dma_wait3A_171 = arith.constant 8 : i32
    %dma_wait3A_172 = arith.constant 0 : i32
    %dma_wait3A_173 = tpu.memref_slice %arg8[%dma_wait3A_171, %dma_wait3A_172] : memref<64x128xf32, #tpu.memory_space<vmem>> -> memref<8x128xf32, #tpu.memory_space<vmem>>
    tpu.wait_dma2 semaphore(%arg11 : memref<!tpu.dma_semaphore, #tpu.memory_space<semaphore_mem>>) src(%dma_wait3A_173 : memref<8x128xf32, #tpu.memory_space<vmem>>) dst(%dma_wait3A_170 : memref<8x128xf32, #tpu.memory_space<hbm>>)
    %dma_wait3A_174 = arith.constant 2 : i32
    %dma_wait3A_175 = arith.constant 16 : i32
    %dma_wait3A_176 = arith.constant 0 : i32
    %dma_wait3A_177 = tpu.memref_slice %arg8[%dma_wait3A_175, %dma_wait3A_176] : memref<64x128xf32, #tpu.memory_space<vmem>> -> memref<8x128xf32, #tpu.memory_space<vmem>>
    %dma_wait3A_178 = arith.constant 0 : i32
    %dma_wait3A_179 = arith.constant 0 : i32
    %dma_wait3A_180 = tpu.memref_slice %arg4[%select_n3A, %dma_wait3A_174, %select_n3A_144, %dma_wait3A_178, %dma_wait3A_179] : memref<200x8x8x8x128xf32, #tpu.memory_space<hbm>> -> memref<1x1x1x8x128xf32, #tpu.memory_space<hbm>>
    %dma_wait3A_181 = tpu.memref_squeeze %dma_wait3A_180 : memref<1x1x1x8x128xf32, #tpu.memory_space<hbm>> -> memref<8x128xf32, #tpu.memory_space<hbm>>
    %dma_wait3A_182 = arith.constant 0 : i32
    %dma_wait3A_183 = arith.constant 0 : i32
    %dma_wait3A_184 = tpu.memref_slice %arg4[%select_n3A, %dma_wait3A_174, %select_n3A_144, %dma_wait3A_182, %dma_wait3A_183] : memref<200x8x8x8x128xf32, #tpu.memory_space<hbm>> -> memref<1x1x1x8x128xf32, #tpu.memory_space<hbm>>
    %dma_wait3A_185 = tpu.memref_squeeze %dma_wait3A_184 : memref<1x1x1x8x128xf32, #tpu.memory_space<hbm>> -> memref<8x128xf32, #tpu.memory_space<hbm>>
    %dma_wait3A_186 = arith.constant 16 : i32
    %dma_wait3A_187 = arith.constant 0 : i32
    %dma_wait3A_188 = tpu.memref_slice %arg8[%dma_wait3A_186, %dma_wait3A_187] : memref<64x128xf32, #tpu.memory_space<vmem>> -> memref<8x128xf32, #tpu.memory_space<vmem>>
    tpu.wait_dma2 semaphore(%arg11 : memref<!tpu.dma_semaphore, #tpu.memory_space<semaphore_mem>>) src(%dma_wait3A_188 : memref<8x128xf32, #tpu.memory_space<vmem>>) dst(%dma_wait3A_185 : memref<8x128xf32, #tpu.memory_space<hbm>>)
    %dma_wait3A_189 = arith.constant 3 : i32
    %dma_wait3A_190 = arith.constant 24 : i32
    %dma_wait3A_191 = arith.constant 0 : i32
    %dma_wait3A_192 = tpu.memref_slice %arg8[%dma_wait3A_190, %dma_wait3A_191] : memref<64x128xf32, #tpu.memory_space<vmem>> -> memref<8x128xf32, #tpu.memory_space<vmem>>
    %dma_wait3A_193 = arith.constant 0 : i32
    %dma_wait3A_194 = arith.constant 0 : i32
    %dma_wait3A_195 = tpu.memref_slice %arg4[%select_n3A, %dma_wait3A_189, %select_n3A_144, %dma_wait3A_193, %dma_wait3A_194] : memref<200x8x8x8x128xf32, #tpu.memory_space<hbm>> -> memref<1x1x1x8x128xf32, #tpu.memory_space<hbm>>
    %dma_wait3A_196 = tpu.memref_squeeze %dma_wait3A_195 : memref<1x1x1x8x128xf32, #tpu.memory_space<hbm>> -> memref<8x128xf32, #tpu.memory_space<hbm>>
    %dma_wait3A_197 = arith.constant 0 : i32
    %dma_wait3A_198 = arith.constant 0 : i32
    %dma_wait3A_199 = tpu.memref_slice %arg4[%select_n3A, %dma_wait3A_189, %select_n3A_144, %dma_wait3A_197, %dma_wait3A_198] : memref<200x8x8x8x128xf32, #tpu.memory_space<hbm>> -> memref<1x1x1x8x128xf32, #tpu.memory_space<hbm>>
    %dma_wait3A_200 = tpu.memref_squeeze %dma_wait3A_199 : memref<1x1x1x8x128xf32, #tpu.memory_space<hbm>> -> memref<8x128xf32, #tpu.memory_space<hbm>>
    %dma_wait3A_201 = arith.constant 24 : i32
    %dma_wait3A_202 = arith.constant 0 : i32
    %dma_wait3A_203 = tpu.memref_slice %arg8[%dma_wait3A_201, %dma_wait3A_202] : memref<64x128xf32, #tpu.memory_space<vmem>> -> memref<8x128xf32, #tpu.memory_space<vmem>>
    tpu.wait_dma2 semaphore(%arg11 : memref<!tpu.dma_semaphore, #tpu.memory_space<semaphore_mem>>) src(%dma_wait3A_203 : memref<8x128xf32, #tpu.memory_space<vmem>>) dst(%dma_wait3A_200 : memref<8x128xf32, #tpu.memory_space<hbm>>)
    %dma_wait3A_204 = arith.constant 4 : i32
    %dma_wait3A_205 = arith.constant 32 : i32
    %dma_wait3A_206 = arith.constant 0 : i32
    %dma_wait3A_207 = tpu.memref_slice %arg8[%dma_wait3A_205, %dma_wait3A_206] : memref<64x128xf32, #tpu.memory_space<vmem>> -> memref<8x128xf32, #tpu.memory_space<vmem>>
    %dma_wait3A_208 = arith.constant 0 : i32
    %dma_wait3A_209 = arith.constant 0 : i32
    %dma_wait3A_210 = tpu.memref_slice %arg4[%select_n3A, %dma_wait3A_204, %select_n3A_144, %dma_wait3A_208, %dma_wait3A_209] : memref<200x8x8x8x128xf32, #tpu.memory_space<hbm>> -> memref<1x1x1x8x128xf32, #tpu.memory_space<hbm>>
    %dma_wait3A_211 = tpu.memref_squeeze %dma_wait3A_210 : memref<1x1x1x8x128xf32, #tpu.memory_space<hbm>> -> memref<8x128xf32, #tpu.memory_space<hbm>>
    %dma_wait3A_212 = arith.constant 0 : i32
    %dma_wait3A_213 = arith.constant 0 : i32
    %dma_wait3A_214 = tpu.memref_slice %arg4[%select_n3A, %dma_wait3A_204, %select_n3A_144, %dma_wait3A_212, %dma_wait3A_213] : memref<200x8x8x8x128xf32, #tpu.memory_space<hbm>> -> memref<1x1x1x8x128xf32, #tpu.memory_space<hbm>>
    %dma_wait3A_215 = tpu.memref_squeeze %dma_wait3A_214 : memref<1x1x1x8x128xf32, #tpu.memory_space<hbm>> -> memref<8x128xf32, #tpu.memory_space<hbm>>
    %dma_wait3A_216 = arith.constant 32 : i32
    %dma_wait3A_217 = arith.constant 0 : i32
    %dma_wait3A_218 = tpu.memref_slice %arg8[%dma_wait3A_216, %dma_wait3A_217] : memref<64x128xf32, #tpu.memory_space<vmem>> -> memref<8x128xf32, #tpu.memory_space<vmem>>
    tpu.wait_dma2 semaphore(%arg11 : memref<!tpu.dma_semaphore, #tpu.memory_space<semaphore_mem>>) src(%dma_wait3A_218 : memref<8x128xf32, #tpu.memory_space<vmem>>) dst(%dma_wait3A_215 : memref<8x128xf32, #tpu.memory_space<hbm>>)
    %dma_wait3A_219 = arith.constant 5 : i32
    %dma_wait3A_220 = arith.constant 40 : i32
    %dma_wait3A_221 = arith.constant 0 : i32
    %dma_wait3A_222 = tpu.memref_slice %arg8[%dma_wait3A_220, %dma_wait3A_221] : memref<64x128xf32, #tpu.memory_space<vmem>> -> memref<8x128xf32, #tpu.memory_space<vmem>>
    %dma_wait3A_223 = arith.constant 0 : i32
    %dma_wait3A_224 = arith.constant 0 : i32
    %dma_wait3A_225 = tpu.memref_slice %arg4[%select_n3A, %dma_wait3A_219, %select_n3A_144, %dma_wait3A_223, %dma_wait3A_224] : memref<200x8x8x8x128xf32, #tpu.memory_space<hbm>> -> memref<1x1x1x8x128xf32, #tpu.memory_space<hbm>>
    %dma_wait3A_226 = tpu.memref_squeeze %dma_wait3A_225 : memref<1x1x1x8x128xf32, #tpu.memory_space<hbm>> -> memref<8x128xf32, #tpu.memory_space<hbm>>
    %dma_wait3A_227 = arith.constant 0 : i32
    %dma_wait3A_228 = arith.constant 0 : i32
    %dma_wait3A_229 = tpu.memref_slice %arg4[%select_n3A, %dma_wait3A_219, %select_n3A_144, %dma_wait3A_227, %dma_wait3A_228] : memref<200x8x8x8x128xf32, #tpu.memory_space<hbm>> -> memref<1x1x1x8x128xf32, #tpu.memory_space<hbm>>
    %dma_wait3A_230 = tpu.memref_squeeze %dma_wait3A_229 : memref<1x1x1x8x128xf32, #tpu.memory_space<hbm>> -> memref<8x128xf32, #tpu.memory_space<hbm>>
    %dma_wait3A_231 = arith.constant 40 : i32
    %dma_wait3A_232 = arith.constant 0 : i32
    %dma_wait3A_233 = tpu.memref_slice %arg8[%dma_wait3A_231, %dma_wait3A_232] : memref<64x128xf32, #tpu.memory_space<vmem>> -> memref<8x128xf32, #tpu.memory_space<vmem>>
    tpu.wait_dma2 semaphore(%arg11 : memref<!tpu.dma_semaphore, #tpu.memory_space<semaphore_mem>>) src(%dma_wait3A_233 : memref<8x128xf32, #tpu.memory_space<vmem>>) dst(%dma_wait3A_230 : memref<8x128xf32, #tpu.memory_space<hbm>>)
    %dma_wait3A_234 = arith.constant 6 : i32
    %dma_wait3A_235 = arith.constant 48 : i32
    %dma_wait3A_236 = arith.constant 0 : i32
    %dma_wait3A_237 = tpu.memref_slice %arg8[%dma_wait3A_235, %dma_wait3A_236] : memref<64x128xf32, #tpu.memory_space<vmem>> -> memref<8x128xf32, #tpu.memory_space<vmem>>
    %dma_wait3A_238 = arith.constant 0 : i32
    %dma_wait3A_239 = arith.constant 0 : i32
    %dma_wait3A_240 = tpu.memref_slice %arg4[%select_n3A, %dma_wait3A_234, %select_n3A_144, %dma_wait3A_238, %dma_wait3A_239] : memref<200x8x8x8x128xf32, #tpu.memory_space<hbm>> -> memref<1x1x1x8x128xf32, #tpu.memory_space<hbm>>
    %dma_wait3A_241 = tpu.memref_squeeze %dma_wait3A_240 : memref<1x1x1x8x128xf32, #tpu.memory_space<hbm>> -> memref<8x128xf32, #tpu.memory_space<hbm>>
    %dma_wait3A_242 = arith.constant 0 : i32
    %dma_wait3A_243 = arith.constant 0 : i32
    %dma_wait3A_244 = tpu.memref_slice %arg4[%select_n3A, %dma_wait3A_234, %select_n3A_144, %dma_wait3A_242, %dma_wait3A_243] : memref<200x8x8x8x128xf32, #tpu.memory_space<hbm>> -> memref<1x1x1x8x128xf32, #tpu.memory_space<hbm>>
    %dma_wait3A_245 = tpu.memref_squeeze %dma_wait3A_244 : memref<1x1x1x8x128xf32, #tpu.memory_space<hbm>> -> memref<8x128xf32, #tpu.memory_space<hbm>>
    %dma_wait3A_246 = arith.constant 48 : i32
    %dma_wait3A_247 = arith.constant 0 : i32
    %dma_wait3A_248 = tpu.memref_slice %arg8[%dma_wait3A_246, %dma_wait3A_247] : memref<64x128xf32, #tpu.memory_space<vmem>> -> memref<8x128xf32, #tpu.memory_space<vmem>>
    tpu.wait_dma2 semaphore(%arg11 : memref<!tpu.dma_semaphore, #tpu.memory_space<semaphore_mem>>) src(%dma_wait3A_248 : memref<8x128xf32, #tpu.memory_space<vmem>>) dst(%dma_wait3A_245 : memref<8x128xf32, #tpu.memory_space<hbm>>)
    %dma_wait3A_249 = arith.constant 7 : i32
    %dma_wait3A_250 = arith.constant 56 : i32
    %dma_wait3A_251 = arith.constant 0 : i32
    %dma_wait3A_252 = tpu.memref_slice %arg8[%dma_wait3A_250, %dma_wait3A_251] : memref<64x128xf32, #tpu.memory_space<vmem>> -> memref<8x128xf32, #tpu.memory_space<vmem>>
    %dma_wait3A_253 = arith.constant 0 : i32
    %dma_wait3A_254 = arith.constant 0 : i32
    %dma_wait3A_255 = tpu.memref_slice %arg4[%select_n3A, %dma_wait3A_249, %select_n3A_144, %dma_wait3A_253, %dma_wait3A_254] : memref<200x8x8x8x128xf32, #tpu.memory_space<hbm>> -> memref<1x1x1x8x128xf32, #tpu.memory_space<hbm>>
    %dma_wait3A_256 = tpu.memref_squeeze %dma_wait3A_255 : memref<1x1x1x8x128xf32, #tpu.memory_space<hbm>> -> memref<8x128xf32, #tpu.memory_space<hbm>>
    %dma_wait3A_257 = arith.constant 0 : i32
    %dma_wait3A_258 = arith.constant 0 : i32
    %dma_wait3A_259 = tpu.memref_slice %arg4[%select_n3A, %dma_wait3A_249, %select_n3A_144, %dma_wait3A_257, %dma_wait3A_258] : memref<200x8x8x8x128xf32, #tpu.memory_space<hbm>> -> memref<1x1x1x8x128xf32, #tpu.memory_space<hbm>>
    %dma_wait3A_260 = tpu.memref_squeeze %dma_wait3A_259 : memref<1x1x1x8x128xf32, #tpu.memory_space<hbm>> -> memref<8x128xf32, #tpu.memory_space<hbm>>
    %dma_wait3A_261 = arith.constant 56 : i32
    %dma_wait3A_262 = arith.constant 0 : i32
    %dma_wait3A_263 = tpu.memref_slice %arg8[%dma_wait3A_261, %dma_wait3A_262] : memref<64x128xf32, #tpu.memory_space<vmem>> -> memref<8x128xf32, #tpu.memory_space<vmem>>
    tpu.wait_dma2 semaphore(%arg11 : memref<!tpu.dma_semaphore, #tpu.memory_space<semaphore_mem>>) src(%dma_wait3A_263 : memref<8x128xf32, #tpu.memory_space<vmem>>) dst(%dma_wait3A_260 : memref<8x128xf32, #tpu.memory_space<hbm>>)
    %add3A_264 = arith.constant 49 : i32
    %add3A_265 = arith.addi %mul3A_4, %add3A_264 : i32
    %jit3A_266 = arith.constant 8 : i32
    %div3A_267 = arith.divsi %add3A_265, %jit3A_266 : i32
    %sign3A_268 = arith.constant 0 : i32
    %sign3A_269 = arith.cmpi sgt, %add3A_265, %sign3A_268 : i32
    %sign3A_270 = arith.extui %sign3A_269 : i1 to i32
    %sign3A_271 = arith.constant 0 : i32
    %sign3A_272 = arith.cmpi slt, %add3A_265, %sign3A_271 : i32
    %sign3A_273 = arith.extui %sign3A_272 : i1 to i32
    %sign3A_274 = arith.subi %sign3A_270, %sign3A_273 : i32
    %sign3A_275 = arith.constant 0 : i32
    %sign3A_276 = arith.cmpi sgt, %jit3A_266, %sign3A_275 : i32
    %sign3A_277 = arith.extui %sign3A_276 : i1 to i32
    %sign3A_278 = arith.constant 0 : i32
    %sign3A_279 = arith.cmpi slt, %jit3A_266, %sign3A_278 : i32
    %sign3A_280 = arith.extui %sign3A_279 : i1 to i32
    %sign3A_281 = arith.subi %sign3A_277, %sign3A_280 : i32
    %ne3A_282 = arith.cmpi ne, %sign3A_274, %sign3A_281 : i32
    %rem3A_283 = arith.remsi %add3A_265, %jit3A_266 : i32
    %ne3A_284 = arith.constant 0 : i32
    %ne3A_285 = arith.cmpi ne, %rem3A_283, %ne3A_284 : i32
    %and3A_286 = arith.andi %ne3A_282, %ne3A_285 : i1
    %sub3A_287 = arith.constant 1 : i32
    %sub3A_288 = arith.subi %div3A_267, %sub3A_287 : i32
    %select_n3A_289 = arith.select %and3A_286, %sub3A_288, %div3A_267 : i32
    %jit3A_290 = arith.constant 8 : i32
    %eq3A_291 = arith.constant 0 : i32
    %eq3A_292 = arith.cmpi eq, %jit3A_290, %eq3A_291 : i32
    %jit3A_293 = arith.constant 1 : i32
    %select_n3A_294 = arith.select %eq3A_292, %jit3A_293, %jit3A_290 : i32
    %rem3A_295 = arith.remsi %add3A_265, %select_n3A_294 : i32
    %ne3A_296 = arith.constant 0 : i32
    %ne3A_297 = arith.cmpi ne, %rem3A_295, %ne3A_296 : i32
    %lt3A_298 = arith.constant 0 : i32
    %lt3A_299 = arith.cmpi slt, %rem3A_295, %lt3A_298 : i32
    %lt3A_300 = arith.constant 0 : i32
    %lt3A_301 = arith.cmpi slt, %select_n3A_294, %lt3A_300 : i32
    %ne3A_302 = arith.xori %lt3A_299, %lt3A_301 : i1
    %and3A_303 = arith.andi %ne3A_302, %ne3A_297 : i1
    %add3A_304 = arith.addi %rem3A_295, %select_n3A_294 : i32
    %select_n3A_305 = arith.select %and3A_303, %add3A_304, %rem3A_295 : i32
    %dma_wait3A_306 = arith.constant 0 : i32
    %dma_wait3A_307 = arith.constant 0 : i32
    %dma_wait3A_308 = arith.constant 0 : i32
    %dma_wait3A_309 = tpu.memref_slice %arg9[%dma_wait3A_307, %dma_wait3A_308] : memref<64x128xf32, #tpu.memory_space<vmem>> -> memref<8x128xf32, #tpu.memory_space<vmem>>
    %dma_wait3A_310 = arith.constant 0 : i32
    %dma_wait3A_311 = arith.constant 0 : i32
    %dma_wait3A_312 = tpu.memref_slice %arg4[%select_n3A_289, %dma_wait3A_306, %select_n3A_305, %dma_wait3A_310, %dma_wait3A_311] : memref<200x8x8x8x128xf32, #tpu.memory_space<hbm>> -> memref<1x1x1x8x128xf32, #tpu.memory_space<hbm>>
    %dma_wait3A_313 = tpu.memref_squeeze %dma_wait3A_312 : memref<1x1x1x8x128xf32, #tpu.memory_space<hbm>> -> memref<8x128xf32, #tpu.memory_space<hbm>>
    %dma_wait3A_314 = arith.constant 0 : i32
    %dma_wait3A_315 = arith.constant 0 : i32
    %dma_wait3A_316 = tpu.memref_slice %arg4[%select_n3A_289, %dma_wait3A_306, %select_n3A_305, %dma_wait3A_314, %dma_wait3A_315] : memref<200x8x8x8x128xf32, #tpu.memory_space<hbm>> -> memref<1x1x1x8x128xf32, #tpu.memory_space<hbm>>
    %dma_wait3A_317 = tpu.memref_squeeze %dma_wait3A_316 : memref<1x1x1x8x128xf32, #tpu.memory_space<hbm>> -> memref<8x128xf32, #tpu.memory_space<hbm>>
    %dma_wait3A_318 = arith.constant 0 : i32
    %dma_wait3A_319 = arith.constant 0 : i32
    %dma_wait3A_320 = tpu.memref_slice %arg9[%dma_wait3A_318, %dma_wait3A_319] : memref<64x128xf32, #tpu.memory_space<vmem>> -> memref<8x128xf32, #tpu.memory_space<vmem>>
    tpu.wait_dma2 semaphore(%arg11 : memref<!tpu.dma_semaphore, #tpu.memory_space<semaphore_mem>>) src(%dma_wait3A_320 : memref<8x128xf32, #tpu.memory_space<vmem>>) dst(%dma_wait3A_317 : memref<8x128xf32, #tpu.memory_space<hbm>>)
    %dma_wait3A_321 = arith.constant 1 : i32
    %dma_wait3A_322 = arith.constant 8 : i32
    %dma_wait3A_323 = arith.constant 0 : i32
    %dma_wait3A_324 = tpu.memref_slice %arg9[%dma_wait3A_322, %dma_wait3A_323] : memref<64x128xf32, #tpu.memory_space<vmem>> -> memref<8x128xf32, #tpu.memory_space<vmem>>
    %dma_wait3A_325 = arith.constant 0 : i32
    %dma_wait3A_326 = arith.constant 0 : i32
    %dma_wait3A_327 = tpu.memref_slice %arg4[%select_n3A_289, %dma_wait3A_321, %select_n3A_305, %dma_wait3A_325, %dma_wait3A_326] : memref<200x8x8x8x128xf32, #tpu.memory_space<hbm>> -> memref<1x1x1x8x128xf32, #tpu.memory_space<hbm>>
    %dma_wait3A_328 = tpu.memref_squeeze %dma_wait3A_327 : memref<1x1x1x8x128xf32, #tpu.memory_space<hbm>> -> memref<8x128xf32, #tpu.memory_space<hbm>>
    %dma_wait3A_329 = arith.constant 0 : i32
    %dma_wait3A_330 = arith.constant 0 : i32
    %dma_wait3A_331 = tpu.memref_slice %arg4[%select_n3A_289, %dma_wait3A_321, %select_n3A_305, %dma_wait3A_329, %dma_wait3A_330] : memref<200x8x8x8x128xf32, #tpu.memory_space<hbm>> -> memref<1x1x1x8x128xf32, #tpu.memory_space<hbm>>
    %dma_wait3A_332 = tpu.memref_squeeze %dma_wait3A_331 : memref<1x1x1x8x128xf32, #tpu.memory_space<hbm>> -> memref<8x128xf32, #tpu.memory_space<hbm>>
    %dma_wait3A_333 = arith.constant 8 : i32
    %dma_wait3A_334 = arith.constant 0 : i32
    %dma_wait3A_335 = tpu.memref_slice %arg9[%dma_wait3A_333, %dma_wait3A_334] : memref<64x128xf32, #tpu.memory_space<vmem>> -> memref<8x128xf32, #tpu.memory_space<vmem>>
    tpu.wait_dma2 semaphore(%arg11 : memref<!tpu.dma_semaphore, #tpu.memory_space<semaphore_mem>>) src(%dma_wait3A_335 : memref<8x128xf32, #tpu.memory_space<vmem>>) dst(%dma_wait3A_332 : memref<8x128xf32, #tpu.memory_space<hbm>>)
    %dma_wait3A_336 = arith.constant 2 : i32
    %dma_wait3A_337 = arith.constant 16 : i32
    %dma_wait3A_338 = arith.constant 0 : i32
    %dma_wait3A_339 = tpu.memref_slice %arg9[%dma_wait3A_337, %dma_wait3A_338] : memref<64x128xf32, #tpu.memory_space<vmem>> -> memref<8x128xf32, #tpu.memory_space<vmem>>
    %dma_wait3A_340 = arith.constant 0 : i32
    %dma_wait3A_341 = arith.constant 0 : i32
    %dma_wait3A_342 = tpu.memref_slice %arg4[%select_n3A_289, %dma_wait3A_336, %select_n3A_305, %dma_wait3A_340, %dma_wait3A_341] : memref<200x8x8x8x128xf32, #tpu.memory_space<hbm>> -> memref<1x1x1x8x128xf32, #tpu.memory_space<hbm>>
    %dma_wait3A_343 = tpu.memref_squeeze %dma_wait3A_342 : memref<1x1x1x8x128xf32, #tpu.memory_space<hbm>> -> memref<8x128xf32, #tpu.memory_space<hbm>>
    %dma_wait3A_344 = arith.constant 0 : i32
    %dma_wait3A_345 = arith.constant 0 : i32
    %dma_wait3A_346 = tpu.memref_slice %arg4[%select_n3A_289, %dma_wait3A_336, %select_n3A_305, %dma_wait3A_344, %dma_wait3A_345] : memref<200x8x8x8x128xf32, #tpu.memory_space<hbm>> -> memref<1x1x1x8x128xf32, #tpu.memory_space<hbm>>
    %dma_wait3A_347 = tpu.memref_squeeze %dma_wait3A_346 : memref<1x1x1x8x128xf32, #tpu.memory_space<hbm>> -> memref<8x128xf32, #tpu.memory_space<hbm>>
    %dma_wait3A_348 = arith.constant 16 : i32
    %dma_wait3A_349 = arith.constant 0 : i32
    %dma_wait3A_350 = tpu.memref_slice %arg9[%dma_wait3A_348, %dma_wait3A_349] : memref<64x128xf32, #tpu.memory_space<vmem>> -> memref<8x128xf32, #tpu.memory_space<vmem>>
    tpu.wait_dma2 semaphore(%arg11 : memref<!tpu.dma_semaphore, #tpu.memory_space<semaphore_mem>>) src(%dma_wait3A_350 : memref<8x128xf32, #tpu.memory_space<vmem>>) dst(%dma_wait3A_347 : memref<8x128xf32, #tpu.memory_space<hbm>>)
    %dma_wait3A_351 = arith.constant 3 : i32
    %dma_wait3A_352 = arith.constant 24 : i32
    %dma_wait3A_353 = arith.constant 0 : i32
    %dma_wait3A_354 = tpu.memref_slice %arg9[%dma_wait3A_352, %dma_wait3A_353] : memref<64x128xf32, #tpu.memory_space<vmem>> -> memref<8x128xf32, #tpu.memory_space<vmem>>
    %dma_wait3A_355 = arith.constant 0 : i32
    %dma_wait3A_356 = arith.constant 0 : i32
    %dma_wait3A_357 = tpu.memref_slice %arg4[%select_n3A_289, %dma_wait3A_351, %select_n3A_305, %dma_wait3A_355, %dma_wait3A_356] : memref<200x8x8x8x128xf32, #tpu.memory_space<hbm>> -> memref<1x1x1x8x128xf32, #tpu.memory_space<hbm>>
    %dma_wait3A_358 = tpu.memref_squeeze %dma_wait3A_357 : memref<1x1x1x8x128xf32, #tpu.memory_space<hbm>> -> memref<8x128xf32, #tpu.memory_space<hbm>>
    %dma_wait3A_359 = arith.constant 0 : i32
    %dma_wait3A_360 = arith.constant 0 : i32
    %dma_wait3A_361 = tpu.memref_slice %arg4[%select_n3A_289, %dma_wait3A_351, %select_n3A_305, %dma_wait3A_359, %dma_wait3A_360] : memref<200x8x8x8x128xf32, #tpu.memory_space<hbm>> -> memref<1x1x1x8x128xf32, #tpu.memory_space<hbm>>
    %dma_wait3A_362 = tpu.memref_squeeze %dma_wait3A_361 : memref<1x1x1x8x128xf32, #tpu.memory_space<hbm>> -> memref<8x128xf32, #tpu.memory_space<hbm>>
    %dma_wait3A_363 = arith.constant 24 : i32
    %dma_wait3A_364 = arith.constant 0 : i32
    %dma_wait3A_365 = tpu.memref_slice %arg9[%dma_wait3A_363, %dma_wait3A_364] : memref<64x128xf32, #tpu.memory_space<vmem>> -> memref<8x128xf32, #tpu.memory_space<vmem>>
    tpu.wait_dma2 semaphore(%arg11 : memref<!tpu.dma_semaphore, #tpu.memory_space<semaphore_mem>>) src(%dma_wait3A_365 : memref<8x128xf32, #tpu.memory_space<vmem>>) dst(%dma_wait3A_362 : memref<8x128xf32, #tpu.memory_space<hbm>>)
    %dma_wait3A_366 = arith.constant 4 : i32
    %dma_wait3A_367 = arith.constant 32 : i32
    %dma_wait3A_368 = arith.constant 0 : i32
    %dma_wait3A_369 = tpu.memref_slice %arg9[%dma_wait3A_367, %dma_wait3A_368] : memref<64x128xf32, #tpu.memory_space<vmem>> -> memref<8x128xf32, #tpu.memory_space<vmem>>
    %dma_wait3A_370 = arith.constant 0 : i32
    %dma_wait3A_371 = arith.constant 0 : i32
    %dma_wait3A_372 = tpu.memref_slice %arg4[%select_n3A_289, %dma_wait3A_366, %select_n3A_305, %dma_wait3A_370, %dma_wait3A_371] : memref<200x8x8x8x128xf32, #tpu.memory_space<hbm>> -> memref<1x1x1x8x128xf32, #tpu.memory_space<hbm>>
    %dma_wait3A_373 = tpu.memref_squeeze %dma_wait3A_372 : memref<1x1x1x8x128xf32, #tpu.memory_space<hbm>> -> memref<8x128xf32, #tpu.memory_space<hbm>>
    %dma_wait3A_374 = arith.constant 0 : i32
    %dma_wait3A_375 = arith.constant 0 : i32
    %dma_wait3A_376 = tpu.memref_slice %arg4[%select_n3A_289, %dma_wait3A_366, %select_n3A_305, %dma_wait3A_374, %dma_wait3A_375] : memref<200x8x8x8x128xf32, #tpu.memory_space<hbm>> -> memref<1x1x1x8x128xf32, #tpu.memory_space<hbm>>
    %dma_wait3A_377 = tpu.memref_squeeze %dma_wait3A_376 : memref<1x1x1x8x128xf32, #tpu.memory_space<hbm>> -> memref<8x128xf32, #tpu.memory_space<hbm>>
    %dma_wait3A_378 = arith.constant 32 : i32
    %dma_wait3A_379 = arith.constant 0 : i32
    %dma_wait3A_380 = tpu.memref_slice %arg9[%dma_wait3A_378, %dma_wait3A_379] : memref<64x128xf32, #tpu.memory_space<vmem>> -> memref<8x128xf32, #tpu.memory_space<vmem>>
    tpu.wait_dma2 semaphore(%arg11 : memref<!tpu.dma_semaphore, #tpu.memory_space<semaphore_mem>>) src(%dma_wait3A_380 : memref<8x128xf32, #tpu.memory_space<vmem>>) dst(%dma_wait3A_377 : memref<8x128xf32, #tpu.memory_space<hbm>>)
    %dma_wait3A_381 = arith.constant 5 : i32
    %dma_wait3A_382 = arith.constant 40 : i32
    %dma_wait3A_383 = arith.constant 0 : i32
    %dma_wait3A_384 = tpu.memref_slice %arg9[%dma_wait3A_382, %dma_wait3A_383] : memref<64x128xf32, #tpu.memory_space<vmem>> -> memref<8x128xf32, #tpu.memory_space<vmem>>
    %dma_wait3A_385 = arith.constant 0 : i32
    %dma_wait3A_386 = arith.constant 0 : i32
    %dma_wait3A_387 = tpu.memref_slice %arg4[%select_n3A_289, %dma_wait3A_381, %select_n3A_305, %dma_wait3A_385, %dma_wait3A_386] : memref<200x8x8x8x128xf32, #tpu.memory_space<hbm>> -> memref<1x1x1x8x128xf32, #tpu.memory_space<hbm>>
    %dma_wait3A_388 = tpu.memref_squeeze %dma_wait3A_387 : memref<1x1x1x8x128xf32, #tpu.memory_space<hbm>> -> memref<8x128xf32, #tpu.memory_space<hbm>>
    %dma_wait3A_389 = arith.constant 0 : i32
    %dma_wait3A_390 = arith.constant 0 : i32
    %dma_wait3A_391 = tpu.memref_slice %arg4[%select_n3A_289, %dma_wait3A_381, %select_n3A_305, %dma_wait3A_389, %dma_wait3A_390] : memref<200x8x8x8x128xf32, #tpu.memory_space<hbm>> -> memref<1x1x1x8x128xf32, #tpu.memory_space<hbm>>
    %dma_wait3A_392 = tpu.memref_squeeze %dma_wait3A_391 : memref<1x1x1x8x128xf32, #tpu.memory_space<hbm>> -> memref<8x128xf32, #tpu.memory_space<hbm>>
    %dma_wait3A_393 = arith.constant 40 : i32
    %dma_wait3A_394 = arith.constant 0 : i32
    %dma_wait3A_395 = tpu.memref_slice %arg9[%dma_wait3A_393, %dma_wait3A_394] : memref<64x128xf32, #tpu.memory_space<vmem>> -> memref<8x128xf32, #tpu.memory_space<vmem>>
    tpu.wait_dma2 semaphore(%arg11 : memref<!tpu.dma_semaphore, #tpu.memory_space<semaphore_mem>>) src(%dma_wait3A_395 : memref<8x128xf32, #tpu.memory_space<vmem>>) dst(%dma_wait3A_392 : memref<8x128xf32, #tpu.memory_space<hbm>>)
    %dma_wait3A_396 = arith.constant 6 : i32
    %dma_wait3A_397 = arith.constant 48 : i32
    %dma_wait3A_398 = arith.constant 0 : i32
    %dma_wait3A_399 = tpu.memref_slice %arg9[%dma_wait3A_397, %dma_wait3A_398] : memref<64x128xf32, #tpu.memory_space<vmem>> -> memref<8x128xf32, #tpu.memory_space<vmem>>
    %dma_wait3A_400 = arith.constant 0 : i32
    %dma_wait3A_401 = arith.constant 0 : i32
    %dma_wait3A_402 = tpu.memref_slice %arg4[%select_n3A_289, %dma_wait3A_396, %select_n3A_305, %dma_wait3A_400, %dma_wait3A_401] : memref<200x8x8x8x128xf32, #tpu.memory_space<hbm>> -> memref<1x1x1x8x128xf32, #tpu.memory_space<hbm>>
    %dma_wait3A_403 = tpu.memref_squeeze %dma_wait3A_402 : memref<1x1x1x8x128xf32, #tpu.memory_space<hbm>> -> memref<8x128xf32, #tpu.memory_space<hbm>>
    %dma_wait3A_404 = arith.constant 0 : i32
    %dma_wait3A_405 = arith.constant 0 : i32
    %dma_wait3A_406 = tpu.memref_slice %arg4[%select_n3A_289, %dma_wait3A_396, %select_n3A_305, %dma_wait3A_404, %dma_wait3A_405] : memref<200x8x8x8x128xf32, #tpu.memory_space<hbm>> -> memref<1x1x1x8x128xf32, #tpu.memory_space<hbm>>
    %dma_wait3A_407 = tpu.memref_squeeze %dma_wait3A_406 : memref<1x1x1x8x128xf32, #tpu.memory_space<hbm>> -> memref<8x128xf32, #tpu.memory_space<hbm>>
    %dma_wait3A_408 = arith.constant 48 : i32
    %dma_wait3A_409 = arith.constant 0 : i32
    %dma_wait3A_410 = tpu.memref_slice %arg9[%dma_wait3A_408, %dma_wait3A_409] : memref<64x128xf32, #tpu.memory_space<vmem>> -> memref<8x128xf32, #tpu.memory_space<vmem>>
    tpu.wait_dma2 semaphore(%arg11 : memref<!tpu.dma_semaphore, #tpu.memory_space<semaphore_mem>>) src(%dma_wait3A_410 : memref<8x128xf32, #tpu.memory_space<vmem>>) dst(%dma_wait3A_407 : memref<8x128xf32, #tpu.memory_space<hbm>>)
    %dma_wait3A_411 = arith.constant 7 : i32
    %dma_wait3A_412 = arith.constant 56 : i32
    %dma_wait3A_413 = arith.constant 0 : i32
    %dma_wait3A_414 = tpu.memref_slice %arg9[%dma_wait3A_412, %dma_wait3A_413] : memref<64x128xf32, #tpu.memory_space<vmem>> -> memref<8x128xf32, #tpu.memory_space<vmem>>
    %dma_wait3A_415 = arith.constant 0 : i32
    %dma_wait3A_416 = arith.constant 0 : i32
    %dma_wait3A_417 = tpu.memref_slice %arg4[%select_n3A_289, %dma_wait3A_411, %select_n3A_305, %dma_wait3A_415, %dma_wait3A_416] : memref<200x8x8x8x128xf32, #tpu.memory_space<hbm>> -> memref<1x1x1x8x128xf32, #tpu.memory_space<hbm>>
    %dma_wait3A_418 = tpu.memref_squeeze %dma_wait3A_417 : memref<1x1x1x8x128xf32, #tpu.memory_space<hbm>> -> memref<8x128xf32, #tpu.memory_space<hbm>>
    %dma_wait3A_419 = arith.constant 0 : i32
    %dma_wait3A_420 = arith.constant 0 : i32
    %dma_wait3A_421 = tpu.memref_slice %arg4[%select_n3A_289, %dma_wait3A_411, %select_n3A_305, %dma_wait3A_419, %dma_wait3A_420] : memref<200x8x8x8x128xf32, #tpu.memory_space<hbm>> -> memref<1x1x1x8x128xf32, #tpu.memory_space<hbm>>
    %dma_wait3A_422 = tpu.memref_squeeze %dma_wait3A_421 : memref<1x1x1x8x128xf32, #tpu.memory_space<hbm>> -> memref<8x128xf32, #tpu.memory_space<hbm>>
    %dma_wait3A_423 = arith.constant 56 : i32
    %dma_wait3A_424 = arith.constant 0 : i32
    %dma_wait3A_425 = tpu.memref_slice %arg9[%dma_wait3A_423, %dma_wait3A_424] : memref<64x128xf32, #tpu.memory_space<vmem>> -> memref<8x128xf32, #tpu.memory_space<vmem>>
    tpu.wait_dma2 semaphore(%arg11 : memref<!tpu.dma_semaphore, #tpu.memory_space<semaphore_mem>>) src(%dma_wait3A_425 : memref<8x128xf32, #tpu.memory_space<vmem>>) dst(%dma_wait3A_422 : memref<8x128xf32, #tpu.memory_space<hbm>>)
    return
  }
}

</mosaic_0001>

<sc_bundles>
// kernel: kernel.3.cloned.1.call-start
scs
__scs_entry_jumppad:
0x0: {  	(pc) =	sbr.rel $0x88, $3  }
0x1: {  	(tag) =	ssettag $0x0;
	lr =	simm.s32 $0x1  }
0x2: {  	[smem:$0x3F9F] =	sst lr;
	_ =	strace $0xD0000000  }
0x3: {  	_ = 	snop  }
0x4: {  	_ = 	snop  }
0x5: {  	_ = 	snop  }
0x6: {  	_ = 	snop  }
0x7: {  	_ = 	snop  }
__scs_overlays_trampoline_lowered:
0x8: {  	[smem:$0x3FAE] =	sst s0  }
0x9: {  	[smem:$0x3FAF] =	sst s1  }
0xa: {  	[smem:$0x3FB0] =	sst s2  }
0xb: {  	[smem:$0x3FB1] =	sst s3  }
0xc: {  	[smem:$0x3FB2] =	sst s4  }
0xd: {  	[smem:$0x3FB3] =	sst s5  }
0xe: {  	[smem:$0x3FB4] =	sst s6  }
0xf: {  	[smem:$0x3FB5] =	sst s7  }
0x10: {  	[smem:$0x3FB6] =	sst s8  }
0x11: {  	[smem:$0x3FB7] =	sst s9;
	s0 =	simm.s32 @!p0 $0x0  }
0x12: {  	s1 =	sld [smem:$0x3F9D];
	s0 =	simm.s32 @p0 $0x1  }
0x13: {  	[smem:$0x3FB8] =	sst s0;
	s0 =	simm.s32 @!p1 $0x0  }
0x14: {  	s2 =	sld [smem:$0x3F9C];
	s0 =	simm.s32 @p1 $0x1  }
0x15: {  	[smem:$0x3FB9] =	sst s0;
	s0 =	simm.s32 @!p2 $0x0  }
0x16: {  	s3 =	sld [smem:$0x3FDB];
	s0 =	simm.s32 @p2 $0x1  }
0x17: {  	s4 =	simm.s32 $0x1BF5;
	[smem:$0x3FBB] =	sst s0  }
0x18: {  	s0 =	sld [smem:$0x3F9E];
	_ =	swait.ge [sflag:s4], $0x0  }
0x19: {  	s7 =	sld [smem:$0x3F9F]  }
0x1a: {  	s8 =	sadd.s32 $0xFFFFE003, lr  }
0x1b: {  	s9 =	sadd.s32 $0xFFFFFEF7, lr;
	s5 =	simm.s32 $0xFFFFFFFF;
	p2 =	slt.u32 s8, $0xFFFFF086  }
0x1c: {  	p1 =	slt.u32 s9, $0xF7A;
	s5 =	simm.s32 @!p2 $0x0  }
0x1d: {  	s5 =	simm.s32 @p1 $0x1;
	p0 =	seq.s32 s7, s2  }
0x1e: {  	s7 =	smul.u32 @!p0 $0xF7A, s2;
	p2 =	seq.s32 @!p0 s5, $0x0  }
0x1f: {  	s9 =	smul.u32 $0xF7A, s1;
	s8 =	simm.s32 @!p0 $0x1BF5;
	p2 =	por !p2, p0  }
0x20: {  	[sflag:s8] =	ssyncset.s32 @!p0 $0xFFFFF086;
	s6 =	sadd.s32 @!p0 s3, s7;
	s7 =	simm.s32 @!p0 $0x108  }
0x21: {  	s3 =	sadd.s32 s3, s9;
	s6 =	sadd.s32 @!p0 $0x88, s6;
	s7 =	simm.s32 @p2 $0x1082  }
0x22: {  	[simem:s7], [sflag:s8] =	dma.local @!p0 [hbm:s6], $0xF7A  }
0x23: {  	s9 =	sor.u32 $0xD0000000, s2;
	s6 =	simm.s32 $0x108;
	_ =	swait.ge @!p0 [sflag:s8], $0x0  }
0x24: {  	s3 =	sadd.s32 $0x88, s3;
	s6 =	simm.s32 @!p1 $0x1082;
	[sflag:s4] =	ssyncset.s32 $0xFFFFF086  }
0x25: {  	[simem:s6], [sflag:s4] =	dma.local [hbm:s3], $0xF7A  }
0x26: {  	[smem:$0x3F9F] =	sst s1;
	(tag) =	ssettag s2;
	_ =	strace s9  }
0x27: {  	s1 =	sld [smem:$0x3FAF]  }
0x28: {  	s2 =	sld [smem:$0x3FB0]  }
0x29: {  	s4 =	sld [smem:$0x3FB2]  }
0x2a: {  	p0 =	seq.s32 s5, $0x0;
	s5 =	sld [smem:$0x3FB3]  }
0x2b: {  	s6 =	sld [smem:$0x3FB4]  }
0x2c: {  	s7 =	sld [smem:$0x3FB5]  }
0x2d: {  	s3 =	simm.s32 $0x108;
	s8 =	sld [smem:$0x3FB6]  }
0x2e: {  	s3 =	simm.s32 @!p0 $0x1082;
	s9 =	sld [smem:$0x3FB7]  }
0x2f: {  	lr =	sadd.s32 s0, s3;
	s0 =	sld [smem:$0x3FAE]  }
0x30: {  	s3 =	sld [smem:$0x3FB1]  }
0x31: {  	[smem:$0x3FBA] =	sst s10  }
0x32: {  	s10 =	sld [smem:$0x3FB8];
	_ =	sdelay $0x3  }
0x33: {  	p0 =	seq.s32 s10, $0x1;
	s10 =	sld [smem:$0x3FBA];
	_ =	sdelay $0x3  }
0x34: {  	[smem:$0x3FBA] =	sst s10  }
0x35: {  	s10 =	sld [smem:$0x3FB9];
	_ =	sdelay $0x3  }
0x36: {  	p1 =	seq.s32 s10, $0x1;
	s10 =	sld [smem:$0x3FBA];
	_ =	sdelay $0x3  }
0x37: {  	[smem:$0x3FBA] =	sst s10  }
0x38: {  	s10 =	sld [smem:$0x3FBB]  }
0x39: {  	_ = 	snop;
	(pc) =	sbr.ind lr, $3  }
0x3a: {  	_ = 	snop  }
0x3b: {  	_ = 	snop  }
0x3c: {  	p2 =	seq.s32 s10, $0x1;
	s10 =	sld [smem:$0x3FBA]  }
0x3d: {  	_ =	shalt  }
0x3e: {  	_ =	shalt  }
0x3f: {  	_ =	shalt  }
0x40: {  	_ =	shalt  }
0x41: {  	_ =	shalt  }
0x42: {  	_ =	shalt  }
0x43: {  	_ =	shalt  }
0x44: {  	_ =	shalt  }
0x45: {  	_ =	shalt  }
0x46: {  	_ =	shalt  }
0x47: {  	_ =	shalt  }
0x48: {  	_ =	shalt  }
0x49: {  	_ =	shalt  }
0x4a: {  	_ =	shalt  }
0x4b: {  	_ =	shalt  }
0x4c: {  	_ =	shalt  }
0x4d: {  	_ =	shalt  }
0x4e: {  	_ =	shalt  }
0x4f: {  	_ =	shalt  }
0x50: {  	_ =	shalt  }
0x51: {  	_ =	shalt  }
0x52: {  	_ =	shalt  }
0x53: {  	_ =	shalt  }
0x54: {  	_ =	shalt  }
0x55: {  	_ =	shalt  }
0x56: {  	_ =	shalt  }
0x57: {  	_ =	shalt  }
0x58: {  	_ =	shalt  }
0x59: {  	_ =	shalt  }
0x5a: {  	_ =	shalt  }
0x5b: {  	_ =	shalt  }
0x5c: {  	_ =	shalt  }
0x5d: {  	_ =	shalt  }
0x5e: {  	_ =	shalt  }
0x5f: {  	_ =	shalt  }
0x60: {  	_ =	shalt  }
0x61: {  	_ =	shalt  }
0x62: {  	_ =	shalt  }
0x63: {  	_ =	shalt  }
0x64: {  	_ =	shalt  }
0x65: {  	_ =	shalt  }
0x66: {  	_ =	shalt  }
0x67: {  	_ =	shalt  }
0x68: {  	_ =	shalt  }
0x69: {  	_ =	shalt  }
0x6a: {  	_ =	shalt  }
0x6b: {  	_ =	shalt  }
0x6c: {  	_ =	shalt  }
0x6d: {  	_ =	shalt  }
0x6e: {  	_ =	shalt  }
0x6f: {  	_ =	shalt  }
0x70: {  	_ =	shalt  }
0x71: {  	_ =	shalt  }
0x72: {  	_ =	shalt  }
0x73: {  	_ =	shalt  }
0x74: {  	_ =	shalt  }
0x75: {  	_ =	shalt  }
0x76: {  	_ =	shalt  }
0x77: {  	_ =	shalt  }
0x78: {  	_ =	shalt  }
0x79: {  	_ =	shalt  }
0x7a: {  	_ =	shalt  }
0x7b: {  	_ =	shalt  }
0x7c: {  	_ =	shalt  }
0x7d: {  	_ =	shalt  }
0x7e: {  	_ =	shalt  }
0x7f: {  	_ =	shalt  }
0x80: {  	_ =	shalt  }
0x81: {  	_ =	shalt  }
0x82: {  	_ =	shalt  }
0x83: {  	_ =	shalt  }
0x84: {  	_ =	shalt  }
0x85: {  	_ =	shalt  }
0x86: {  	_ =	shalt  }
0x87: {  	_ =	shalt  }
.Lfunc_end0:
.L_simem_size_0:
called_computation_lowered:
.L_overlay_start_0:
0x88: {  	s2 =	sld [smem:$0x3FD9]  }
0x89: {  	s3 =	sld [smem:$0x3FFE];
	_ =	sdelay $0x1  }
0x8a: {  	s1 =	srdreg.scid  }
0x8b: {  	s0 =	sand.u32 $0x1, s1  }
0x8c: {  	s17 =	sshll.u32 s0, $0xA;
	s2 =	sadd.s32 s3, s2  }
0x8d: {  	s2 =	sadd.s32 s2, s17  }
0x8e: {  	[smem:$0x3FC6] =	sst s2  }
0x8f: {  	_ = 	snop  }
0x90: {  	s2 =	sld [smem:$0x3FD0];
	(tm) =	ssettm $0x1  }
0x91: {  	s18 =	sld [smem:$0x3FFB];
	_ =	sdelay $0x3  }
0x92: {  	_ =	strace s18  }
0x93: {  	s3 =	sld [smem:$0x3FFC];
	_ =	sdelay $0x3  }
0x94: {  	_ =	strace s3  }
0x95: {  	s3 =	sld [smem:$0x3FFD];
	_ =	sdelay $0x3  }
0x96: {  	_ =	strace s3  }
0x97: {  	_ =	strace $0x8FFFFFFF  }
0x98: {  	s19 =	sld [smem:$0x3FDB];
	_ =	sdelay $0x1  }
0x99: {  	s4 =	simm.s32 $_scs_section_size  }
0x9a: {  	s5 =	simm.s32 $_size__tile_overlayer_lowered;
	s6 =	simm.s32 $_tile_overlayer_lowered  }
0x9b: {  	s22 =	simm.s32 $0x1BFF;
	s21 =	sshll.u32 s6, $0x1;
	s3 =	sadd.s32 s4, s19  }
0x9c: {  	s7 =	simm.s32 $0x0;
	s20 =	sshll.u32 s5, $0x1;
	s5 =	sadd.s32 s21, s3  }
0x9d: {  	[timem:s7], [sflag:s22] =	dma.local [hbm:s5], s20  }
0x9e: {  	_ =	swait.ge [sflag:s22], s20  }
0x9f: {  	s4 =	ssub.s32 $0x0, s20;
	[sflag:s22] =	ssyncset.done $0x0  }
0xa0: {  	[sflag:s22] =	ssyncadd.s32 s4;
	_ =	sdelay $0x1  }
0xa1: {  	s23 =	simm.s32 $0x1B8B  }
0xa2: {  	_ =	swait.ge [sflag:s23], $0x1  }
0xa3: {  	[sflag:s23] =	ssyncset.done $0x0  }
0xa4: {  	s25 =	simm.s32 $0x1B8E;
	s24 =	sld [smem:$0x3FFE];
	[sflag:s23] =	ssyncadd.s32 $0xFFFFFFFF  }
0xa5: {  	s26 =	simm.s32 $execute0_lowered;
	[smem:$0x3FD2] =	sst s25  }
0xa6: {  	s5 =	sshll.u32 s26, $0x1;
	_ =	strace $0x80000046;
	[dreg:$0x1] =	wrdreg $0xFFFFFFFF  }
0xa7: {  	s28 =	simm.s32 $_size_execute0_lowered;
	s3 =	sadd.s32 s3, s5;
	[dreg:$0x0] =	wrdreg $0x0  }
0xa8: {  	s5 =	sshll.u32 s28, $0x1;
	[dreg:$0x2] =	wrdreg s3  }
0xa9: {  	[dreg:$0x3] =	wrdreg s5  }
0xaa: {  	[dreg:$0x4] =	wrdreg $0xC0  }
0xab: {  	_ =	task [dreg:s7], $0x5FFFF  }
0xac: {  	[dreg:$0x1] =	wrdreg $0xFFFFFFFF  }
0xad: {  	[dreg:$0x0] =	wrdreg $0x60  }
0xae: {  	[dreg:$0x2] =	wrdreg s24  }
0xaf: {  	[dreg:$0x3] =	wrdreg s2  }
0xb0: {  	[dreg:$0x4] =	wrdreg $0x9  }
0xb1: {  	_ =	task.clear_ibuf [dreg:s7], $0x5FFFF;
	_ =	strace $0x90000046  }
0xb2: {  	s29 =	simm.s32 $0x9;
	_ =	strace $0x80000048  }
0xb3: {  	_ =	swait.ge [sflag:s29], $0x1  }
0xb4: {  	[sflag:s29] =	ssyncadd.s32 $0xFFFFFFFF  }
0xb5: {  	_ =	strace $0x90000048  }
0xb6: {  	_ =	sfence  }
0xb7: {  	s30 =	sld [smem:$0x0];
	_ =	sdelay $0x2  }
0xb8: {  	s31 =	sshll.u32 s1, $0xD;
	s1 =	sshrl.u32 s1, $0x2  }
0xb9: {  	s3 =	sand.u32 $0x4000, s31;
	s1 =	sadd.s32 s1, s30  }
0xba: {  	s0 =	sor.u32 s3, s0;
	s1 =	sshll.u32 s1, $0x11  }
0xbb: {  	s0 =	sor.u32 s1, s0  }
0xbc: {  	s0 =	sadd.s32 $0x8F2B, s0  }
0xbd: {  	[sflag:s0] =	ssyncadd.remote.s32 $0x1  }
0xbe: {  	_ =	sfence.sel $0xFFFF  }
0xbf: {  	[dreg:$0x0] =	wrdreg $0xFFFFFFFF;
	(pc) =	sbr.abs _section_cstart, $3  }
0xc0: {  	[dreg:$0x1] =	wrdreg $0xFFFFFFFF  }
0xc1: {  	_ =	task.clear_ibuf [dreg:s7], $0x2FFFF;
	_ =	strace $0x9FFFFFFF  }
0xc2: {  	(tm) =	ssettm $0x7FFFFFFF  }
0xc3: {  	_ =	shalt  }
tec
execute0_lowered:
.L_overlay_start_1:
0x0: {  	(tag) =	ssettag $0x1  }
0x1: {  	v0 =	vimm.s32 $0xFEDCBA9;
	v1 =	vimm.s32 $0x87654321  }
0x2: {  	v4 =	vimm.s32 $0x10FEDCBA;
	v5 =	vimm.s32 $0x98765432;
	v6 =	vimm.s32 $0x210FEDCB  }
0x3: {  	v7 =	vimm.s32 $0xA9876543;
	v8 =	vimm.s32 $0xBA987654;
	v9 =	vimm.s32 $0x43210FED  }
0x4: {  	v10 =	vimm.s32 $0xCBA98765;
	v14 =	vimm.s32 $0xDCBA9876;
	v15 =	vimm.s32 $0x6543210F  }
0x5: {  	v16 =	vimm.s32 $0xFEDCBA98;
	v17 =	vimm.s32 $0xEDCBA987;
	v18 =	vimm.s32 $0x76543210  }
0x6: {  	v36 =	vimm.s32 $0x787;
	vm14 =	vcmask $0x300;
	v37 =	vimm.s32 $0x780  }
0x7: {  	vm13 =	vcmask $0x704;
	vm12 =	vcmask $0xB08;
	vm11 =	vcmask $0xF0C  }
0x8: {  	vm10 =	vcmask $0x1310;
	vm9 =	vcmask $0x1714;
	vm8 =	vcmask $0x1B18  }
0x9: {  	vm7 =	vcmask $0x1F1C;
	vm6 =	vcmask $0x2320;
	vm5 =	vcmask $0x2724  }
0xa: {  	vm4 =	vcmask $0x2B28;
	vm3 =	vcmask $0x2F2C;
	vm2 =	vcmask $0x3330  }
0xb: {  	vm1 =	vcmask $0x3734;
	vm0 =	vcmask $0x3B38;
	v39 =	vimm.s32 $0x781  }
0xc: {  	v40 =	vimm.s32 $0x782;
	v41 =	vimm.s32 $0x783;
	v43 =	vimm.s32 $0x784  }
0xd: {  	v44 =	vimm.s32 $0x785;
	v45 =	vimm.s32 $0x786;
	v47 =	vimm.s32 $0xF87  }
0xe: {  	v48 =	vimm.s32 $0xF80;
	v49 =	vimm.s32 $0xF81;
	v53 =	vimm.s32 $0xF82  }
0xf: {  	v0 =	vunpack.c.l.s4.s8 v0;
	v1 =	vunpack.c.l.s4.s8 v1;
	v4 =	vunpack.c.l.s4.s8 v4  }
0x10: {  	v5 =	vunpack.c.l.s4.s8 v5;
	v6 =	vunpack.c.l.s4.s8 v6;
	v8 =	vunpack.c.l.s4.s8 v8  }
0x11: {  	v9 =	vunpack.c.l.s4.s8 v9;
	v10 =	vunpack.c.l.s4.s8 v10;
	v14 =	vunpack.c.l.s4.s8 v14  }
0x12: {  	v16 =	vunpack.c.l.s4.s8 v16;
	v15 =	vunpack.c.l.s4.s8 v15;
	v17 =	vunpack.c.l.s4.s8 v17  }
0x13: {  	v18 =	vunpack.c.l.s4.s8 v18;
	v2 =	vunpack.c.0.s8.s32 v0;
	v1 =	vunpack.c.0.s8.s32 v1  }
0x14: {  	v54 =	vunpack.c.0.s8.s32 v4;
	v4 =	vunpack.c.l.s4.s8 v7;
	v5 =	vunpack.c.0.s8.s32 v5  }
0x15: {  	v6 =	vunpack.c.0.s8.s32 v6;
	v7 =	vimm.s32 $0x3210FEDC;
	v8 =	vunpack.c.0.s8.s32 v8  }
0x16: {  	v9 =	vunpack.c.0.s8.s32 v9;
	v10 =	vunpack.c.0.s8.s32 v10;
	v14 =	vunpack.c.0.s8.s32 v14  }
0x17: {  	v16 =	vunpack.c.0.s8.s32 v16;
	v15 =	vunpack.c.0.s8.s32 v15;
	v17 =	vunpack.c.0.s8.s32 v17  }
0x18: {  	v18 =	vunpack.c.0.s8.s32 v18;
	v7 =	vunpack.c.l.s4.s8 v7;
	v3 =	vcombine.low v1, v2  }
0x19: {  	v4 =	vunpack.c.0.s8.s32 v4;
	v11 =	vcombine.low v5, v54;
	v13 =	vcombine.low v10, v9  }
0x1a: {  	v16 =	vand.u32 $0xF, v16;
	v1 =	vcombine.low v2, v1;
	v61 =	vcombine.low v54, v5  }
0x1b: {  	v33 =	vcombine.low v15, v17;
	v2 =	vsel vm14, $0x0, v36;
	v54 =	vimm.s32 $0xF83  }
0x1c: {  	v7 =	vunpack.c.0.s8.s32 v7;
	v59 =	vcombine.low v16, v18;
	v2 =	vsel vm13, $0x81, v2  }
0x1d: {  	v31 =	vand.u32 $0xF, v3;
	v12 =	vcombine.low v4, v6;
	v55 =	vand.u32 $0xF, v11  }
0x1e: {  	v58 =	vand.u32 $0xF, v13;
	v13 =	vcombine.low v17, v15;
	v63 =	vcombine.low v6, v4  }
0x1f: {  	v28 =	vand.u32 $0xF, v1;
	v11 =	vcombine.low v9, v10;
	v29 =	vand.u32 $0xF, v61  }
0x20: {  	v3 =	vsel vm14, $0x1, v37;
	v2 =	vsel vm12, $0x102, v2;
	v36 =	vand.u32 $0xF, v33  }
0x21: {  	v1 =	vsel vm14, $0x2, v39;
	v61 =	vimm.s32 $0x1787;
	v9 =	vimm.s32 $0x1781  }
0x22: {  	v10 =	vimm.s32 $0x1782;
	v39 =	vimm.s32 $0x1783;
	v56 =	vcombine.low v8, v7  }
0x23: {  	[tilespmem:$0x1FD10] =	vst v55;
	v4 =	vcombine.low v7, v8;
	v3 =	vsel vm13, $0x82, v3;
	v2 =	vsel vm11, $0x183, v2  }
0x24: {  	[tilespmem:$0x1FD30] =	vst v59;
	v1 =	vsel vm13, $0x83, v1;
	v55 =	vimm.s32 $0xF84;
	v59 =	vimm.s32 $0xF85  }
0x25: {  	v19 =	vand.u32 $0xF, v12;
	v12 =	vimm.s32 $0x543210FE;
	v62 =	vand.u32 $0xF, v13  }
0x26: {  	v30 =	vand.u32 $0xF, v63;
	v34 =	vand.u32 $0xF, v11;
	v3 =	vsel vm12, $0x103, v3  }
0x27: {  	v2 =	vsel vm10, $0x204, v2;
	v1 =	vsel vm12, $0x104, v1;
	v63 =	vimm.s32 $0x1780  }
0x28: {  	v12 =	vunpack.c.l.s4.s8 v12;
	v38 =	vand.u32 $0xF, v56;
	v32 =	vand.u32 $0xF, v4  }
0x29: {  	v3 =	vsel vm11, $0x184, v3;
	v2 =	vsel vm9, $0x285, v2;
	v1 =	vsel vm11, $0x185, v1  }
0x2a: {  	v3 =	vsel vm10, $0x205, v3;
	v2 =	vsel vm8, $0x306, v2;
	v1 =	vsel vm10, $0x206, v1  }
0x2b: {  	v12 =	vunpack.c.0.s8.s32 v12;
	v3 =	vsel vm9, $0x286, v3;
	v2 =	vsel vm7, $0x387, v2  }
0x2c: {  	v1 =	vsel vm9, $0x287, v1;
	v3 =	vsel vm8, $0x307, v3;
	v2 =	vsel vm6, $0x400, v2  }
0x2d: {  	v1 =	vsel vm8, $0x300, v1;
	v57 =	vcombine.low v14, v12;
	v5 =	vcombine.low v12, v14  }
0x2e: {  	v3 =	vsel vm7, $0x380, v3;
	v2 =	vsel vm5, $0x481, v2;
	v1 =	vsel vm7, $0x381, v1  }
0x2f: {  	v3 =	vsel vm6, $0x401, v3;
	v2 =	vsel vm4, $0x502, v2;
	v1 =	vsel vm6, $0x402, v1  }
0x30: {  	v60 =	vand.u32 $0xF, v57;
	v35 =	vand.u32 $0xF, v5;
	v3 =	vsel vm5, $0x482, v3  }
0x31: {  	v2 =	vsel vm3, $0x583, v2;
	v1 =	vsel vm5, $0x483, v1;
	v3 =	vsel vm4, $0x503, v3  }
0x32: {  	[tilespmem:$0x1FD40] =	vst v60;
	v2 =	vsel vm2, $0x604, v2;
	v1 =	vsel vm4, $0x504, v1;
	v60 =	vimm.s32 $0xF86  }
0x33: {  	v3 =	vsel vm3, $0x584, v3;
	v2 =	vsel vm1, $0x685, v2;
	v1 =	vsel vm3, $0x585, v1  }
0x34: {  	v3 =	vsel vm2, $0x605, v3;
	v14 =	vsel vm0, $0x706, v2;
	v2 =	vsel vm14, $0x3, v40  }
0x35: {  	v1 =	vsel vm2, $0x606, v1;
	v3 =	vsel vm1, $0x686, v3;
	v2 =	vsel vm13, $0x84, v2  }
0x36: {  	v1 =	vsel vm1, $0x687, v1;
	v15 =	vsel vm0, $0x707, v3;
	v3 =	vsel vm14, $0x4, v41  }
0x37: {  	v2 =	vsel vm12, $0x105, v2;
	v42 =	vsel vm0, $0x700, v1;
	v1 =	vsel vm14, $0x5, v43  }
0x38: {  	v43 =	vimm.s32 $0x1785;
	v3 =	vsel vm13, $0x85, v3;
	v2 =	vsel vm11, $0x186, v2  }
0x39: {  	[tilespmem:$0x1FD60] =	vst v42;
	v1 =	vsel vm13, $0x86, v1;
	v42 =	vimm.s32 $0x1784;
	v3 =	vsel vm12, $0x106, v3  }
0x3a: {  	v2 =	vsel vm10, $0x207, v2;
	v1 =	vsel vm12, $0x107, v1;
	v3 =	vsel vm11, $0x187, v3  }
0x3b: {  	v2 =	vsel vm9, $0x280, v2;
	v1 =	vsel vm11, $0x180, v1;
	v3 =	vsel vm10, $0x200, v3  }
0x3c: {  	v2 =	vsel vm8, $0x301, v2;
	v1 =	vsel vm10, $0x201, v1;
	v3 =	vsel vm9, $0x281, v3  }
0x3d: {  	v2 =	vsel vm7, $0x382, v2;
	v1 =	vsel vm9, $0x282, v1;
	v3 =	vsel vm8, $0x302, v3  }
0x3e: {  	v2 =	vsel vm6, $0x403, v2;
	v1 =	vsel vm8, $0x303, v1;
	v3 =	vsel vm7, $0x383, v3  }
0x3f: {  	v2 =	vsel vm5, $0x484, v2;
	v1 =	vsel vm7, $0x384, v1;
	v3 =	vsel vm6, $0x404, v3  }
0x40: {  	v2 =	vsel vm4, $0x505, v2;
	v1 =	vsel vm6, $0x405, v1;
	v3 =	vsel vm5, $0x485, v3  }
0x41: {  	v2 =	vsel vm3, $0x586, v2;
	v1 =	vsel vm5, $0x486, v1;
	v3 =	vsel vm4, $0x506, v3  }
0x42: {  	v2 =	vsel vm2, $0x607, v2;
	v1 =	vsel vm4, $0x507, v1;
	v3 =	vsel vm3, $0x587, v3  }
0x43: {  	v2 =	vsel vm1, $0x680, v2;
	v1 =	vsel vm3, $0x580, v1;
	v3 =	vsel vm2, $0x600, v3  }
0x44: {  	v51 =	vsel vm0, $0x701, v2;
	v2 =	vsel vm14, $0x6, v44;
	v1 =	vsel vm2, $0x601, v1  }
0x45: {  	v3 =	vsel vm1, $0x681, v3;
	v2 =	vsel vm13, $0x87, v2;
	v1 =	vsel vm1, $0x682, v1  }
0x46: {  	v25 =	vsel vm0, $0x702, v3;
	v3 =	vsel vm14, $0x7, v45;
	v2 =	vsel vm12, $0x100, v2  }
0x47: {  	v6 =	vsel vm0, $0x703, v1;
	v1 =	vsel vm14, $0x800, v47;
	v3 =	vsel vm13, $0x80, v3  }
0x48: {  	v2 =	vsel vm11, $0x181, v2;
	v1 =	vsel vm13, $0x881, v1;
	v3 =	vsel vm12, $0x101, v3  }
0x49: {  	v2 =	vsel vm10, $0x202, v2;
	v1 =	vsel vm12, $0x902, v1;
	v3 =	vsel vm11, $0x182, v3  }
0x4a: {  	v2 =	vsel vm9, $0x283, v2;
	v1 =	vsel vm11, $0x983, v1;
	v3 =	vsel vm10, $0x203, v3  }
0x4b: {  	v2 =	vsel vm8, $0x304, v2;
	v1 =	vsel vm10, $0xA04, v1;
	v3 =	vsel vm9, $0x284, v3  }
0x4c: {  	v2 =	vsel vm7, $0x385, v2;
	v1 =	vsel vm9, $0xA85, v1;
	v3 =	vsel vm8, $0x305, v3  }
0x4d: {  	v2 =	vsel vm6, $0x406, v2;
	v1 =	vsel vm8, $0xB06, v1;
	v3 =	vsel vm7, $0x386, v3  }
0x4e: {  	v2 =	vsel vm5, $0x487, v2;
	v1 =	vsel vm7, $0xB87, v1;
	v3 =	vsel vm6, $0x407, v3  }
0x4f: {  	v2 =	vsel vm4, $0x500, v2;
	v1 =	vsel vm6, $0xC00, v1;
	v3 =	vsel vm5, $0x480, v3  }
0x50: {  	v2 =	vsel vm3, $0x581, v2;
	v1 =	vsel vm5, $0xC81, v1;
	v3 =	vsel vm4, $0x501, v3  }
0x51: {  	v2 =	vsel vm2, $0x602, v2;
	v1 =	vsel vm4, $0xD02, v1;
	v3 =	vsel vm3, $0x582, v3  }
0x52: {  	v2 =	vsel vm1, $0x683, v2;
	v1 =	vsel vm3, $0xD83, v1;
	v3 =	vsel vm2, $0x603, v3  }
0x53: {  	v44 =	vsel vm0, $0x704, v2;
	v2 =	vsel vm14, $0x801, v48;
	v1 =	vsel vm2, $0xE04, v1  }
0x54: {  	v3 =	vsel vm1, $0x684, v3;
	v2 =	vsel vm13, $0x882, v2;
	v1 =	vsel vm1, $0xE85, v1  }
0x55: {  	v21 =	vsel vm0, $0x705, v3;
	v3 =	vsel vm14, $0x802, v49;
	v2 =	vsel vm12, $0x903, v2  }
0x56: {  	v40 =	vsel vm0, $0xF06, v1;
	v1 =	vsel vm14, $0x803, v53;
	v49 =	vimm.s32 $0x1786  }
0x57: {  	v3 =	vsel vm13, $0x883, v3;
	v2 =	vsel vm11, $0x984, v2;
	v1 =	vsel vm13, $0x884, v1  }
0x58: {  	v3 =	vsel vm12, $0x904, v3;
	v2 =	vsel vm10, $0xA05, v2;
	v1 =	vsel vm12, $0x905, v1  }
0x59: {  	v3 =	vsel vm11, $0x985, v3;
	v2 =	vsel vm9, $0xA86, v2;
	v1 =	vsel vm11, $0x986, v1  }
0x5a: {  	v3 =	vsel vm10, $0xA06, v3;
	v2 =	vsel vm8, $0xB07, v2;
	v1 =	vsel vm10, $0xA07, v1  }
0x5b: {  	v3 =	vsel vm9, $0xA87, v3;
	v2 =	vsel vm7, $0xB80, v2;
	v1 =	vsel vm9, $0xA80, v1  }
0x5c: {  	v3 =	vsel vm8, $0xB00, v3;
	v2 =	vsel vm6, $0xC01, v2;
	v1 =	vsel vm8, $0xB01, v1  }
0x5d: {  	v3 =	vsel vm7, $0xB81, v3;
	v2 =	vsel vm5, $0xC82, v2;
	v1 =	vsel vm7, $0xB82, v1  }
0x5e: {  	v3 =	vsel vm6, $0xC02, v3;
	v2 =	vsel vm4, $0xD03, v2;
	v1 =	vsel vm6, $0xC03, v1  }
0x5f: {  	v3 =	vsel vm5, $0xC83, v3;
	v2 =	vsel vm3, $0xD84, v2;
	v1 =	vsel vm5, $0xC84, v1  }
0x60: {  	v3 =	vsel vm4, $0xD04, v3;
	v2 =	vsel vm2, $0xE05, v2;
	v1 =	vsel vm4, $0xD05, v1  }
0x61: {  	v3 =	vsel vm3, $0xD85, v3;
	v2 =	vsel vm1, $0xE86, v2;
	v1 =	vsel vm3, $0xD86, v1  }
0x62: {  	v3 =	vsel vm2, $0xE06, v3;
	v12 =	vsel vm0, $0xF07, v2;
	v2 =	vsel vm14, $0x804, v54  }
0x63: {  	v1 =	vsel vm2, $0xE07, v1;
	v50 =	vsel vm1, $0xE87, v3;
	v2 =	vsel vm13, $0x885, v2  }
0x64: {  	v3 =	vsel vm14, $0x805, v55;
	v1 =	vsel vm1, $0xE80, v1;
	v55 =	vimm.s32 $0x1F81  }
0x65: {  	v52 =	vsel vm0, $0xF00, v50;
	v2 =	vsel vm12, $0x906, v2;
	v3 =	vsel vm13, $0x886, v3  }
0x66: {  	v56 =	vsel vm0, $0xF01, v1;
	v1 =	vsel vm14, $0x806, v59;
	v50 =	vimm.s32 $0x1F87  }
0x67: {  	v59 =	vimm.s32 $0x1F84;
	[tilespmem:$0x1FD70] =	vst v52;
	v2 =	vsel vm11, $0x987, v2;
	v3 =	vsel vm12, $0x907, v3  }
0x68: {  	[tilespmem:$0x1FD80] =	vst v56;
	v1 =	vsel vm13, $0x887, v1;
	v52 =	vimm.s32 $0x1F80;
	v56 =	vimm.s32 $0x1F82  }
0x69: {  	v2 =	vsel vm10, $0xA00, v2;
	v3 =	vsel vm11, $0x980, v3;
	v1 =	vsel vm12, $0x900, v1  }
0x6a: {  	v2 =	vsel vm9, $0xA81, v2;
	v3 =	vsel vm10, $0xA01, v3;
	v1 =	vsel vm11, $0x981, v1  }
0x6b: {  	v2 =	vsel vm8, $0xB02, v2;
	v3 =	vsel vm9, $0xA82, v3;
	v1 =	vsel vm10, $0xA02, v1  }
0x6c: {  	v2 =	vsel vm7, $0xB83, v2;
	v3 =	vsel vm8, $0xB03, v3;
	v1 =	vsel vm9, $0xA83, v1  }
0x6d: {  	v2 =	vsel vm6, $0xC04, v2;
	v3 =	vsel vm7, $0xB84, v3;
	v1 =	vsel vm8, $0xB04, v1  }
0x6e: {  	v2 =	vsel vm5, $0xC85, v2;
	v3 =	vsel vm6, $0xC05, v3;
	v1 =	vsel vm7, $0xB85, v1  }
0x6f: {  	v2 =	vsel vm4, $0xD06, v2;
	v3 =	vsel vm5, $0xC86, v3;
	v1 =	vsel vm6, $0xC06, v1  }
0x70: {  	v2 =	vsel vm3, $0xD87, v2;
	v3 =	vsel vm4, $0xD07, v3;
	v1 =	vsel vm5, $0xC87, v1  }
0x71: {  	v2 =	vsel vm2, $0xE00, v2;
	v3 =	vsel vm3, $0xD80, v3;
	v1 =	vsel vm4, $0xD00, v1  }
0x72: {  	v2 =	vsel vm1, $0xE81, v2;
	v3 =	vsel vm2, $0xE01, v3;
	v1 =	vsel vm3, $0xD81, v1  }
0x73: {  	[tilespmem:$0x1FD20] =	vst v58;
	v57 =	vsel vm0, $0xF02, v2;
	v58 =	vsel vm1, $0xE82, v3;
	v2 =	vsel vm14, $0x807, v60  }
0x74: {  	v3 =	vsel vm14, $0x1000, v61;
	v1 =	vsel vm2, $0xE02, v1;
	v60 =	vimm.s32 $0x1F85  }
0x75: {  	v61 =	vimm.s32 $0x1F86;
	v4 =	vsel vm0, $0xF03, v58;
	v2 =	vsel vm13, $0x880, v2  }
0x76: {  	[tilespmem:$0x1FD90] =	vst v57;
	v3 =	vsel vm13, $0x1081, v3;
	v1 =	vsel vm1, $0xE83, v1;
	v57 =	vimm.s32 $0x1F83  }
0x77: {  	v2 =	vsel vm12, $0x901, v2;
	v3 =	vsel vm12, $0x1102, v3;
	v7 =	vsel vm0, $0xF04, v1  }
0x78: {  	v1 =	vsel vm14, $0x1001, v63;
	v2 =	vsel vm11, $0x982, v2;
	v3 =	vsel vm11, $0x1183, v3  }
0x79: {  	v1 =	vsel vm13, $0x1082, v1;
	v2 =	vsel vm10, $0xA03, v2;
	v3 =	vsel vm10, $0x1204, v3  }
0x7a: {  	v1 =	vsel vm12, $0x1103, v1;
	v2 =	vsel vm9, $0xA84, v2;
	v3 =	vsel vm9, $0x1285, v3  }
0x7b: {  	v1 =	vsel vm11, $0x1184, v1;
	v2 =	vsel vm8, $0xB05, v2;
	v3 =	vsel vm8, $0x1306, v3  }
0x7c: {  	v1 =	vsel vm10, $0x1205, v1;
	v2 =	vsel vm7, $0xB86, v2;
	v3 =	vsel vm7, $0x1387, v3  }
0x7d: {  	v1 =	vsel vm9, $0x1286, v1;
	v2 =	vsel vm6, $0xC07, v2;
	v3 =	vsel vm6, $0x1400, v3  }
0x7e: {  	v1 =	vsel vm8, $0x1307, v1;
	v2 =	vsel vm5, $0xC80, v2;
	v3 =	vsel vm5, $0x1481, v3  }
0x7f: {  	v1 =	vsel vm7, $0x1380, v1;
	v2 =	vsel vm4, $0xD01, v2;
	v3 =	vsel vm4, $0x1502, v3  }
0x80: {  	v1 =	vsel vm6, $0x1401, v1;
	v2 =	vsel vm3, $0xD82, v2;
	v3 =	vsel vm3, $0x1583, v3  }
0x81: {  	v1 =	vsel vm5, $0x1482, v1;
	v2 =	vsel vm2, $0xE03, v2;
	v3 =	vsel vm2, $0x1604, v3  }
0x82: {  	[tilespmem:$0x1FD50] =	vst v62;
	v1 =	vsel vm4, $0x1503, v1;
	v2 =	vsel vm1, $0xE84, v2;
	v62 =	vsel vm1, $0x1685, v3  }
0x83: {  	v3 =	vsel vm14, $0x1003, v10;
	v1 =	vsel vm3, $0x1584, v1;
	v41 =	vsel vm0, $0xF05, v2  }
0x84: {  	v13 =	vsel vm0, $0x1706, v62;
	v2 =	vsel vm14, $0x1002, v9;
	v3 =	vsel vm13, $0x1084, v3  }
0x85: {  	v1 =	vsel vm2, $0x1605, v1;
	v2 =	vsel vm13, $0x1083, v2;
	v3 =	vsel vm12, $0x1105, v3  }
0x86: {  	v1 =	vsel vm1, $0x1686, v1;
	v2 =	vsel vm12, $0x1104, v2;
	v3 =	vsel vm11, $0x1186, v3  }
0x87: {  	v16 =	vsel vm0, $0x1707, v1;
	v1 =	vsel vm14, $0x1004, v39;
	v2 =	vsel vm11, $0x1185, v2  }
0x88: {  	v3 =	vsel vm10, $0x1207, v3;
	v1 =	vsel vm13, $0x1085, v1;
	v2 =	vsel vm10, $0x1206, v2  }
0x89: {  	v3 =	vsel vm9, $0x1280, v3;
	v1 =	vsel vm12, $0x1106, v1;
	v2 =	vsel vm9, $0x1287, v2  }
0x8a: {  	v3 =	vsel vm8, $0x1301, v3;
	v1 =	vsel vm11, $0x1187, v1;
	v2 =	vsel vm8, $0x1300, v2  }
0x8b: {  	v3 =	vsel vm7, $0x1382, v3;
	v1 =	vsel vm10, $0x1200, v1;
	v2 =	vsel vm7, $0x1381, v2  }
0x8c: {  	v3 =	vsel vm6, $0x1403, v3;
	v1 =	vsel vm9, $0x1281, v1;
	v2 =	vsel vm6, $0x1402, v2  }
0x8d: {  	v3 =	vsel vm5, $0x1484, v3;
	v1 =	vsel vm8, $0x1302, v1;
	v2 =	vsel vm5, $0x1483, v2  }
0x8e: {  	v3 =	vsel vm4, $0x1505, v3;
	v1 =	vsel vm7, $0x1383, v1;
	v2 =	vsel vm4, $0x1504, v2  }
0x8f: {  	v3 =	vsel vm3, $0x1586, v3;
	v1 =	vsel vm6, $0x1404, v1;
	v2 =	vsel vm3, $0x1585, v2  }
0x90: {  	v3 =	vsel vm2, $0x1607, v3;
	v1 =	vsel vm5, $0x1485, v1;
	v2 =	vsel vm2, $0x1606, v2  }
0x91: {  	v37 =	vsel vm1, $0x1680, v3;
	v3 =	vsel vm14, $0x1006, v43;
	v1 =	vsel vm4, $0x1506, v1  }
0x92: {  	v11 =	vsel vm1, $0x1687, v2;
	v22 =	vsel vm0, $0x1701, v37;
	v2 =	vsel vm14, $0x1005, v42  }
0x93: {  	v3 =	vsel vm13, $0x1087, v3;
	v1 =	vsel vm3, $0x1587, v1;
	v17 =	vsel vm0, $0x1700, v11  }
0x94: {  	v2 =	vsel vm13, $0x1086, v2;
	v3 =	vsel vm12, $0x1100, v3;
	v1 =	vsel vm2, $0x1600, v1  }
0x95: {  	v2 =	vsel vm12, $0x1107, v2;
	v3 =	vsel vm11, $0x1181, v3;
	v1 =	vsel vm1, $0x1681, v1  }
0x96: {  	v2 =	vsel vm11, $0x1180, v2;
	v3 =	vsel vm10, $0x1202, v3;
	v20 =	vsel vm0, $0x1702, v1  }
0x97: {  	v1 =	vsel vm14, $0x1007, v49;
	v2 =	vsel vm10, $0x1201, v2;
	v3 =	vsel vm9, $0x1283, v3  }
0x98: {  	v1 =	vsel vm13, $0x1080, v1;
	v2 =	vsel vm9, $0x1282, v2;
	v3 =	vsel vm8, $0x1304, v3  }
0x99: {  	v1 =	vsel vm12, $0x1101, v1;
	v2 =	vsel vm8, $0x1303, v2;
	v3 =	vsel vm7, $0x1385, v3  }
0x9a: {  	v1 =	vsel vm11, $0x1182, v1;
	v2 =	vsel vm7, $0x1384, v2;
	v3 =	vsel vm6, $0x1406, v3  }
0x9b: {  	v1 =	vsel vm10, $0x1203, v1;
	v2 =	vsel vm6, $0x1405, v2;
	v3 =	vsel vm5, $0x1487, v3  }
0x9c: {  	v1 =	vsel vm9, $0x1284, v1;
	v2 =	vsel vm5, $0x1486, v2;
	v3 =	vsel vm4, $0x1500, v3  }
0x9d: {  	v1 =	vsel vm8, $0x1305, v1;
	v2 =	vsel vm4, $0x1507, v2;
	v3 =	vsel vm3, $0x1581, v3  }
0x9e: {  	v1 =	vsel vm7, $0x1386, v1;
	v2 =	vsel vm3, $0x1580, v2;
	v3 =	vsel vm2, $0x1602, v3  }
0x9f: {  	v1 =	vsel vm6, $0x1407, v1;
	v2 =	vsel vm2, $0x1601, v2;
	v47 =	vsel vm1, $0x1683, v3  }
0xa0: {  	v3 =	vsel vm14, $0x1801, v52;
	v1 =	vsel vm5, $0x1480, v1;
	v45 =	vsel vm1, $0x1682, v2  }
0xa1: {  	v48 =	vsel vm0, $0x1704, v47;
	v2 =	vsel vm14, $0x1800, v50;
	v3 =	vsel vm13, $0x1882, v3  }
0xa2: {  	v1 =	vsel vm4, $0x1501, v1;
	v58 =	vsel vm0, $0x1703, v45;
	v2 =	vsel vm13, $0x1881, v2  }
0xa3: {  	v3 =	vsel vm12, $0x1903, v3;
	v1 =	vsel vm3, $0x1582, v1;
	v2 =	vsel vm12, $0x1902, v2  }
0xa4: {  	v3 =	vsel vm11, $0x1984, v3;
	v1 =	vsel vm2, $0x1603, v1;
	v2 =	vsel vm11, $0x1983, v2  }
0xa5: {  	s3 =	stileid.u32;
	v3 =	vsel vm10, $0x1A05, v3;
	v1 =	vsel vm1, $0x1684, v1;
	v2 =	vsel vm10, $0x1A04, v2  }
0xa6: {  	s0 =	rddreg [dreg:$0x0];
	s4 =	sshll.u32 s3, $0x1;
	s3 =	simm.s32 $0x0;
	v3 =	vsel vm9, $0x1A86, v3;
	v39 =	vsel vm0, $0x1705, v1;
	v1 =	vsel vm14, $0x1802, v55  }
0xa7: {  	[smem:$0x7FF] =	sst s3;
	[tilespmem:$0x1FDA0] =	vst v48;
	v2 =	vsel vm9, $0x1A85, v2;
	v3 =	vsel vm8, $0x1B07, v3;
	v1 =	vsel vm13, $0x1883, v1  }
0xa8: {  	s2 =	rddreg [dreg:$0x1];
	_ =	strace $0x80000047;
	[tilespmem:$0x1FDB0] =	vst v28;
	v2 =	vsel vm8, $0x1B06, v2;
	v3 =	vsel vm7, $0x1B80, v3;
	v1 =	vsel vm12, $0x1904, v1  }
0xa9: {  	[tilespmem:$0x1FDC0] =	vst v29;
	v2 =	vsel vm7, $0x1B87, v2;
	v3 =	vsel vm6, $0x1C01, v3;
	v1 =	vsel vm11, $0x1985, v1  }
0xaa: {  	[tilespmem:$0x1FDD0] =	vst v30;
	v2 =	vsel vm6, $0x1C00, v2;
	v3 =	vsel vm5, $0x1C82, v3;
	v1 =	vsel vm10, $0x1A06, v1  }
0xab: {  	[tilespmem:$0x1FDE0] =	vst v31;
	v2 =	vsel vm5, $0x1C81, v2;
	v3 =	vsel vm4, $0x1D03, v3;
	v1 =	vsel vm9, $0x1A87, v1  }
0xac: {  	[tilespmem:$0x1FDF0] =	vst v34;
	v2 =	vsel vm4, $0x1D02, v2;
	v3 =	vsel vm3, $0x1D84, v3;
	v1 =	vsel vm8, $0x1B00, v1  }
0xad: {  	[tilespmem:$0x1FE00] =	vst v35;
	v2 =	vsel vm3, $0x1D83, v2;
	v3 =	vsel vm2, $0x1E05, v3;
	v1 =	vsel vm7, $0x1B81, v1  }
0xae: {  	[tilespmem:$0x1FE10] =	vst v36;
	v2 =	vsel vm2, $0x1E04, v2;
	v54 =	vsel vm1, $0x1E86, v3;
	v3 =	vsel vm14, $0x1804, v57  }
0xaf: {  	[tilespmem:$0x1FE20] =	vst v14;
	v53 =	vsel vm1, $0x1E85, v2;
	v2 =	vsel vm14, $0x1803, v56;
	v3 =	vsel vm13, $0x1885, v3  }
0xb0: {  	[tilespmem:$0x1FE30] =	vst v15;
	v1 =	vsel vm6, $0x1C02, v1;
	v2 =	vsel vm13, $0x1884, v2;
	v3 =	vsel vm12, $0x1906, v3  }
0xb1: {  	[tilespmem:$0x1FE40] =	vst v51;
	v48 =	vsel vm0, $0x1F07, v54;
	v2 =	vsel vm12, $0x1905, v2;
	v3 =	vsel vm11, $0x1987, v3  }
0xb2: {  	[tilespmem:$0x1FE50] =	vst v25;
	v1 =	vsel vm5, $0x1C83, v1;
	v2 =	vsel vm11, $0x1986, v2;
	v3 =	vsel vm10, $0x1A00, v3  }
0xb3: {  	[tilespmem:$0x1FE60] =	vst v6;
	v45 =	vsel vm0, $0x1F06, v53;
	v2 =	vsel vm10, $0x1A07, v2;
	v3 =	vsel vm9, $0x1A81, v3  }
0xb4: {  	[tilespmem:$0x1FE70] =	vst v44;
	v1 =	vsel vm4, $0x1D04, v1;
	v2 =	vsel vm9, $0x1A80, v2;
	v3 =	vsel vm8, $0x1B02, v3  }
0xb5: {  	[tilespmem:$0x1FE80] =	vst v21;
	v1 =	vsel vm3, $0x1D85, v1;
	v2 =	vsel vm8, $0x1B01, v2;
	v3 =	vsel vm7, $0x1B83, v3  }
0xb6: {  	[tilespmem:$0x1FE90] =	vst v40;
	v1 =	vsel vm2, $0x1E06, v1;
	v2 =	vsel vm7, $0x1B82, v2;
	v3 =	vsel vm6, $0x1C04, v3  }
0xb7: {  	[tilespmem:$0x1FEA0] =	vst v4;
	v1 =	vsel vm1, $0x1E87, v1;
	v2 =	vsel vm6, $0x1C03, v2;
	v3 =	vsel vm5, $0x1C85, v3  }
0xb8: {  	[tilespmem:$0x1FEB0] =	vst v7;
	v49 =	vsel vm0, $0x1F00, v1;
	v2 =	vsel vm5, $0x1C84, v2;
	v3 =	vsel vm4, $0x1D06, v3  }
0xb9: {  	[tilespmem:$0x1FEC0] =	vst v41;
	v1 =	vsel vm14, $0x1805, v59;
	v2 =	vsel vm4, $0x1D05, v2;
	v3 =	vsel vm3, $0x1D87, v3  }
0xba: {  	[tilespmem:$0x1FED0] =	vst v17;
	v1 =	vsel vm13, $0x1886, v1;
	v2 =	vsel vm3, $0x1D86, v2;
	v3 =	vsel vm2, $0x1E00, v3  }
0xbb: {  	[tilespmem:$0x1FEE0] =	vst v22;
	v1 =	vsel vm12, $0x1907, v1;
	v2 =	vsel vm2, $0x1E07, v2;
	v3 =	vsel vm1, $0x1E81, v3  }
0xbc: {  	[tilespmem:$0x1FEF0] =	vst v20;
	v2 =	vsel vm1, $0x1E80, v2;
	v47 =	vsel vm0, $0x1F02, v3;
	v3 =	vsel vm14, $0x1807, v61  }
0xbd: {  	[tilespmem:$0x1FF00] =	vst v58;
	v50 =	vsel vm0, $0x1F01, v2;
	v2 =	vsel vm14, $0x1806, v60;
	v3 =	vsel vm13, $0x1880, v3  }
0xbe: {  	[tilespmem:$0x1FFA0] =	vst v19;
	v1 =	vsel vm11, $0x1980, v1;
	v2 =	vsel vm13, $0x1887, v2;
	v3 =	vsel vm12, $0x1901, v3  }
0xbf: {  	[tilespmem:$0x1FFB0] =	vst v32;
	v1 =	vsel vm10, $0x1A01, v1;
	v2 =	vsel vm12, $0x1900, v2;
	v3 =	vsel vm11, $0x1982, v3  }
0xc0: {  	s17 =	simm.s32 $0x1900;
	[tilespmem:$0x1FFC0] =	vst v38;
	v1 =	vsel vm9, $0x1A82, v1;
	v2 =	vsel vm11, $0x1981, v2;
	v3 =	vsel vm10, $0x1A03, v3  }
0xc1: {  	s1 =	srdreg.scid;
	s19 =	simm.s32 $0x3900;
	s20 =	simm.s32 $0x5900;
	[tilespmem:$0x1FFD0] =	vst v16;
	v1 =	vsel vm8, $0x1B03, v1;
	v2 =	vsel vm10, $0x1A02, v2;
	v3 =	vsel vm9, $0x1A84, v3  }
0xc2: {  	s16 =	simm.s32 $0x80;
	s28 =	simm.s32 $0x7500;
	s29 =	simm.s32 $0x7900;
	[tilespmem:$0x1FFE0] =	vst v13;
	v1 =	vsel vm7, $0x1B84, v1;
	v2 =	vsel vm9, $0x1A83, v2;
	v3 =	vsel vm8, $0x1B05, v3  }
0xc3: {  	s18 =	simm.s32 $0x1;
	s30 =	simm.s32 $0x7D00;
	s31 =	simm.s32 $0x8100;
	[tilespmem:$0x1FFF0] =	vst v12;
	v1 =	vsel vm6, $0x1C05, v1;
	v2 =	vsel vm8, $0x1B04, v2;
	v3 =	vsel vm7, $0x1B86, v3  }
0xc4: {  	s14 =	simm.s32 $0x9100;
	s15 =	simm.s32 $0x9500;
	s21 =	simm.s32 $0x2;
	[tilespmem:$0x1FF10] =	vst v39;
	v1 =	vsel vm5, $0x1C86, v1;
	v2 =	vsel vm7, $0x1B85, v2;
	v3 =	vsel vm6, $0x1C07, v3  }
0xc5: {  	s1 =	sand.u32 $0x1, s1;
	s8 =	sadd.s32 $0x800, s2;
	s9 =	sadd.s32 $0xC00, s2;
	[tilespmem:$0x1FF30] =	vst v48;
	v1 =	vsel vm4, $0x1D07, v1;
	v2 =	vsel vm6, $0x1C06, v2;
	v3 =	vsel vm5, $0x1C80, v3  }
0xc6: {  	s10 =	sadd.s32 $0x1000, s2;
	s11 =	sadd.s32 $0x1400, s2;
	s5 =	sor.u32 s1, s4;
	[tilespmem:$0x1FF20] =	vst v45;
	v1 =	vsel vm3, $0x1D80, v1;
	v2 =	vsel vm5, $0x1C87, v2;
	v3 =	vsel vm4, $0x1D01, v3  }
0xc7: {  	s23 =	simm.s32 $0x0;
	s12 =	sadd.s32 $0x1800, s2;
	s6 =	smul.u32 $0x320, s5;
	[tilespmem:$0x1FF40] =	vst v49;
	v1 =	vsel vm2, $0x1E01, v1;
	v2 =	vsel vm4, $0x1D00, v2;
	v3 =	vsel vm3, $0x1D82, v3  }
0xc8: {  	s13 =	sadd.s32 $0x1C00, s2;
	s1 =	ssub.s32 $0x2, s1;
	s4 =	sadd.s32 $0x6800, s0;
	[tilespmem:$0x1FF60] =	vst v47;
	v1 =	vsel vm1, $0x1E82, v1;
	v2 =	vsel vm3, $0x1D81, v2;
	v3 =	vsel vm2, $0x1E03, v3  }
0xc9: {  	s7 =	sshrl.u32 s1, $0x1;
	s5 =	smul.u32 $0x32, s5;
	s0 =	sadd.s32 s6, s0;
	[tilespmem:$0x1FF50] =	vst v50;
	v62 =	vsel vm0, $0x1F03, v1;
	v2 =	vsel vm2, $0x1E02, v2;
	v3 =	vsel vm1, $0x1E84, v3  }
0xca: {  	s1 =	ssub.s32 s1, s7;
	s7 =	sadd.s32 $0x400, s2;
	s0 =	sadd.s32 $0x400, s0;
	[tilespmem:$0x1FF70] =	vst v62;
	v2 =	vsel vm1, $0x1E83, v2;
	v63 =	vsel vm0, $0x1F05, v3  }
0xcb: {  	v46 =	vlaneseq.u32;
	s26 =	smax.u32 s1, $0x1;
	s1 =	simm.s32 $0x8500;
	[dreg:$0x3] =	wrdreg s0;
	v2 =	vsel vm0, $0x1F04, v2;
	[tilespmem:$0x1FF90] =	vst v63  }
0xcc: {  	v24 =	vor.u32 $0x10, v46;
	s6 =	simm.s32 $0x8D00;
	v33 =	vor.u32 $0x20, v46;
	v42 =	vor.u32 $0x30, v46;
	[dreg:$0x4] =	wrdreg s26;
	s0 =	simm.s32 $0x8900;
	[tilespmem:$0x1FF80] =	vst v2  }
.LBB2_1:
0xcd: {  	[dreg:$0x5] =	wrdreg s23  }
0xce: {  	s22 =	rddreg [dreg:$0x3];
	s26 =	simm.s32 $0x3  }
0xcf: {  	[tilespmem:s3], [sflag:$0x3] =	stream.linear.gather [hbm4b:s22+s3], $0x1900, $0x38;
	[tilespmem:$0x9900] =	vst v63  }
0xd0: {  	_ =	swait.ge [sflag:s26], $0x1900  }
0xd1: {  	[sflag:s26] =	ssyncset.done $0x0  }
0xd2: {  	s22 =	simm.s32 $0x0;
	[sflag:s26] =	ssyncadd.s32 $0xFFFFE700  }
0xd3: {  	[tilespmem:s17], [sflag:$0x1] =	stream.indirect.gather [hbm4b:s4+s16], $0x40, s3, s16, $0xb8;
	[tilespmem:$0x9900] =	vst v63  }
.LBB2_2:
0xd4: {  	_ =	swait.ge [sflag:s18], $0x2000;
	s23 =	sshllo.u32 s22, $0x1  }
0xd5: {  	[sflag:s18] =	ssyncset.done $0x0;
	s24 =	sshll.u32 s23, $0x7  }
0xd6: {  	p0 =	seq.s32 s22, $0x0;
	[sflag:s18] =	ssyncadd.s32 $0xFFFFE000;
	s24 =	sand.u32 $0x3FFFFF80, s24  }
0xd7: {  	[tilespmem:s19], [sflag:$0x1] =	stream.indirect.gather [hbm4b:s4+s16], $0x40, s24, s16, $0xb8;
	[tilespmem:$0x9900] =	vst v63  }
0xd8: {  	s24 =	simm.s32 @!p0 $0x2  }
0xd9: {  	_ =	swait.ge @!p0 [sflag:s24], $0x400  }
0xda: {  	[sflag:s24] =	ssyncset.done @!p0 $0x0  }
0xdb: {  	[sflag:s24] =	ssyncadd.s32 @!p0 $0xFFFFFC00  }
0xdc: {  	_ =	swait.ge @!p0 [sflag:s24], $0x400  }
0xdd: {  	[sflag:s24] =	ssyncset.done @!p0 $0x0  }
0xde: {  	[sflag:s24] =	ssyncadd.s32 @!p0 $0xFFFFFC00  }
0xdf: {  	_ =	swait.ge @!p0 [sflag:s24], $0x400  }
0xe0: {  	[sflag:s24] =	ssyncset.done @!p0 $0x0  }
0xe1: {  	[sflag:s24] =	ssyncadd.s32 @!p0 $0xFFFFFC00  }
0xe2: {  	_ =	swait.ge @!p0 [sflag:s24], $0x400  }
0xe3: {  	[sflag:s24] =	ssyncset.done @!p0 $0x0  }
0xe4: {  	[sflag:s24] =	ssyncadd.s32 @!p0 $0xFFFFFC00  }
0xe5: {  	_ =	swait.ge @!p0 [sflag:s24], $0x400  }
0xe6: {  	[sflag:s24] =	ssyncset.done @!p0 $0x0  }
0xe7: {  	[sflag:s24] =	ssyncadd.s32 @!p0 $0xFFFFFC00  }
0xe8: {  	s25 =	simm.s32 $0x0;
	_ =	swait.ge @!p0 [sflag:s24], $0x400  }
0xe9: {  	v0 =	vor.u32 s25, v36;
	[sflag:s24] =	ssyncset.done @!p0 $0x0  }
0xea: {  	[tilespmem:$0x1FB30] =	vst v0;
	[sflag:s24] =	ssyncadd.s32 @!p0 $0xFFFFFC00  }
0xeb: {  	v1 =	vor.u32 s25, v35;
	_ =	swait.ge @!p0 [sflag:s24], $0x400  }
0xec: {  	v2 =	vor.u32 s25, v34;
	v49 =	vshll.u32 v0, $0x6;
	[tilespmem:$0x1FB00] =	vst v1  }
0xed: {  	v0 =	vshll.u32 v1, $0x6;
	[sflag:s24] =	ssyncset.done @!p0 $0x0;
	[tilespmem:$0x1FAF0] =	vst v2;
	v1 =	vor.u32 v46, v49  }
0xee: {  	[tilespmem:$0x1FB70] =	vst v0;
	[sflag:s24] =	ssyncadd.s32 @!p0 $0xFFFFFC00  }
0xef: {  	_ =	swait.ge @!p0 [sflag:s24], $0x400  }
0xf0: {  	[sflag:s24] =	ssyncset.done @!p0 $0x0  }
0xf1: {  	[sflag:s24] =	ssyncadd.s32 @!p0 $0xFFFFFC00  }
0xf2: {  	v1 =	vld.idx.msk [tilespmem:v1+s17+$0x0], $0xffff  }
0xf3: {  	v52 =	vshll.u32 v2, $0x6;
	v2 =	vor.u32 v46, v0;
	_ =	sdelay $0x2  }
0xf4: {  	v60 =	vor.u32 s25, v28  }
0xf5: {  	v0 =	vshll.u32 v60, $0x6;
	[tilespmem:$0x1FBA0] =	vst v1;
	v1 =	vld [tilespmem:$0x1FD50]  }
0xf6: {  	v3 =	vor.u32 v46, v52;
	v11 =	vor.u32 v46, v0;
	[tilespmem:$0x1FBE0] =	vst v0;
	v0 =	vld.idx.msk [tilespmem:v2+s17+$0x0], $0xffff;
	_ =	sdelay $0x3  }
0xf7: {  	v37 =	vor.u32 s25, v30;
	v56 =	vor.u32 s25, v1;
	v1 =	vld [tilespmem:$0x1FD40]  }
0xf8: {  	v53 =	vshll.u32 v37, $0x6;
	[tilespmem:$0x1FB90] =	vst v0;
	v0 =	vld.idx.msk [tilespmem:v3+s17+$0x0], $0xffff  }
0xf9: {  	v26 =	vmov v6;
	v5 =	vor.u32 v46, v53;
	v6 =	vld [tilespmem:$0x1FD30]  }
0xfa: {  	v43 =	vor.u32 s25, v32  }
0xfb: {  	v54 =	vshll.u32 v43, $0x6  }
0xfc: {  	v27 =	vor.u32 s25, v29;
	v4 =	vor.u32 v46, v54;
	v47 =	vor.u32 s25, v1  }
0xfd: {  	v23 =	vshll.u32 v27, $0x6;
	[tilespmem:$0x1FB80] =	vst v0;
	v0 =	vshll.u32 v47, $0x6  }
0xfe: {  	v48 =	vor.u32 s25, v6;
	v6 =	vor.u32 v46, v23;
	[tilespmem:$0x1FBC0] =	vst v0;
	v61 =	vor.u32 v46, v0;
	v0 =	vld.idx.msk [tilespmem:v5+s17+$0x0], $0xffff;
	_ =	sdelay $0x2  }
0xff: {  	v1 =	vld.idx.msk [tilespmem:v4+s17+$0x0], $0xffff;
	_ =	sdelay $0x1  }
0x100: {  	[tilespmem:$0x1FB50] =	vst v0;
	v0 =	vld.idx.msk [tilespmem:v6+s17+$0x0], $0xffff;
	_ =	sdelay $0x2  }
0x101: {  	[tilespmem:$0x1FB60] =	vst v1;
	v1 =	vld [tilespmem:$0x1FD10]  }
0x102: {  	[tilespmem:$0x1FBB0] =	vst v23;
	v23 =	vshll.u32 v48, $0x6  }
0x103: {  	v8 =	vor.u32 s25, v46;
	v20 =	vor.u32 v46, v23;
	[tilespmem:$0x1FB40] =	vst v0;
	v0 =	vld.idx.msk [tilespmem:v11+s17+$0x0], $0xffff  }
0x104: {  	v63 =	vshll.u32 v8, $0x6  }
0x105: {  	v62 =	vor.u32 v46, v63;
	v55 =	vshll.u32 v56, $0x6;
	v4 =	vor.u32 s25, v31;
	v6 =	vld [tilespmem:$0x1FD20]  }
0x106: {  	v59 =	vor.u32 v46, v55;
	v2 =	vshll.u32 v4, $0x6;
	v1 =	vor.u32 s25, v1  }
0x107: {  	[tilespmem:$0x1FBD0] =	vst v23;
	v23 =	vmov v7;
	v10 =	vor.u32 v46, v2;
	v7 =	vshll.u32 v1, $0x6  }
0x108: {  	v22 =	vmov v12;
	v3 =	vor.u32 s25, v19;
	v12 =	vor.u32 v46, v7;
	[tilespmem:$0x1FB20] =	vst v0;
	v0 =	vld.idx.msk [tilespmem:v20+s17+$0x0], $0xffff  }
0x109: {  	v45 =	vld [tilespmem:$0x1FD60];
	v5 =	vor.u32 s25, v38;
	v11 =	vshll.u32 v3, $0x6  }
0x10a: {  	v16 =	vld.idx.msk [tilespmem:v62+s17+$0x0], $0xffff;
	v57 =	vshll.u32 v5, $0x6;
	v6 =	vor.u32 s25, v6;
	v9 =	vor.u32 v46, v11  }
0x10b: {  	v13 =	vor.u32 v46, v57;
	v39 =	vshll.u32 v6, $0x6;
	v20 =	vld.idx.msk [tilespmem:v59+s17+$0x0], $0xffff;
	v59 =	vand.u32 $0x78, v8  }
0x10c: {  	v58 =	vand.u32 $0x78, v4;
	v17 =	vld.idx.msk [tilespmem:v10+s17+$0x0], $0xffff;
	v50 =	vor.u32 v46, v39;
	v10 =	vor.u32 v14, v59  }
0x10d: {  	v1 =	vand.u32 $0x78, v1;
	[tilespmem:$0x1FB10] =	vst v0;
	v0 =	vmov v14;
	v14 =	vld.idx.msk [tilespmem:v12+s17+$0x0], $0xffff;
	v12 =	vor.u32 v15, v58  }
0x10e: {  	v61 =	vld.idx.msk [tilespmem:v61+s17+$0x0], $0xffff;
	v3 =	vand.u32 $0x78, v3;
	v8 =	vor.u32 v45, v1  }
0x10f: {  	v4 =	vmov v15;
	v15 =	vld.idx.msk [tilespmem:v9+s17+$0x0], $0xffff;
	v9 =	vor.u32 v51, v3  }
0x110: {  	v19 =	vld.idx.msk [tilespmem:v13+s17+$0x0], $0xffff  }
0x111: {  	v18 =	vld.idx.msk [tilespmem:v50+s17+$0x0], $0xffff;
	[tilespmem:v10+s20+$0x0] =	vst.idx.msk $0xffff, v16  }
0x112: {  	[tilespmem:v12+s20+$0x0] =	vst.idx.msk $0xffff, v17  }
0x113: {  	[tilespmem:v8+s20+$0x0] =	vst.idx.msk $0xffff, v14;
	v8 =	vand.u32 $0x78, v48  }
0x114: {  	[tilespmem:v9+s20+$0x0] =	vst.idx.msk $0xffff, v15;
	v15 =	vor.u32 v0, v8;
	v0 =	vld [tilespmem:$0x1FAF0];
	_ =	sdelay $0x1  }
0x115: {  	v5 =	vand.u32 $0x78, v5  }
0x116: {  	v13 =	vor.u32 v25, v5;
	v6 =	vand.u32 $0x78, v6  }
0x117: {  	v62 =	vand.u32 $0x78, v27;
	v47 =	vand.u32 $0x78, v47;
	v10 =	vor.u32 v26, v6  }
0x118: {  	v16 =	vor.u32 v45, v62;
	v12 =	vor.u32 v44, v47;
	v45 =	vand.u32 $0x78, v0;
	v0 =	vld [tilespmem:$0x1FB00];
	_ =	sdelay $0x2  }
0x119: {  	v56 =	vand.u32 $0x78, v56;
	[tilespmem:v13+s20+$0x0] =	vst.idx.msk $0xffff, v19  }
0x11a: {  	v14 =	vor.u32 v21, v56;
	[tilespmem:v10+s20+$0x0] =	vst.idx.msk $0xffff, v18  }
0x11b: {  	[tilespmem:v12+s20+$0x0] =	vst.idx.msk $0xffff, v61;
	v61 =	vand.u32 $0x78, v0;
	v0 =	vld [tilespmem:$0x1FB10];
	_ =	sdelay $0x3  }
0x11c: {  	v9 =	vand.u32 $0x78, v60;
	[tilespmem:v14+s20+$0x0] =	vst.idx.msk $0xffff, v20  }
0x11d: {  	v13 =	vor.u32 v4, v9;
	[tilespmem:v15+s20+$0x0] =	vst.idx.msk $0xffff, v0;
	v0 =	vld [tilespmem:$0x1FB20];
	_ =	sdelay $0x4  }
0x11e: {  	[tilespmem:v13+s20+$0x0] =	vst.idx.msk $0xffff, v0;
	v0 =	vld [tilespmem:$0x1FB30];
	_ =	sdelay $0x4  }
0x11f: {  	v12 =	vand.u32 $0x78, v0;
	v0 =	vld [tilespmem:$0x1FB40];
	_ =	sdelay $0x3  }
0x120: {  	v60 =	vand.u32 $0x78, v37  }
0x121: {  	v17 =	vor.u32 v51, v60;
	[tilespmem:v16+s20+$0x0] =	vst.idx.msk $0xffff, v0;
	v0 =	vld [tilespmem:$0x1FB50];
	_ =	sdelay $0x3  }
0x122: {  	v10 =	vand.u32 $0x78, v43  }
0x123: {  	v14 =	vor.u32 v25, v10;
	[tilespmem:v17+s20+$0x0] =	vst.idx.msk $0xffff, v0;
	v0 =	vld [tilespmem:$0x1FB60];
	_ =	sdelay $0x4  }
0x124: {  	v15 =	vor.u32 v26, v45;
	[tilespmem:v14+s20+$0x0] =	vst.idx.msk $0xffff, v0;
	v0 =	vld [tilespmem:$0x1FB80];
	_ =	sdelay $0x4  }
0x125: {  	v13 =	vor.u32 v44, v61;
	[tilespmem:v15+s20+$0x0] =	vst.idx.msk $0xffff, v0;
	v0 =	vld [tilespmem:$0x1FB90];
	_ =	sdelay $0x4  }
0x126: {  	v16 =	vor.u32 v21, v12;
	[tilespmem:v13+s20+$0x0] =	vst.idx.msk $0xffff, v0;
	v0 =	vld [tilespmem:$0x1FBA0]  }
0x127: {  	v13 =	vor.u32 v24, v53;
	_ =	sdelay $0x3  }
0x128: {  	v4 =	vld [tilespmem:$0x1FBB0];
	[tilespmem:v16+s20+$0x0] =	vst.idx.msk $0xffff, v0  }
0x129: {  	v16 =	vor.u32 v24, v54;
	v0 =	vld.idx.msk [tilespmem:v13+s17+$0x0], $0xffff;
	_ =	sdelay $0x4  }
0x12a: {  	v21 =	vor.u32 v24, v4;
	[tilespmem:$0x1FC60] =	vst v0;
	v0 =	vld.idx.msk [tilespmem:v16+s17+$0x0], $0xffff;
	_ =	sdelay $0x4  }
0x12b: {  	v20 =	vor.u32 v24, v11;
	[tilespmem:$0x1FC70] =	vst v0;
	v0 =	vld.idx.msk [tilespmem:v21+s17+$0x0], $0xffff  }
0x12c: {  	v44 =	vld [tilespmem:$0x1FB70];
	_ =	sdelay $0x2  }
0x12d: {  	v27 =	vld [tilespmem:$0x1FBC0]  }
0x12e: {  	v18 =	vor.u32 v24, v7;
	[tilespmem:$0x1FC50] =	vst v0;
	v0 =	vld.idx.msk [tilespmem:v20+s17+$0x0], $0xffff  }
0x12f: {  	v14 =	vor.u32 v24, v44  }
0x130: {  	v17 =	vor.u32 v24, v49  }
0x131: {  	v15 =	vor.u32 v24, v52  }
0x132: {  	v13 =	vor.u32 v24, v27;
	v21 =	vld [tilespmem:$0x1FBD0]  }
0x133: {  	[tilespmem:$0x1FC00] =	vst v0;
	v0 =	vld.idx.msk [tilespmem:v18+s17+$0x0], $0xffff  }
0x134: {  	v37 =	vld.idx.msk [tilespmem:v14+s17+$0x0], $0xffff;
	v14 =	vor.u32 v24, v55  }
0x135: {  	v25 =	vld.idx.msk [tilespmem:v17+s17+$0x0], $0xffff  }
0x136: {  	v51 =	vld.idx.msk [tilespmem:v15+s17+$0x0], $0xffff;
	v17 =	vor.u32 v24, v2  }
0x137: {  	v13 =	vld.idx.msk [tilespmem:v13+s17+$0x0], $0xffff;
	v15 =	vor.u32 v24, v21  }
0x138: {  	v26 =	vor.u32 v24, v63;
	[tilespmem:$0x1FBF0] =	vst v0;
	v0 =	vld [tilespmem:$0x1FBE0]  }
0x139: {  	v14 =	vld.idx.msk [tilespmem:v14+s17+$0x0], $0xffff;
	_ =	sdelay $0x1  }
0x13a: {  	v19 =	vor.u32 v24, v57;
	v20 =	vld.idx.msk [tilespmem:v17+s17+$0x0], $0xffff  }
0x13b: {  	v17 =	vor.u32 v24, v39;
	v15 =	vld.idx.msk [tilespmem:v15+s17+$0x0], $0xffff  }
0x13c: {  	[tilespmem:$0x1FC10] =	vst v13;
	v13 =	vor.u32 v40, v59;
	v18 =	vld.idx.msk [tilespmem:v26+s17+$0x0], $0xffff;
	v16 =	vor.u32 v24, v0  }
0x13d: {  	v43 =	vld [tilespmem:$0x1FD70];
	[tilespmem:$0x1FC20] =	vst v14;
	v14 =	vor.u32 v22, v58  }
0x13e: {  	v48 =	vld [tilespmem:$0x1FD80]  }
0x13f: {  	v50 =	vld.idx.msk [tilespmem:v19+s17+$0x0], $0xffff  }
0x140: {  	v19 =	vld.idx.msk [tilespmem:v17+s17+$0x0], $0xffff;
	[tilespmem:$0x1FC30] =	vst v15  }
0x141: {  	v16 =	vld.idx.msk [tilespmem:v16+s17+$0x0], $0xffff;
	[tilespmem:v13+s20+$0x0] =	vst.idx.msk $0xffff, v18  }
0x142: {  	v15 =	vor.u32 v43, v1;
	[tilespmem:v14+s20+$0x0] =	vst.idx.msk $0xffff, v20;
	v20 =	vld [tilespmem:$0x1FBF0]  }
0x143: {  	v26 =	vld [tilespmem:$0x1FD90]  }
0x144: {  	v18 =	vld [tilespmem:$0x1FEA0];
	_ =	sdelay $0x1  }
0x145: {  	[tilespmem:$0x1FC40] =	vst v16  }
0x146: {  	v16 =	vor.u32 v48, v3;
	[tilespmem:v15+s20+$0x0] =	vst.idx.msk $0xffff, v20;
	v20 =	vld [tilespmem:$0x1FC00]  }
0x147: {  	v17 =	vor.u32 v26, v5  }
0x148: {  	v13 =	vor.u32 v18, v6;
	_ =	sdelay $0x2  }
0x149: {  	[tilespmem:v16+s20+$0x0] =	vst.idx.msk $0xffff, v20  }
0x14a: {  	[tilespmem:v17+s20+$0x0] =	vst.idx.msk $0xffff, v50  }
0x14b: {  	v14 =	vor.u32 v23, v47;
	[tilespmem:v13+s20+$0x0] =	vst.idx.msk $0xffff, v19;
	v19 =	vld [tilespmem:$0x1FC10];
	_ =	sdelay $0x4  }
0x14c: {  	v15 =	vor.u32 v41, v56;
	[tilespmem:v14+s20+$0x0] =	vst.idx.msk $0xffff, v19;
	v19 =	vld [tilespmem:$0x1FC20];
	_ =	sdelay $0x4  }
0x14d: {  	v16 =	vor.u32 v40, v8;
	[tilespmem:v15+s20+$0x0] =	vst.idx.msk $0xffff, v19;
	v19 =	vld [tilespmem:$0x1FC30];
	_ =	sdelay $0x4  }
0x14e: {  	v17 =	vor.u32 v22, v9;
	[tilespmem:v16+s20+$0x0] =	vst.idx.msk $0xffff, v19;
	v16 =	vor.u32 v18, v45;
	v18 =	vld [tilespmem:$0x1FC40];
	_ =	sdelay $0x4  }
0x14f: {  	v13 =	vor.u32 v43, v62;
	[tilespmem:v17+s20+$0x0] =	vst.idx.msk $0xffff, v18;
	v18 =	vld [tilespmem:$0x1FC50];
	_ =	sdelay $0x4  }
0x150: {  	v14 =	vor.u32 v48, v60;
	[tilespmem:v13+s20+$0x0] =	vst.idx.msk $0xffff, v18;
	v18 =	vld [tilespmem:$0x1FC60];
	_ =	sdelay $0x4  }
0x151: {  	v15 =	vor.u32 v26, v10;
	[tilespmem:v14+s20+$0x0] =	vst.idx.msk $0xffff, v18;
	v18 =	vld [tilespmem:$0x1FC70];
	_ =	sdelay $0x3  }
0x152: {  	v17 =	vor.u32 v23, v61  }
0x153: {  	v13 =	vor.u32 v41, v12;
	[tilespmem:v15+s20+$0x0] =	vst.idx.msk $0xffff, v18  }
0x154: {  	[tilespmem:v16+s20+$0x0] =	vst.idx.msk $0xffff, v51;
	v16 =	vor.u32 v33, v7;
	_ =	sdelay $0x2  }
0x155: {  	[tilespmem:v17+s20+$0x0] =	vst.idx.msk $0xffff, v37  }
0x156: {  	[tilespmem:v13+s20+$0x0] =	vst.idx.msk $0xffff, v25  }
0x157: {  	v19 =	vor.u32 v33, v0;
	v13 =	vor.u32 v33, v11;
	v25 =	vmov v0;
	v0 =	vld.idx.msk [tilespmem:v16+s17+$0x0], $0xffff;
	_ =	sdelay $0x4  }
0x158: {  	[tilespmem:$0x1FC80] =	vst v0;
	v0 =	vld.idx.msk [tilespmem:v13+s17+$0x0], $0xffff;
	_ =	sdelay $0x4  }
0x159: {  	v20 =	vor.u32 v33, v21;
	[tilespmem:$0x1FC90] =	vst v0;
	v0 =	vld.idx.msk [tilespmem:v19+s17+$0x0], $0xffff;
	_ =	sdelay $0x1  }
0x15a: {  	v17 =	vor.u32 v33, v49;
	_ =	sdelay $0x1  }
0x15b: {  	v15 =	vor.u32 v33, v39  }
0x15c: {  	v16 =	vor.u32 v33, v27;
	[tilespmem:$0x1FCC0] =	vst v0;
	v0 =	vld.idx.msk [tilespmem:v20+s17+$0x0], $0xffff  }
0x15d: {  	v18 =	vor.u32 v33, v2  }
0x15e: {  	v41 =	vld.idx.msk [tilespmem:v17+s17+$0x0], $0xffff;
	v17 =	vor.u32 v33, v63  }
0x15f: {  	v22 =	vld [tilespmem:$0x1FFE0];
	v13 =	vor.u32 v33, v55  }
0x160: {  	v48 =	vld.idx.msk [tilespmem:v15+s17+$0x0], $0xffff;
	v15 =	vor.u32 v33, v54  }
0x161: {  	[tilespmem:$0x1FCB0] =	vst v0;
	v0 =	vld.idx.msk [tilespmem:v16+s17+$0x0], $0xffff;
	v16 =	vor.u32 v33, v53  }
0x162: {  	v50 =	vmov v49;
	v14 =	vor.u32 v33, v57;
	v49 =	vld.idx.msk [tilespmem:v18+s17+$0x0], $0xffff  }
0x163: {  	v18 =	vld.idx.msk [tilespmem:v17+s17+$0x0], $0xffff  }
0x164: {  	v20 =	vld.idx.msk [tilespmem:v13+s17+$0x0], $0xffff  }
0x165: {  	v43 =	vmov v4;
	v17 =	vor.u32 v33, v44;
	v13 =	vor.u32 v33, v4;
	v4 =	vld.idx.msk [tilespmem:v15+s17+$0x0], $0xffff  }
0x166: {  	[tilespmem:$0x1FCA0] =	vst v0;
	v0 =	vld.idx.msk [tilespmem:v16+s17+$0x0], $0xffff  }
0x167: {  	v51 =	vld.idx.msk [tilespmem:v14+s17+$0x0], $0xffff;
	v14 =	vor.u32 v33, v52  }
0x168: {  	v37 =	vld [tilespmem:$0x1FFD0];
	_ =	sdelay $0x1  }
0x169: {  	[tilespmem:$0x1FCE0] =	vst v4;
	v4 =	vld.idx.msk [tilespmem:v17+s17+$0x0], $0xffff  }
0x16a: {  	[tilespmem:$0x1FCD0] =	vst v0;
	v0 =	vld [tilespmem:$0x1FED0]  }
0x16b: {  	v19 =	vmov v44;
	v44 =	vld.idx.msk [tilespmem:v14+s17+$0x0], $0xffff;
	v14 =	vor.u32 v22, v59  }
0x16c: {  	[tilespmem:$0x1FD00] =	vst v39;
	v39 =	vmov v27;
	v27 =	vld [tilespmem:$0x1FEE0];
	v15 =	vor.u32 v37, v58  }
0x16d: {  	v26 =	vld [tilespmem:$0x1FEF0]  }
0x16e: {  	v40 =	vld [tilespmem:$0x1FF00]  }
0x16f: {  	[tilespmem:$0x1FCF0] =	vst v4;
	v4 =	vld [tilespmem:$0x1FC80];
	v16 =	vor.u32 v0, v1  }
0x170: {  	v23 =	vmov v21;
	v21 =	vld.idx.msk [tilespmem:v13+s17+$0x0], $0xffff;
	[tilespmem:v14+s20+$0x0] =	vst.idx.msk $0xffff, v18  }
0x171: {  	v13 =	vor.u32 v27, v3;
	[tilespmem:v15+s20+$0x0] =	vst.idx.msk $0xffff, v49;
	v49 =	vld [tilespmem:$0x1FC90]  }
0x172: {  	v17 =	vor.u32 v26, v5  }
0x173: {  	v14 =	vor.u32 v40, v6;
	v18 =	vld [tilespmem:$0x1FDA0]  }
0x174: {  	[tilespmem:v16+s20+$0x0] =	vst.idx.msk $0xffff, v4;
	v4 =	vld [tilespmem:$0x1FF10];
	_ =	sdelay $0x1  }
0x175: {  	[tilespmem:v13+s20+$0x0] =	vst.idx.msk $0xffff, v49  }
0x176: {  	[tilespmem:v17+s20+$0x0] =	vst.idx.msk $0xffff, v51  }
0x177: {  	v15 =	vor.u32 v18, v47;
	[tilespmem:v14+s20+$0x0] =	vst.idx.msk $0xffff, v48;
	v14 =	vor.u32 v0, v62;
	v0 =	vld [tilespmem:$0x1FCA0]  }
0x178: {  	v16 =	vor.u32 v4, v56;
	_ =	sdelay $0x3  }
0x179: {  	[tilespmem:v15+s20+$0x0] =	vst.idx.msk $0xffff, v0  }
0x17a: {  	v13 =	vor.u32 v22, v8;
	[tilespmem:v16+s20+$0x0] =	vst.idx.msk $0xffff, v20;
	v20 =	vld [tilespmem:$0x1FCB0];
	_ =	sdelay $0x4  }
0x17b: {  	v17 =	vor.u32 v37, v9;
	[tilespmem:v13+s20+$0x0] =	vst.idx.msk $0xffff, v20;
	v20 =	vld [tilespmem:$0x1FCC0];
	_ =	sdelay $0x2  }
0x17c: {  	v15 =	vor.u32 v27, v60;
	v0 =	vld [tilespmem:$0x1FCD0];
	_ =	sdelay $0x1  }
0x17d: {  	[tilespmem:v17+s20+$0x0] =	vst.idx.msk $0xffff, v20  }
0x17e: {  	v16 =	vor.u32 v26, v10;
	[tilespmem:v14+s20+$0x0] =	vst.idx.msk $0xffff, v21;
	v14 =	vor.u32 v4, v12;
	v4 =	vld [tilespmem:$0x1FCE0]  }
0x17f: {  	v13 =	vor.u32 v40, v45  }
0x180: {  	v17 =	vor.u32 v18, v61;
	[tilespmem:v15+s20+$0x0] =	vst.idx.msk $0xffff, v0;
	v0 =	vld [tilespmem:$0x1FCF0];
	_ =	sdelay $0x2  }
0x181: {  	[tilespmem:v16+s20+$0x0] =	vst.idx.msk $0xffff, v4  }
0x182: {  	[tilespmem:v13+s20+$0x0] =	vst.idx.msk $0xffff, v44  }
0x183: {  	v18 =	vor.u32 v42, v43;
	[tilespmem:v17+s20+$0x0] =	vst.idx.msk $0xffff, v0;
	v0 =	vld [tilespmem:$0x1FD00];
	_ =	sdelay $0x2  }
0x184: {  	v15 =	vor.u32 v42, v39  }
0x185: {  	v4 =	vor.u32 v42, v19;
	v19 =	vor.u32 v42, v23;
	[tilespmem:v14+s20+$0x0] =	vst.idx.msk $0xffff, v41  }
0x186: {  	s24 =	sshll.u32 s22, $0x1;
	s25 =	simm.s32 $0x10;
	v16 =	vor.u32 v42, v50;
	v17 =	vor.u32 v42, v25;
	v14 =	vld.idx.msk [tilespmem:v18+s17+$0x0], $0xffff;
	v20 =	vor.u32 v42, v0  }
.LBB2_3:
0x187: {  	_ =	sdelay $0x1  }
0x188: {  	v0 =	vld [tilespmem:$0x1FD40]  }
0x189: {  	v19 =	vld.idx.msk [tilespmem:v19+s17+$0x0], $0xffff  }
0x18a: {  	v17 =	vld.idx.msk [tilespmem:v17+s17+$0x0], $0xffff  }
0x18b: {  	v20 =	vld.idx.msk [tilespmem:v20+s17+$0x0], $0xffff  }
0x18c: {  	v16 =	vld.idx.msk [tilespmem:v16+s17+$0x0], $0xffff  }
0x18d: {  	v15 =	vld.idx.msk [tilespmem:v15+s17+$0x0], $0xffff  }
0x18e: {  	v18 =	vld.idx.msk [tilespmem:v4+s17+$0x0], $0xffff  }
0x18f: {  	v11 =	vor.u32 v42, v11;
	v27 =	vld [tilespmem:$0x1FF20]  }
0x190: {  	v57 =	vor.u32 v42, v57;
	v26 =	vld [tilespmem:$0x1FF30]  }
0x191: {  	v7 =	vor.u32 v42, v7;
	v25 =	vld [tilespmem:$0x1FF40]  }
0x192: {  	v63 =	vor.u32 v42, v63;
	v23 =	vld [tilespmem:$0x1FF50]  }
0x193: {  	v2 =	vor.u32 v42, v2;
	v22 =	vld [tilespmem:$0x1FF60]  }
0x194: {  	v54 =	vor.u32 v42, v54;
	v11 =	vld.idx.msk [tilespmem:v11+s17+$0x0], $0xffff  }
0x195: {  	v52 =	vor.u32 v42, v52;
	v57 =	vld.idx.msk [tilespmem:v57+s17+$0x0], $0xffff  }
0x196: {  	v55 =	vor.u32 v42, v55;
	v7 =	vld.idx.msk [tilespmem:v7+s17+$0x0], $0xffff  }
0x197: {  	v53 =	vor.u32 v42, v53;
	v63 =	vld.idx.msk [tilespmem:v63+s17+$0x0], $0xffff  }
0x198: {  	v2 =	vld.idx.msk [tilespmem:v2+s17+$0x0], $0xffff;
	v59 =	vor.u32 v27, v59  }
0x199: {  	v54 =	vld.idx.msk [tilespmem:v54+s17+$0x0], $0xffff;
	v4 =	vor.u32 v26, v58  }
0x19a: {  	v52 =	vld.idx.msk [tilespmem:v52+s17+$0x0], $0xffff;
	v1 =	vor.u32 v25, v1  }
0x19b: {  	v55 =	vld.idx.msk [tilespmem:v55+s17+$0x0], $0xffff  }
0x19c: {  	v53 =	vld.idx.msk [tilespmem:v53+s17+$0x0], $0xffff  }
0x19d: {  	v21 =	vor.u32 s25, v0;
	v0 =	vld [tilespmem:$0x1FF70];
	[tilespmem:v59+s20+$0x0] =	vst.idx.msk $0xffff, v63  }
0x19e: {  	v39 =	vld [tilespmem:$0x1FF80];
	[tilespmem:v4+s20+$0x0] =	vst.idx.msk $0xffff, v2  }
0x19f: {  	[tilespmem:v1+s20+$0x0] =	vst.idx.msk $0xffff, v7;
	v7 =	vld [tilespmem:$0x1FF90]  }
0x1a0: {  	v3 =	vor.u32 v23, v3  }
0x1a1: {  	v5 =	vor.u32 v22, v5  }
0x1a2: {  	v6 =	vor.u32 v0, v6  }
0x1a3: {  	v2 =	vor.u32 v39, v47  }
0x1a4: {  	v1 =	vor.u32 v7, v56  }
0x1a5: {  	[tilespmem:v3+s20+$0x0] =	vst.idx.msk $0xffff, v11;
	v3 =	vor.u32 v27, v8  }
0x1a6: {  	[tilespmem:v5+s20+$0x0] =	vst.idx.msk $0xffff, v57  }
0x1a7: {  	v4 =	vor.u32 v26, v9;
	[tilespmem:v6+s20+$0x0] =	vst.idx.msk $0xffff, v20  }
0x1a8: {  	v5 =	vor.u32 v25, v62;
	[tilespmem:v2+s20+$0x0] =	vst.idx.msk $0xffff, v15  }
0x1a9: {  	v2 =	vor.u32 v23, v60;
	[tilespmem:v1+s20+$0x0] =	vst.idx.msk $0xffff, v55  }
0x1aa: {  	v1 =	vor.u32 v22, v10;
	[tilespmem:v3+s20+$0x0] =	vst.idx.msk $0xffff, v19;
	v3 =	vor.u32 v0, v45;
	v0 =	vld [tilespmem:$0x1FD20]  }
0x1ab: {  	s26 =	smov.u32 s25  }
0x1ac: {  	v10 =	vor.u32 s26, v35;
	[tilespmem:v4+s20+$0x0] =	vst.idx.msk $0xffff, v17;
	v4 =	vor.u32 v39, v61  }
0x1ad: {  	v20 =	vshll.u32 v10, $0x6;
	[tilespmem:v5+s20+$0x0] =	vst.idx.msk $0xffff, v14;
	v5 =	vor.u32 v7, v12  }
0x1ae: {  	[tilespmem:v2+s20+$0x0] =	vst.idx.msk $0xffff, v53;
	v2 =	vor.u32 v46, v20  }
0x1af: {  	v40 =	vshll.u32 v21, $0x6;
	[tilespmem:v1+s20+$0x0] =	vst.idx.msk $0xffff, v54;
	v6 =	vor.u32 s26, v0;
	v0 =	vld [tilespmem:$0x1FD30]  }
0x1b0: {  	v50 =	vor.u32 v46, v40;
	v9 =	vor.u32 s26, v38;
	[tilespmem:v3+s20+$0x0] =	vst.idx.msk $0xffff, v52  }
0x1b1: {  	v21 =	vand.u32 $0x78, v21;
	v57 =	vshll.u32 v9, $0x6;
	v12 =	vor.u32 s26, v36;
	[tilespmem:v4+s20+$0x0] =	vst.idx.msk $0xffff, v18  }
0x1b2: {  	v37 =	vld [tilespmem:$0x1FD10];
	v13 =	vmovc v21;
	v8 =	vor.u32 s26, v34;
	v21 =	vor.u32 v46, v57;
	v15 =	vshll.u32 v12, $0x6;
	[tilespmem:v5+s20+$0x0] =	vst.idx.msk $0xffff, v16  }
0x1b3: {  	v1 =	vor.u32 v46, v15;
	v52 =	vshll.u32 v8, $0x6;
	v27 =	vld.idx.msk [tilespmem:v2+s17+$0x0], $0xffff  }
0x1b4: {  	v22 =	vor.u32 s26, v32;
	v3 =	vor.u32 v46, v52;
	v25 =	vor.u32 s26, v0;
	v0 =	vld [tilespmem:$0x1FD50]  }
0x1b5: {  	v54 =	vshll.u32 v22, $0x6;
	v18 =	vor.u32 s26, v29;
	v34 =	vld.idx.msk [tilespmem:v50+s17+$0x0], $0xffff  }
0x1b6: {  	v23 =	vor.u32 s26, v28;
	v4 =	vor.u32 v46, v54;
	v17 =	vshll.u32 v18, $0x6;
	v50 =	vld [tilespmem:$0x1FD60]  }
0x1b7: {  	v5 =	vor.u32 s26, v30;
	v16 =	vshll.u32 v23, $0x6;
	v11 =	vor.u32 v46, v17;
	v21 =	vld.idx.msk [tilespmem:v21+s17+$0x0], $0xffff  }
0x1b8: {  	v53 =	vshll.u32 v5, $0x6;
	v47 =	vor.u32 v46, v16;
	v26 =	vld.idx.msk [tilespmem:v1+s17+$0x0], $0xffff  }
0x1b9: {  	v7 =	vor.u32 v46, v53;
	v28 =	vld.idx.msk [tilespmem:v3+s17+$0x0], $0xffff;
	v1 =	vor.u32 s26, v0  }
0x1ba: {  	v0 =	vld [tilespmem:$0x1FFA0];
	v55 =	vshll.u32 v1, $0x6  }
0x1bb: {  	v29 =	vld.idx.msk [tilespmem:v4+s17+$0x0], $0xffff;
	v49 =	vor.u32 v46, v55  }
0x1bc: {  	v19 =	vshll.u32 v25, $0x6;
	v32 =	vld.idx.msk [tilespmem:v11+s17+$0x0], $0xffff  }
0x1bd: {  	v3 =	vor.u32 s26, v31;
	v48 =	vor.u32 v46, v19;
	v36 =	vld.idx.msk [tilespmem:v47+s17+$0x0], $0xffff  }
0x1be: {  	v2 =	vshll.u32 v3, $0x6;
	v30 =	vld.idx.msk [tilespmem:v7+s17+$0x0], $0xffff;
	v56 =	vand.u32 $0x78, v1;
	v1 =	vor.u32 s26, v46  }
0x1bf: {  	v44 =	vor.u32 v46, v2;
	v63 =	vshll.u32 v1, $0x6;
	v51 =	vor.u32 s26, v0;
	v0 =	vld [tilespmem:$0x1FE20]  }
0x1c0: {  	[tilespmem:$0x1FAE0] =	vst v40;
	v59 =	vand.u32 $0x78, v1;
	v1 =	vor.u32 s26, v37;
	v31 =	vor.u32 v46, v63;
	v40 =	vld.idx.msk [tilespmem:v49+s17+$0x0], $0xffff  }
0x1c1: {  	v7 =	vshll.u32 v1, $0x6;
	v49 =	vld [tilespmem:$0x1FE30]  }
0x1c2: {  	v61 =	vand.u32 $0x78, v10;
	v14 =	vshll.u32 v6, $0x6;
	v38 =	vld.idx.msk [tilespmem:v48+s17+$0x0], $0xffff;
	v45 =	vor.u32 v46, v7  }
0x1c3: {  	v62 =	vand.u32 $0x78, v18;
	v18 =	vand.u32 $0x78, v8;
	v48 =	vld [tilespmem:$0x1FE40];
	v11 =	vshll.u32 v51, $0x6  }
0x1c4: {  	v60 =	vand.u32 $0x78, v5;
	v5 =	vand.u32 $0x78, v9;
	v9 =	vld.idx.msk [tilespmem:v44+s17+$0x0], $0xffff;
	v47 =	vor.u32 v46, v11  }
0x1c5: {  	v58 =	vand.u32 $0x78, v3;
	v8 =	vld.idx.msk [tilespmem:v31+s17+$0x0], $0xffff;
	v31 =	vor.u32 v46, v14;
	v10 =	vor.u32 v0, v59  }
0x1c6: {  	v1 =	vand.u32 $0x78, v1;
	v3 =	vand.u32 $0x78, v51;
	v51 =	vld [tilespmem:$0x1FE50];
	v37 =	vor.u32 v49, v58  }
0x1c7: {  	v41 =	vor.u32 v50, v1;
	v35 =	vld.idx.msk [tilespmem:v45+s17+$0x0], $0xffff  }
0x1c8: {  	v45 =	vld [tilespmem:$0x1FE60]  }
0x1c9: {  	v39 =	vld.idx.msk [tilespmem:v47+s17+$0x0], $0xffff  }
0x1ca: {  	v31 =	vld.idx.msk [tilespmem:v31+s17+$0x0], $0xffff;
	[tilespmem:v10+s20+$0x0] =	vst.idx.msk $0xffff, v8  }
0x1cb: {  	v47 =	vld [tilespmem:$0x1FE70];
	[tilespmem:v37+s20+$0x0] =	vst.idx.msk $0xffff, v9  }
0x1cc: {  	[tilespmem:v41+s20+$0x0] =	vst.idx.msk $0xffff, v35;
	v41 =	vld [tilespmem:$0x1FE80]  }
0x1cd: {  	v43 =	vor.u32 v48, v3  }
0x1ce: {  	v6 =	vand.u32 $0x78, v6;
	v44 =	vor.u32 v51, v5  }
0x1cf: {  	v10 =	vor.u32 v45, v6  }
0x1d0: {  	v37 =	vor.u32 v47, v13  }
0x1d1: {  	v8 =	vand.u32 $0x78, v25;
	v35 =	vor.u32 v41, v56  }
0x1d2: {  	v25 =	vor.u32 v0, v8;
	v9 =	vand.u32 $0x78, v23;
	[tilespmem:v43+s20+$0x0] =	vst.idx.msk $0xffff, v39  }
0x1d3: {  	[tilespmem:v44+s20+$0x0] =	vst.idx.msk $0xffff, v21;
	v21 =	vor.u32 v49, v9  }
0x1d4: {  	v23 =	vor.u32 v50, v62;
	[tilespmem:v10+s20+$0x0] =	vst.idx.msk $0xffff, v31  }
0x1d5: {  	v31 =	vor.u32 v48, v60;
	v10 =	vand.u32 $0x78, v22;
	[tilespmem:v37+s20+$0x0] =	vst.idx.msk $0xffff, v34  }
0x1d6: {  	v22 =	vor.u32 v51, v10;
	[tilespmem:v35+s20+$0x0] =	vst.idx.msk $0xffff, v40  }
0x1d7: {  	[tilespmem:v25+s20+$0x0] =	vst.idx.msk $0xffff, v38;
	v25 =	vor.u32 v45, v18  }
0x1d8: {  	v12 =	vand.u32 $0x78, v12;
	v51 =	vld [tilespmem:$0x1FAE0];
	[tilespmem:v21+s20+$0x0] =	vst.idx.msk $0xffff, v36;
	v21 =	vor.u32 v47, v61  }
0x1d9: {  	[tilespmem:v23+s20+$0x0] =	vst.idx.msk $0xffff, v32;
	v23 =	vor.u32 v41, v12  }
0x1da: {  	v0 =	vld [tilespmem:$0x1FD80];
	[tilespmem:v31+s20+$0x0] =	vst.idx.msk $0xffff, v30;
	v30 =	vor.u32 v24, v15  }
0x1db: {  	v50 =	vld [tilespmem:$0x1FEA0];
	v31 =	vor.u32 v24, v2;
	[tilespmem:v22+s20+$0x0] =	vst.idx.msk $0xffff, v29  }
0x1dc: {  	v49 =	vld [tilespmem:$0x1FD90];
	v41 =	vor.u32 v24, v63;
	[tilespmem:v25+s20+$0x0] =	vst.idx.msk $0xffff, v28  }
0x1dd: {  	v48 =	vld [tilespmem:$0x1FE90];
	v43 =	vor.u32 v24, v51;
	[tilespmem:v21+s20+$0x0] =	vst.idx.msk $0xffff, v27  }
0x1de: {  	v44 =	vor.u32 v24, v55;
	v47 =	vmov v13;
	v13 =	vld [tilespmem:$0x1FFF0];
	[tilespmem:v23+s20+$0x0] =	vst.idx.msk $0xffff, v26  }
0x1df: {  	v45 =	vor.u32 v24, v19;
	v27 =	vld.idx.msk [tilespmem:v30+s17+$0x0], $0xffff  }
0x1e0: {  	v31 =	vld.idx.msk [tilespmem:v31+s17+$0x0], $0xffff  }
0x1e1: {  	v37 =	vor.u32 v24, v16;
	v32 =	vld.idx.msk [tilespmem:v41+s17+$0x0], $0xffff  }
0x1e2: {  	v38 =	vor.u32 v24, v14;
	v34 =	vld.idx.msk [tilespmem:v43+s17+$0x0], $0xffff  }
0x1e3: {  	v22 =	vor.u32 v24, v20;
	v35 =	vld.idx.msk [tilespmem:v44+s17+$0x0], $0xffff  }
0x1e4: {  	v29 =	vor.u32 v24, v11;
	v36 =	vld.idx.msk [tilespmem:v45+s17+$0x0], $0xffff  }
0x1e5: {  	v25 =	vor.u32 v24, v52;
	v45 =	vld [tilespmem:$0x1FD70]  }
0x1e6: {  	v28 =	vor.u32 v24, v57;
	v37 =	vld.idx.msk [tilespmem:v37+s17+$0x0], $0xffff  }
0x1e7: {  	v21 =	vor.u32 v24, v53;
	v38 =	vld.idx.msk [tilespmem:v38+s17+$0x0], $0xffff  }
0x1e8: {  	v23 =	vor.u32 v24, v54;
	v22 =	vld.idx.msk [tilespmem:v22+s17+$0x0], $0xffff  }
0x1e9: {  	v26 =	vor.u32 v24, v17;
	v29 =	vld.idx.msk [tilespmem:v29+s17+$0x0], $0xffff  }
0x1ea: {  	v39 =	vor.u32 v48, v59;
	v30 =	vor.u32 v24, v7;
	v25 =	vld.idx.msk [tilespmem:v25+s17+$0x0], $0xffff  }
0x1eb: {  	v40 =	vor.u32 v13, v58;
	v28 =	vld.idx.msk [tilespmem:v28+s17+$0x0], $0xffff  }
0x1ec: {  	v21 =	vld.idx.msk [tilespmem:v21+s17+$0x0], $0xffff  }
0x1ed: {  	v23 =	vld.idx.msk [tilespmem:v23+s17+$0x0], $0xffff  }
0x1ee: {  	v26 =	vld.idx.msk [tilespmem:v26+s17+$0x0], $0xffff  }
0x1ef: {  	v30 =	vld.idx.msk [tilespmem:v30+s17+$0x0], $0xffff;
	[tilespmem:v39+s20+$0x0] =	vst.idx.msk $0xffff, v32  }
0x1f0: {  	[tilespmem:v40+s20+$0x0] =	vst.idx.msk $0xffff, v31;
	v40 =	vld [tilespmem:$0x1FEB0]  }
0x1f1: {  	v41 =	vor.u32 v45, v1;
	v39 =	vld [tilespmem:$0x1FEC0]  }
0x1f2: {  	v43 =	vor.u32 v0, v3  }
0x1f3: {  	v44 =	vor.u32 v49, v5  }
0x1f4: {  	v32 =	vor.u32 v50, v6  }
0x1f5: {  	v31 =	vor.u32 v40, v47  }
0x1f6: {  	[tilespmem:v41+s20+$0x0] =	vst.idx.msk $0xffff, v30;
	v30 =	vor.u32 v39, v56  }
0x1f7: {  	[tilespmem:v43+s20+$0x0] =	vst.idx.msk $0xffff, v29;
	v29 =	vor.u32 v48, v8  }
0x1f8: {  	[tilespmem:v44+s20+$0x0] =	vst.idx.msk $0xffff, v28;
	v28 =	vor.u32 v13, v9  }
0x1f9: {  	v41 =	vor.u32 v45, v62;
	[tilespmem:v32+s20+$0x0] =	vst.idx.msk $0xffff, v38  }
0x1fa: {  	[tilespmem:v31+s20+$0x0] =	vst.idx.msk $0xffff, v34;
	v31 =	vor.u32 v0, v60  }
0x1fb: {  	[tilespmem:v30+s20+$0x0] =	vst.idx.msk $0xffff, v35;
	v30 =	vor.u32 v49, v10  }
0x1fc: {  	[tilespmem:v29+s20+$0x0] =	vst.idx.msk $0xffff, v36;
	v29 =	vor.u32 v50, v18  }
0x1fd: {  	[tilespmem:v28+s20+$0x0] =	vst.idx.msk $0xffff, v37;
	v28 =	vor.u32 v40, v61  }
0x1fe: {  	[tilespmem:v41+s20+$0x0] =	vst.idx.msk $0xffff, v26;
	v26 =	vor.u32 v39, v12  }
0x1ff: {  	[tilespmem:v31+s20+$0x0] =	vst.idx.msk $0xffff, v21;
	v21 =	vor.u32 v33, v57  }
0x200: {  	v31 =	vor.u32 v33, v55;
	[tilespmem:v30+s20+$0x0] =	vst.idx.msk $0xffff, v23  }
0x201: {  	v43 =	vor.u32 v33, v63;
	[tilespmem:v29+s20+$0x0] =	vst.idx.msk $0xffff, v25  }
0x202: {  	v44 =	vor.u32 v33, v52;
	v13 =	vld [tilespmem:$0x1FFD0];
	[tilespmem:v28+s20+$0x0] =	vst.idx.msk $0xffff, v22  }
0x203: {  	v45 =	vor.u32 v33, v54;
	v0 =	vld [tilespmem:$0x1FFE0];
	[tilespmem:v26+s20+$0x0] =	vst.idx.msk $0xffff, v27  }
0x204: {  	v48 =	vor.u32 v33, v53;
	v21 =	vld.idx.msk [tilespmem:v21+s17+$0x0], $0xffff  }
0x205: {  	v31 =	vld.idx.msk [tilespmem:v31+s17+$0x0], $0xffff  }
0x206: {  	v49 =	vor.u32 v33, v17;
	v32 =	vld.idx.msk [tilespmem:v43+s17+$0x0], $0xffff  }
0x207: {  	v34 =	vld.idx.msk [tilespmem:v44+s17+$0x0], $0xffff  }
0x208: {  	v4 =	vor.u32 v42, v20;
	v20 =	vor.u32 v33, v20;
	v35 =	vld.idx.msk [tilespmem:v45+s17+$0x0], $0xffff  }
0x209: {  	v36 =	vld.idx.msk [tilespmem:v48+s17+$0x0], $0xffff  }
0x20a: {  	v44 =	vld [tilespmem:$0x1FED0]  }
0x20b: {  	v23 =	vor.u32 v33, v14;
	v37 =	vld.idx.msk [tilespmem:v49+s17+$0x0], $0xffff  }
0x20c: {  	v30 =	vor.u32 v33, v51;
	v45 =	vld [tilespmem:$0x1FEE0]  }
0x20d: {  	v25 =	vor.u32 v33, v7;
	v20 =	vld.idx.msk [tilespmem:v20+s17+$0x0], $0xffff  }
0x20e: {  	v27 =	vor.u32 v33, v2;
	v48 =	vld [tilespmem:$0x1FEF0]  }
0x20f: {  	v29 =	vor.u32 v33, v19;
	v49 =	vld [tilespmem:$0x1FF00]  }
0x210: {  	v22 =	vor.u32 v33, v15;
	v23 =	vld.idx.msk [tilespmem:v23+s17+$0x0], $0xffff  }
0x211: {  	v28 =	vor.u32 v33, v16;
	v30 =	vld.idx.msk [tilespmem:v30+s17+$0x0], $0xffff  }
0x212: {  	v38 =	vor.u32 v0, v59;
	v26 =	vor.u32 v33, v11;
	v25 =	vld.idx.msk [tilespmem:v25+s17+$0x0], $0xffff  }
0x213: {  	v39 =	vor.u32 v13, v58;
	v27 =	vld.idx.msk [tilespmem:v27+s17+$0x0], $0xffff  }
0x214: {  	v29 =	vld.idx.msk [tilespmem:v29+s17+$0x0], $0xffff  }
0x215: {  	v22 =	vld.idx.msk [tilespmem:v22+s17+$0x0], $0xffff  }
0x216: {  	v28 =	vld.idx.msk [tilespmem:v28+s17+$0x0], $0xffff  }
0x217: {  	v26 =	vld.idx.msk [tilespmem:v26+s17+$0x0], $0xffff;
	[tilespmem:v38+s20+$0x0] =	vst.idx.msk $0xffff, v32  }
0x218: {  	[tilespmem:v39+s20+$0x0] =	vst.idx.msk $0xffff, v27;
	v39 =	vld [tilespmem:$0x1FDA0]  }
0x219: {  	v50 =	vld [tilespmem:$0x1FF10];
	v40 =	vor.u32 v44, v1  }
0x21a: {  	v41 =	vor.u32 v45, v3  }
0x21b: {  	v43 =	vor.u32 v48, v5  }
0x21c: {  	v32 =	vor.u32 v49, v6  }
0x21d: {  	v27 =	vor.u32 v39, v47  }
0x21e: {  	[tilespmem:v40+s20+$0x0] =	vst.idx.msk $0xffff, v25;
	v25 =	vor.u32 v50, v56  }
0x21f: {  	[tilespmem:v41+s20+$0x0] =	vst.idx.msk $0xffff, v26;
	v26 =	vor.u32 v0, v8  }
0x220: {  	[tilespmem:v43+s20+$0x0] =	vst.idx.msk $0xffff, v21;
	v21 =	vor.u32 v13, v9  }
0x221: {  	[tilespmem:v32+s20+$0x0] =	vst.idx.msk $0xffff, v23;
	v23 =	vor.u32 v44, v62  }
0x222: {  	[tilespmem:v27+s20+$0x0] =	vst.idx.msk $0xffff, v30;
	v27 =	vor.u32 v45, v60  }
0x223: {  	v38 =	vld [tilespmem:$0x1FFC0];
	[tilespmem:v25+s20+$0x0] =	vst.idx.msk $0xffff, v31;
	v25 =	vor.u32 v48, v10  }
0x224: {  	v32 =	vld [tilespmem:$0x1FFB0];
	[tilespmem:v26+s20+$0x0] =	vst.idx.msk $0xffff, v29;
	v26 =	vor.u32 v49, v18  }
0x225: {  	v30 =	vld [tilespmem:$0x1FDD0];
	[tilespmem:v21+s20+$0x0] =	vst.idx.msk $0xffff, v28;
	v21 =	vor.u32 v39, v61  }
0x226: {  	v31 =	vld [tilespmem:$0x1FDE0];
	[tilespmem:v23+s20+$0x0] =	vst.idx.msk $0xffff, v37;
	v23 =	vor.u32 v50, v12  }
0x227: {  	p0 =	sne.s32 s25, $0x70;
	v29 =	vld [tilespmem:$0x1FDC0];
	[tilespmem:v27+s20+$0x0] =	vst.idx.msk $0xffff, v36;
	v27 =	vor.u32 v42, v17  }
.Ltmp0:
0x228: {  	v28 =	vld [tilespmem:$0x1FDB0];
	[tilespmem:v25+s20+$0x0] =	vst.idx.msk $0xffff, v35;
	(pc) =	sbr.rel @p0 .LBB2_3-.Ltmp0, $4  }
0x229: {  	v36 =	vld [tilespmem:$0x1FE10];
	[tilespmem:v26+s20+$0x0] =	vst.idx.msk $0xffff, v34  }
0x22a: {  	v35 =	vld [tilespmem:$0x1FE00];
	[tilespmem:v21+s20+$0x0] =	vst.idx.msk $0xffff, v20  }
0x22b: {  	v19 =	vor.u32 v42, v19;
	v45 =	vmov v18;
	v17 =	vor.u32 v42, v16;
	v34 =	vld [tilespmem:$0x1FDF0];
	[tilespmem:v23+s20+$0x0] =	vst.idx.msk $0xffff, v22  }
0x22c: {  	s25 =	sadd.s32 $0x10, s25;
	v16 =	vor.u32 v42, v15;
	v15 =	vor.u32 v42, v51;
	v20 =	vor.u32 v42, v14;
	v14 =	vld.idx.msk [tilespmem:v27+s17+$0x0], $0xffff  }
0x22d: {  	_ =	sdelay $0x3  }
0x22e: {  	v13 =	vld.idx.msk [tilespmem:v19+s17+$0x0], $0xffff  }
0x22f: {  	v17 =	vld.idx.msk [tilespmem:v17+s17+$0x0], $0xffff  }
0x230: {  	v20 =	vld.idx.msk [tilespmem:v20+s17+$0x0], $0xffff  }
0x231: {  	v16 =	vld.idx.msk [tilespmem:v16+s17+$0x0], $0xffff  }
0x232: {  	v15 =	vld.idx.msk [tilespmem:v15+s17+$0x0], $0xffff  }
0x233: {  	v18 =	vld.idx.msk [tilespmem:v4+s17+$0x0], $0xffff  }
0x234: {  	v11 =	vor.u32 v42, v11;
	v43 =	vld [tilespmem:$0x1FF20]  }
0x235: {  	v19 =	vor.u32 v42, v57;
	v41 =	vld [tilespmem:$0x1FF30]  }
0x236: {  	v7 =	vor.u32 v42, v7;
	v40 =	vld [tilespmem:$0x1FF40]  }
0x237: {  	v21 =	vor.u32 v42, v63;
	v39 =	vld [tilespmem:$0x1FF50]  }
0x238: {  	v2 =	vor.u32 v42, v2;
	v37 =	vld [tilespmem:$0x1FF60]  }
0x239: {  	v22 =	vor.u32 v42, v54;
	v11 =	vld.idx.msk [tilespmem:v11+s17+$0x0], $0xffff  }
0x23a: {  	v23 =	vor.u32 v42, v52;
	v19 =	vld.idx.msk [tilespmem:v19+s17+$0x0], $0xffff  }
0x23b: {  	v25 =	vor.u32 v42, v55;
	v7 =	vld.idx.msk [tilespmem:v7+s17+$0x0], $0xffff  }
0x23c: {  	v26 =	vor.u32 v42, v53;
	v21 =	vld.idx.msk [tilespmem:v21+s17+$0x0], $0xffff  }
0x23d: {  	v2 =	vld.idx.msk [tilespmem:v2+s17+$0x0], $0xffff;
	v27 =	vor.u32 v43, v59  }
0x23e: {  	v22 =	vld.idx.msk [tilespmem:v22+s17+$0x0], $0xffff;
	v4 =	vor.u32 v41, v58  }
0x23f: {  	v23 =	vld.idx.msk [tilespmem:v23+s17+$0x0], $0xffff;
	v1 =	vor.u32 v40, v1  }
0x240: {  	v25 =	vld.idx.msk [tilespmem:v25+s17+$0x0], $0xffff  }
0x241: {  	v26 =	vld.idx.msk [tilespmem:v26+s17+$0x0], $0xffff  }
0x242: {  	[tilespmem:v27+s20+$0x0] =	vst.idx.msk $0xffff, v21;
	v21 =	vld [tilespmem:$0x1FF70]  }
0x243: {  	v27 =	vld [tilespmem:$0x1FF80];
	[tilespmem:v4+s20+$0x0] =	vst.idx.msk $0xffff, v2  }
0x244: {  	[tilespmem:v1+s20+$0x0] =	vst.idx.msk $0xffff, v7;
	v7 =	vld [tilespmem:$0x1FF90]  }
0x245: {  	v3 =	vor.u32 v39, v3  }
0x246: {  	v5 =	vor.u32 v37, v5  }
0x247: {  	v6 =	vor.u32 v21, v6  }
0x248: {  	v2 =	vor.u32 v27, v47  }
0x249: {  	v1 =	vor.u32 v7, v56  }
0x24a: {  	[tilespmem:v3+s20+$0x0] =	vst.idx.msk $0xffff, v11;
	v3 =	vor.u32 v43, v8  }
0x24b: {  	v4 =	vor.u32 v41, v9;
	[tilespmem:v5+s20+$0x0] =	vst.idx.msk $0xffff, v19  }
0x24c: {  	v5 =	vor.u32 v40, v62;
	[tilespmem:v6+s20+$0x0] =	vst.idx.msk $0xffff, v20  }
0x24d: {  	[tilespmem:v2+s20+$0x0] =	vst.idx.msk $0xffff, v15;
	v2 =	vor.u32 v39, v60  }
0x24e: {  	[tilespmem:v1+s20+$0x0] =	vst.idx.msk $0xffff, v25;
	v1 =	vor.u32 v37, v10  }
0x24f: {  	[tilespmem:v3+s20+$0x0] =	vst.idx.msk $0xffff, v13;
	v3 =	vor.u32 v21, v45  }
0x250: {  	[tilespmem:v4+s20+$0x0] =	vst.idx.msk $0xffff, v17;
	v4 =	vor.u32 v27, v61  }
0x251: {  	[tilespmem:v5+s20+$0x0] =	vst.idx.msk $0xffff, v14;
	v5 =	vor.u32 v7, v12  }
0x252: {  	s24 =	sadd.s32 s5, s24;
	[tilespmem:v2+s20+$0x0] =	vst.idx.msk $0xffff, v26  }
0x253: {  	s25 =	sshll.u32 s24, $0xA;
	s24 =	sshll.u32 s24, $0x7;
	[tilespmem:v1+s20+$0x0] =	vst.idx.msk $0xffff, v22  }
0x254: {  	s25 =	sand.u32 $0xFFFE000, s25;
	s24 =	sand.u32 $0x300, s24;
	[tilespmem:v3+s20+$0x0] =	vst.idx.msk $0xffff, v23  }
0x255: {  	s24 =	sor.u32 s24, s25;
	[tilespmem:v4+s20+$0x0] =	vst.idx.msk $0xffff, v18  }
0x256: {  	s25 =	sadd.s32 s2, s24;
	[tilespmem:v5+s20+$0x0] =	vst.idx.msk $0xffff, v16  }
0x257: {  	[hbm4b:s25+s3] =	stream.linear.scatter [tilespmem:s20], [sflag:$0x2], $0x400, $0x38;
	[tilespmem:$0x9900] =	vst v63  }
0x258: {  	s26 =	simm.s32 $0x5D00;
	s25 =	sadd.s32 s24, s7  }
0x259: {  	[hbm4b:s25+s3] =	stream.linear.scatter [tilespmem:s26], [sflag:$0x2], $0x400, $0x38;
	[tilespmem:$0x9900] =	vst v63  }
0x25a: {  	s25 =	sadd.s32 s24, s8;
	s26 =	simm.s32 $0x6100  }
0x25b: {  	[hbm4b:s25+s3] =	stream.linear.scatter [tilespmem:s26], [sflag:$0x2], $0x400, $0x38;
	[tilespmem:$0x9900] =	vst v63  }
0x25c: {  	s25 =	sadd.s32 s24, s9;
	s26 =	simm.s32 $0x6500  }
0x25d: {  	[hbm4b:s25+s3] =	stream.linear.scatter [tilespmem:s26], [sflag:$0x2], $0x400, $0x38;
	[tilespmem:$0x9900] =	vst v63  }
0x25e: {  	s25 =	sadd.s32 s24, s10;
	s26 =	simm.s32 $0x6900  }
0x25f: {  	[hbm4b:s25+s3] =	stream.linear.scatter [tilespmem:s26], [sflag:$0x2], $0x400, $0x38;
	[tilespmem:$0x9900] =	vst v63  }
0x260: {  	s25 =	sadd.s32 s24, s11;
	s26 =	simm.s32 $0x6D00  }
0x261: {  	[hbm4b:s25+s3] =	stream.linear.scatter [tilespmem:s26], [sflag:$0x2], $0x400, $0x38;
	[tilespmem:$0x9900] =	vst v63  }
0x262: {  	s25 =	sadd.s32 s24, s12;
	s26 =	simm.s32 $0x7100  }
0x263: {  	[hbm4b:s25+s3] =	stream.linear.scatter [tilespmem:s26], [sflag:$0x2], $0x400, $0x38;
	[tilespmem:$0x9900] =	vst v63  }
0x264: {  	p0 =	seq.s32 s22, $0x18;
	s24 =	sadd.s32 s24, s13  }
0x265: {  	[hbm4b:s24+s3] =	stream.linear.scatter [tilespmem:s28], [sflag:$0x2], $0x400, $0x38;
	[tilespmem:$0x9900] =	vst v63  }
0x266: {  	v0 =	vld [tilespmem:$0x1FFA0];
	p1 =	seq.s32 @!p0 s22, $0x0;
	s24 =	sshll.u32 @!p0 s22, $0x8;
	_ =	swait.ge [sflag:s18], $0x2000  }
0x267: {  	s25 =	simm.s32 @!p0 $0x80;
	s24 =	sand.u32 @!p0 $0x3FFFFF00, s24;
	[sflag:s18] =	ssyncset.done $0x0  }
0x268: {  	s26 =	simm.s32 @!p0 $0x1900;
	s24 =	sadd.s32 @!p0 $0x100, s24;
	[sflag:s18] =	ssyncadd.s32 $0xFFFFE000  }
0x269: {  	[tilespmem:s26], [sflag:$0x1] =	stream.indirect.gather @!p0 [hbm4b:s4+s25], $0x40, s24, s25, $0xb8;
	[tilespmem:$0x9900] =	vst v63  }
0x26a: {  	p0 =	por p0, !p1  }
0x26b: {  	_ =	swait.ge @p0 [sflag:s21], $0x400  }
0x26c: {  	[sflag:s21] =	ssyncset.done @p0 $0x0  }
0x26d: {  	[sflag:s21] =	ssyncadd.s32 @p0 $0xFFFFFC00  }
0x26e: {  	_ =	swait.ge @p0 [sflag:s21], $0x400  }
0x26f: {  	[sflag:s21] =	ssyncset.done @p0 $0x0  }
0x270: {  	[sflag:s21] =	ssyncadd.s32 @p0 $0xFFFFFC00  }
0x271: {  	_ =	swait.ge @p0 [sflag:s21], $0x400  }
0x272: {  	[sflag:s21] =	ssyncset.done @p0 $0x0  }
0x273: {  	[sflag:s21] =	ssyncadd.s32 @p0 $0xFFFFFC00  }
0x274: {  	_ =	swait.ge @p0 [sflag:s21], $0x400  }
0x275: {  	[sflag:s21] =	ssyncset.done @p0 $0x0  }
0x276: {  	[sflag:s21] =	ssyncadd.s32 @p0 $0xFFFFFC00  }
0x277: {  	_ =	swait.ge @p0 [sflag:s21], $0x400  }
0x278: {  	[sflag:s21] =	ssyncset.done @p0 $0x0  }
0x279: {  	[sflag:s21] =	ssyncadd.s32 @p0 $0xFFFFFC00  }
0x27a: {  	_ =	swait.ge @p0 [sflag:s21], $0x400  }
0x27b: {  	[sflag:s21] =	ssyncset.done @p0 $0x0  }
0x27c: {  	[sflag:s21] =	ssyncadd.s32 @p0 $0xFFFFFC00  }
0x27d: {  	_ =	swait.ge @p0 [sflag:s21], $0x400  }
0x27e: {  	s26 =	simm.s32 $0x0;
	[sflag:s21] =	ssyncset.done @p0 $0x0  }
0x27f: {  	v13 =	vor.u32 s26, v36;
	[sflag:s21] =	ssyncadd.s32 @p0 $0xFFFFFC00  }
0x280: {  	v1 =	vshll.u32 v13, $0x6;
	_ =	swait.ge @p0 [sflag:s21], $0x400  }
0x281: {  	[tilespmem:$0x1FAC0] =	vst v1;
	v1 =	vor.u32 v46, v1;
	_ =	sdelay $0x1  }
0x282: {  	v18 =	vor.u32 s26, v35;
	v6 =	vld [tilespmem:$0x1FD30]  }
0x283: {  	v2 =	vshll.u32 v18, $0x6;
	[sflag:s21] =	ssyncset.done @p0 $0x0;
	v45 =	vld [tilespmem:$0x1FE30]  }
0x284: {  	[tilespmem:$0x1FAD0] =	vst v2;
	v2 =	vor.u32 v46, v2;
	v47 =	vld [tilespmem:$0x1FD60];
	[sflag:s21] =	ssyncadd.s32 @p0 $0xFFFFFC00  }
0x285: {  	v22 =	vor.u32 s26, v29;
	v23 =	vld.idx.msk [tilespmem:v1+s19+$0x0], $0xffff  }
0x286: {  	v16 =	vshll.u32 v22, $0x6;
	v1 =	vld [tilespmem:$0x1FD50]  }
0x287: {  	v10 =	vor.u32 s26, v32;
	v50 =	vld [tilespmem:$0x1FE40];
	v8 =	vor.u32 s26, v6;
	v6 =	vor.u32 v46, v16  }
0x288: {  	v21 =	vor.u32 s26, v30;
	v54 =	vshll.u32 v10, $0x6;
	v49 =	vld [tilespmem:$0x1FE50]  }
0x289: {  	v19 =	vor.u32 s26, v34;
	v53 =	vshll.u32 v21, $0x6;
	v4 =	vor.u32 v46, v54;
	v26 =	vld.idx.msk [tilespmem:v2+s19+$0x0], $0xffff  }
0x28a: {  	v52 =	vshll.u32 v19, $0x6;
	v5 =	vor.u32 v46, v53;
	v2 =	vld [tilespmem:$0x1FD10]  }
0x28b: {  	v3 =	vor.u32 v46, v52;
	v25 =	vor.u32 s26, v1;
	v1 =	vld [tilespmem:$0x1FD40]  }
0x28c: {  	v9 =	vor.u32 s26, v28;
	v35 =	vld.idx.msk [tilespmem:v6+s19+$0x0], $0xffff  }
0x28d: {  	v38 =	vor.u32 s26, v38;
	v15 =	vshll.u32 v9, $0x6;
	v6 =	vor.u32 s26, v0;
	v0 =	vld [tilespmem:$0x1FD20]  }
0x28e: {  	v11 =	vor.u32 v46, v15;
	v30 =	vld.idx.msk [tilespmem:v4+s19+$0x0], $0xffff;
	v4 =	vor.u32 s26, v31;
	v17 =	vshll.u32 v8, $0x6  }
0x28f: {  	v32 =	vld.idx.msk [tilespmem:v5+s19+$0x0], $0xffff;
	v20 =	vor.u32 v46, v17;
	v5 =	vor.u32 s26, v2;
	v2 =	vshll.u32 v4, $0x6  }
0x290: {  	v57 =	vshll.u32 v38, $0x6;
	v28 =	vld.idx.msk [tilespmem:v3+s19+$0x0], $0xffff;
	v3 =	vor.u32 s26, v46;
	v63 =	vor.u32 v46, v2  }
0x291: {  	v44 =	vor.u32 v46, v57;
	v48 =	vld [tilespmem:$0x1FE60];
	v27 =	vor.u32 s26, v1;
	v1 =	vshll.u32 v3, $0x6  }
0x292: {  	v55 =	vshll.u32 v25, $0x6;
	v41 =	vor.u32 s26, v0;
	v0 =	vld [tilespmem:$0x1FE20];
	v62 =	vor.u32 v46, v1  }
0x293: {  	v37 =	vld.idx.msk [tilespmem:v11+s19+$0x0], $0xffff;
	v7 =	vshll.u32 v5, $0x6;
	v60 =	vor.u32 v46, v55  }
0x294: {  	v59 =	vand.u32 $0x78, v3;
	v11 =	vshll.u32 v6, $0x6;
	v39 =	vor.u32 v46, v7;
	v40 =	vld.idx.msk [tilespmem:v20+s19+$0x0], $0xffff  }
0x295: {  	v43 =	vor.u32 v46, v11;
	v14 =	vshll.u32 v27, $0x6;
	v20 =	vshll.u32 v41, $0x6;
	v36 =	vld.idx.msk [tilespmem:v63+s19+$0x0], $0xffff  }
0x296: {  	v63 =	vand.u32 $0x78, v5;
	v5 =	vand.u32 $0x78, v38;
	v38 =	vld.idx.msk [tilespmem:v44+s19+$0x0], $0xffff;
	v61 =	vor.u32 v46, v14  }
0x297: {  	v4 =	vand.u32 $0x78, v4;
	v51 =	vor.u32 v46, v20;
	v56 =	vor.u32 v0, v59;
	v34 =	vld.idx.msk [tilespmem:v62+s19+$0x0], $0xffff  }
0x298: {  	v58 =	vor.u32 v45, v4;
	v29 =	vld.idx.msk [tilespmem:v60+s19+$0x0], $0xffff  }
0x299: {  	v39 =	vld.idx.msk [tilespmem:v39+s19+$0x0], $0xffff;
	v60 =	vor.u32 v47, v63  }
0x29a: {  	v43 =	vld.idx.msk [tilespmem:v43+s19+$0x0], $0xffff  }
0x29b: {  	v31 =	vld.idx.msk [tilespmem:v61+s19+$0x0], $0xffff  }
0x29c: {  	v3 =	vand.u32 $0x78, v6;
	v6 =	vand.u32 $0x78, v41;
	v41 =	vld.idx.msk [tilespmem:v51+s19+$0x0], $0xffff;
	[tilespmem:v56+s29+$0x0] =	vst.idx.msk $0xffff, v34  }
0x29d: {  	v12 =	vld [tilespmem:$0x1FE70];
	[tilespmem:v58+s29+$0x0] =	vst.idx.msk $0xffff, v36  }
0x29e: {  	[tilespmem:v60+s29+$0x0] =	vst.idx.msk $0xffff, v39;
	v39 =	vld [tilespmem:$0x1FE80]  }
0x29f: {  	v44 =	vor.u32 v50, v3  }
0x2a0: {  	v61 =	vor.u32 v49, v5  }
0x2a1: {  	v51 =	vand.u32 $0x78, v27;
	v27 =	vor.u32 v48, v6  }
0x2a2: {  	v56 =	vand.u32 $0x78, v25;
	v25 =	vor.u32 v12, v51  }
0x2a3: {  	v8 =	vand.u32 $0x78, v8;
	v34 =	vor.u32 v39, v56  }
0x2a4: {  	v9 =	vand.u32 $0x78, v9;
	[tilespmem:v44+s29+$0x0] =	vst.idx.msk $0xffff, v43;
	v44 =	vor.u32 v0, v8  }
0x2a5: {  	v10 =	vand.u32 $0x78, v10;
	v62 =	vand.u32 $0x78, v22;
	v22 =	vor.u32 v45, v9;
	[tilespmem:v61+s29+$0x0] =	vst.idx.msk $0xffff, v38  }
0x2a6: {  	v58 =	vand.u32 $0x78, v19;
	v60 =	vand.u32 $0x78, v21;
	v21 =	vor.u32 v47, v62;
	[tilespmem:v27+s29+$0x0] =	vst.idx.msk $0xffff, v41  }
0x2a7: {  	v61 =	vand.u32 $0x78, v18;
	v18 =	vor.u32 v48, v58;
	v48 =	vld [tilespmem:$0x1FAC0];
	[tilespmem:v25+s29+$0x0] =	vst.idx.msk $0xffff, v31;
	v25 =	vor.u32 v50, v60  }
0x2a8: {  	v19 =	vor.u32 v49, v10;
	[tilespmem:v34+s29+$0x0] =	vst.idx.msk $0xffff, v29  }
0x2a9: {  	[tilespmem:v44+s29+$0x0] =	vst.idx.msk $0xffff, v40  }
0x2aa: {  	[tilespmem:v22+s29+$0x0] =	vst.idx.msk $0xffff, v37;
	v22 =	vor.u32 v12, v61;
	v12 =	vand.u32 $0x78, v13  }
0x2ab: {  	[tilespmem:v21+s29+$0x0] =	vst.idx.msk $0xffff, v35;
	v21 =	vor.u32 v39, v12  }
0x2ac: {  	[tilespmem:v25+s29+$0x0] =	vst.idx.msk $0xffff, v32;
	v25 =	vor.u32 v24, v48  }
0x2ad: {  	v27 =	vor.u32 v24, v11;
	[tilespmem:v19+s29+$0x0] =	vst.idx.msk $0xffff, v30  }
0x2ae: {  	v49 =	vld [tilespmem:$0x1FAD0];
	v39 =	vor.u32 v24, v7;
	[tilespmem:v18+s29+$0x0] =	vst.idx.msk $0xffff, v28  }
0x2af: {  	v0 =	vld [tilespmem:$0x1FE90];
	v40 =	vor.u32 v24, v2;
	[tilespmem:v22+s29+$0x0] =	vst.idx.msk $0xffff, v26  }
0x2b0: {  	v41 =	vor.u32 v24, v1;
	v13 =	vld [tilespmem:$0x1FFF0];
	[tilespmem:v21+s29+$0x0] =	vst.idx.msk $0xffff, v23  }
0x2b1: {  	v43 =	vor.u32 v24, v14;
	v25 =	vld.idx.msk [tilespmem:v25+s19+$0x0], $0xffff  }
0x2b2: {  	v44 =	vor.u32 v24, v55;
	v27 =	vld.idx.msk [tilespmem:v27+s19+$0x0], $0xffff  }
0x2b3: {  	v45 =	vor.u32 v24, v17;
	v28 =	vld.idx.msk [tilespmem:v39+s19+$0x0], $0xffff  }
0x2b4: {  	v29 =	vld.idx.msk [tilespmem:v40+s19+$0x0], $0xffff  }
0x2b5: {  	v47 =	vor.u32 v24, v15;
	v30 =	vld.idx.msk [tilespmem:v41+s19+$0x0], $0xffff  }
0x2b6: {  	v31 =	vld.idx.msk [tilespmem:v43+s19+$0x0], $0xffff  }
0x2b7: {  	v36 =	vor.u32 v24, v20;
	v32 =	vld.idx.msk [tilespmem:v44+s19+$0x0], $0xffff  }
0x2b8: {  	v34 =	vld.idx.msk [tilespmem:v45+s19+$0x0], $0xffff  }
0x2b9: {  	v19 =	vor.u32 v24, v49;
	v43 =	vld [tilespmem:$0x1FD70]  }
0x2ba: {  	v18 =	vor.u32 v24, v52;
	v35 =	vld.idx.msk [tilespmem:v47+s19+$0x0], $0xffff  }
0x2bb: {  	v22 =	vor.u32 v24, v53;
	v44 =	vld [tilespmem:$0x1FD80]  }
0x2bc: {  	v26 =	vor.u32 v24, v57;
	v36 =	vld.idx.msk [tilespmem:v36+s19+$0x0], $0xffff  }
0x2bd: {  	v21 =	vor.u32 v24, v54;
	v45 =	vld [tilespmem:$0x1FD90]  }
0x2be: {  	v23 =	vor.u32 v24, v16;
	v19 =	vld.idx.msk [tilespmem:v19+s19+$0x0], $0xffff  }
0x2bf: {  	v37 =	vor.u32 v0, v59;
	v18 =	vld.idx.msk [tilespmem:v18+s19+$0x0], $0xffff  }
0x2c0: {  	v50 =	vor.u32 v13, v4;
	v22 =	vld.idx.msk [tilespmem:v22+s19+$0x0], $0xffff  }
0x2c1: {  	v26 =	vld.idx.msk [tilespmem:v26+s19+$0x0], $0xffff;
	v39 =	vor.u32 v43, v63  }
0x2c2: {  	v21 =	vld.idx.msk [tilespmem:v21+s19+$0x0], $0xffff  }
0x2c3: {  	v23 =	vld.idx.msk [tilespmem:v23+s19+$0x0], $0xffff  }
0x2c4: {  	[tilespmem:v37+s29+$0x0] =	vst.idx.msk $0xffff, v30;
	v37 =	vld [tilespmem:$0x1FEA0]  }
0x2c5: {  	v38 =	vld [tilespmem:$0x1FEB0];
	[tilespmem:v50+s29+$0x0] =	vst.idx.msk $0xffff, v29  }
0x2c6: {  	[tilespmem:v39+s29+$0x0] =	vst.idx.msk $0xffff, v28;
	v39 =	vld [tilespmem:$0x1FEC0]  }
0x2c7: {  	v40 =	vor.u32 v44, v3  }
0x2c8: {  	v41 =	vor.u32 v45, v5  }
0x2c9: {  	v47 =	vor.u32 v37, v6  }
0x2ca: {  	v50 =	vor.u32 v38, v51  }
0x2cb: {  	v28 =	vor.u32 v39, v56  }
0x2cc: {  	[tilespmem:v40+s29+$0x0] =	vst.idx.msk $0xffff, v27;
	v27 =	vor.u32 v0, v8  }
0x2cd: {  	[tilespmem:v41+s29+$0x0] =	vst.idx.msk $0xffff, v26;
	v26 =	vor.u32 v13, v9  }
0x2ce: {  	[tilespmem:v47+s29+$0x0] =	vst.idx.msk $0xffff, v36;
	v47 =	vor.u32 v43, v62  }
0x2cf: {  	[tilespmem:v50+s29+$0x0] =	vst.idx.msk $0xffff, v31;
	v50 =	vor.u32 v44, v60  }
0x2d0: {  	v36 =	vor.u32 v45, v10;
	[tilespmem:v28+s29+$0x0] =	vst.idx.msk $0xffff, v32  }
0x2d1: {  	[tilespmem:v27+s29+$0x0] =	vst.idx.msk $0xffff, v34;
	v27 =	vor.u32 v37, v58  }
0x2d2: {  	[tilespmem:v26+s29+$0x0] =	vst.idx.msk $0xffff, v35;
	v26 =	vor.u32 v38, v61  }
0x2d3: {  	[tilespmem:v47+s29+$0x0] =	vst.idx.msk $0xffff, v23;
	v23 =	vor.u32 v39, v12  }
0x2d4: {  	[tilespmem:v50+s29+$0x0] =	vst.idx.msk $0xffff, v22;
	v22 =	vor.u32 v33, v57  }
0x2d5: {  	v39 =	vor.u32 v33, v14;
	[tilespmem:v36+s29+$0x0] =	vst.idx.msk $0xffff, v21  }
0x2d6: {  	v40 =	vor.u32 v33, v55;
	[tilespmem:v27+s29+$0x0] =	vst.idx.msk $0xffff, v18  }
0x2d7: {  	v0 =	vld [tilespmem:$0x1FFE0];
	v41 =	vor.u32 v33, v1;
	[tilespmem:v26+s29+$0x0] =	vst.idx.msk $0xffff, v19  }
0x2d8: {  	v13 =	vld [tilespmem:$0x1FFD0];
	v43 =	vor.u32 v33, v52;
	[tilespmem:v23+s29+$0x0] =	vst.idx.msk $0xffff, v25  }
0x2d9: {  	v44 =	vor.u32 v33, v54;
	v22 =	vld.idx.msk [tilespmem:v22+s19+$0x0], $0xffff  }
0x2da: {  	v45 =	vor.u32 v33, v53;
	v28 =	vld.idx.msk [tilespmem:v39+s19+$0x0], $0xffff  }
0x2db: {  	v29 =	vld.idx.msk [tilespmem:v40+s19+$0x0], $0xffff  }
0x2dc: {  	v47 =	vor.u32 v33, v16;
	v30 =	vld.idx.msk [tilespmem:v41+s19+$0x0], $0xffff  }
0x2dd: {  	v31 =	vld.idx.msk [tilespmem:v43+s19+$0x0], $0xffff  }
0x2de: {  	v32 =	vld.idx.msk [tilespmem:v44+s19+$0x0], $0xffff  }
0x2df: {  	v21 =	vor.u32 v33, v20;
	v34 =	vld.idx.msk [tilespmem:v45+s19+$0x0], $0xffff  }
0x2e0: {  	v36 =	vor.u32 v33, v49;
	v43 =	vld [tilespmem:$0x1FED0]  }
0x2e1: {  	v18 =	vor.u32 v33, v7;
	v35 =	vld.idx.msk [tilespmem:v47+s19+$0x0], $0xffff  }
0x2e2: {  	v27 =	vor.u32 v33, v17;
	v44 =	vld [tilespmem:$0x1FEE0]  }
0x2e3: {  	v25 =	vor.u32 v33, v2;
	v45 =	vld [tilespmem:$0x1FEF0]  }
0x2e4: {  	v19 =	vor.u32 v33, v48;
	v21 =	vld.idx.msk [tilespmem:v21+s19+$0x0], $0xffff  }
0x2e5: {  	v26 =	vor.u32 v33, v15;
	v36 =	vld.idx.msk [tilespmem:v36+s19+$0x0], $0xffff  }
0x2e6: {  	v23 =	vor.u32 v33, v11;
	v18 =	vld.idx.msk [tilespmem:v18+s19+$0x0], $0xffff  }
0x2e7: {  	v37 =	vor.u32 v0, v59;
	v27 =	vld.idx.msk [tilespmem:v27+s19+$0x0], $0xffff  }
0x2e8: {  	v38 =	vor.u32 v13, v4;
	v25 =	vld.idx.msk [tilespmem:v25+s19+$0x0], $0xffff  }
0x2e9: {  	v19 =	vld.idx.msk [tilespmem:v19+s19+$0x0], $0xffff;
	v50 =	vor.u32 v43, v63  }
0x2ea: {  	v26 =	vld.idx.msk [tilespmem:v26+s19+$0x0], $0xffff  }
0x2eb: {  	v23 =	vld.idx.msk [tilespmem:v23+s19+$0x0], $0xffff  }
0x2ec: {  	[tilespmem:v37+s29+$0x0] =	vst.idx.msk $0xffff, v30;
	v37 =	vld [tilespmem:$0x1FF00]  }
0x2ed: {  	v47 =	vld [tilespmem:$0x1FDA0];
	[tilespmem:v38+s29+$0x0] =	vst.idx.msk $0xffff, v25  }
0x2ee: {  	[tilespmem:v50+s29+$0x0] =	vst.idx.msk $0xffff, v18;
	v50 =	vld [tilespmem:$0x1FF10]  }
0x2ef: {  	v40 =	vor.u32 v44, v3  }
0x2f0: {  	v41 =	vor.u32 v45, v5  }
0x2f1: {  	v30 =	vor.u32 v37, v6  }
0x2f2: {  	v25 =	vor.u32 v47, v51  }
0x2f3: {  	v18 =	vor.u32 v50, v56  }
0x2f4: {  	[tilespmem:v40+s29+$0x0] =	vst.idx.msk $0xffff, v23;
	v23 =	vor.u32 v0, v8  }
0x2f5: {  	[tilespmem:v41+s29+$0x0] =	vst.idx.msk $0xffff, v22;
	v22 =	vor.u32 v13, v9  }
0x2f6: {  	[tilespmem:v30+s29+$0x0] =	vst.idx.msk $0xffff, v21;
	v21 =	vor.u32 v43, v62  }
0x2f7: {  	[tilespmem:v25+s29+$0x0] =	vst.idx.msk $0xffff, v28;
	v25 =	vor.u32 v44, v60  }
0x2f8: {  	[tilespmem:v18+s29+$0x0] =	vst.idx.msk $0xffff, v29;
	v18 =	vor.u32 v45, v10  }
0x2f9: {  	[tilespmem:v23+s29+$0x0] =	vst.idx.msk $0xffff, v27;
	v23 =	vor.u32 v37, v58  }
0x2fa: {  	[tilespmem:v22+s29+$0x0] =	vst.idx.msk $0xffff, v26;
	v22 =	vor.u32 v47, v61  }
0x2fb: {  	[tilespmem:v21+s29+$0x0] =	vst.idx.msk $0xffff, v35;
	v21 =	vor.u32 v50, v12  }
0x2fc: {  	[tilespmem:v25+s29+$0x0] =	vst.idx.msk $0xffff, v34;
	v25 =	vor.u32 v42, v16  }
0x2fd: {  	[tilespmem:v18+s29+$0x0] =	vst.idx.msk $0xffff, v32  }
0x2fe: {  	[tilespmem:v23+s29+$0x0] =	vst.idx.msk $0xffff, v31  }
0x2ff: {  	v20 =	vor.u32 v42, v20;
	[tilespmem:v22+s29+$0x0] =	vst.idx.msk $0xffff, v36  }
0x300: {  	v16 =	vor.u32 v42, v48;
	[tilespmem:v21+s29+$0x0] =	vst.idx.msk $0xffff, v19;
	v19 =	vor.u32 v42, v17  }
0x301: {  	s24 =	simm.s32 $0x10;
	v18 =	vor.u32 v42, v49;
	v17 =	vor.u32 v42, v15;
	v15 =	vor.u32 v42, v14;
	v14 =	vld.idx.msk [tilespmem:v25+s19+$0x0], $0xffff  }
.LBB2_5:
0x302: {  	_ =	sdelay $0x2  }
0x303: {  	v19 =	vld.idx.msk [tilespmem:v19+s19+$0x0], $0xffff  }
0x304: {  	v17 =	vld.idx.msk [tilespmem:v17+s19+$0x0], $0xffff  }
0x305: {  	v20 =	vld.idx.msk [tilespmem:v20+s19+$0x0], $0xffff  }
0x306: {  	v16 =	vld.idx.msk [tilespmem:v16+s19+$0x0], $0xffff  }
0x307: {  	v15 =	vld.idx.msk [tilespmem:v15+s19+$0x0], $0xffff  }
0x308: {  	v18 =	vld.idx.msk [tilespmem:v18+s19+$0x0], $0xffff  }
0x309: {  	v32 =	vld [tilespmem:$0x1FF20]  }
0x30a: {  	v11 =	vor.u32 v42, v11;
	v30 =	vld [tilespmem:$0x1FF30]  }
0x30b: {  	v22 =	vor.u32 v42, v57;
	v34 =	vld [tilespmem:$0x1FF40]  }
0x30c: {  	v7 =	vor.u32 v42, v7;
	v31 =	vld [tilespmem:$0x1FF50]  }
0x30d: {  	v1 =	vor.u32 v42, v1;
	v35 =	vld [tilespmem:$0x1FF60]  }
0x30e: {  	v2 =	vor.u32 v42, v2;
	v0 =	vld [tilespmem:$0x1FF70]  }
0x30f: {  	v23 =	vor.u32 v42, v54;
	v11 =	vld.idx.msk [tilespmem:v11+s19+$0x0], $0xffff  }
0x310: {  	v25 =	vor.u32 v42, v52;
	v22 =	vld.idx.msk [tilespmem:v22+s19+$0x0], $0xffff  }
0x311: {  	v26 =	vor.u32 v42, v55;
	v7 =	vld.idx.msk [tilespmem:v7+s19+$0x0], $0xffff  }
0x312: {  	v27 =	vor.u32 v42, v53;
	v1 =	vld.idx.msk [tilespmem:v1+s19+$0x0], $0xffff;
	v28 =	vor.u32 v32, v59  }
0x313: {  	v2 =	vld.idx.msk [tilespmem:v2+s19+$0x0], $0xffff;
	v4 =	vor.u32 v30, v4  }
0x314: {  	v23 =	vld.idx.msk [tilespmem:v23+s19+$0x0], $0xffff;
	v29 =	vor.u32 v34, v63  }
0x315: {  	v25 =	vld.idx.msk [tilespmem:v25+s19+$0x0], $0xffff  }
0x316: {  	v26 =	vld.idx.msk [tilespmem:v26+s19+$0x0], $0xffff  }
0x317: {  	v27 =	vld.idx.msk [tilespmem:v27+s19+$0x0], $0xffff;
	[tilespmem:v28+s29+$0x0] =	vst.idx.msk $0xffff, v1  }
0x318: {  	v1 =	vor.u32 v0, v6;
	v6 =	vld [tilespmem:$0x1FF80];
	[tilespmem:v4+s29+$0x0] =	vst.idx.msk $0xffff, v2  }
0x319: {  	[tilespmem:v29+s29+$0x0] =	vst.idx.msk $0xffff, v7;
	v7 =	vld [tilespmem:$0x1FF90]  }
0x31a: {  	v3 =	vor.u32 v31, v3  }
0x31b: {  	v5 =	vor.u32 v35, v5;
	_ =	sdelay $0x1  }
0x31c: {  	v2 =	vor.u32 v6, v51  }
0x31d: {  	v4 =	vor.u32 v7, v56  }
0x31e: {  	[tilespmem:v3+s29+$0x0] =	vst.idx.msk $0xffff, v11;
	v3 =	vor.u32 v32, v8  }
0x31f: {  	[tilespmem:v5+s29+$0x0] =	vst.idx.msk $0xffff, v22;
	v5 =	vor.u32 v30, v9  }
0x320: {  	[tilespmem:v1+s29+$0x0] =	vst.idx.msk $0xffff, v20;
	v1 =	vor.u32 v34, v62  }
0x321: {  	[tilespmem:v2+s29+$0x0] =	vst.idx.msk $0xffff, v15;
	v2 =	vor.u32 v31, v60  }
0x322: {  	[tilespmem:v4+s29+$0x0] =	vst.idx.msk $0xffff, v26  }
0x323: {  	[tilespmem:v3+s29+$0x0] =	vst.idx.msk $0xffff, v19  }
0x324: {  	[tilespmem:v5+s29+$0x0] =	vst.idx.msk $0xffff, v17  }
0x325: {  	[tilespmem:v1+s29+$0x0] =	vst.idx.msk $0xffff, v14  }
0x326: {  	[tilespmem:v2+s29+$0x0] =	vst.idx.msk $0xffff, v27;
	v2 =	vld [tilespmem:$0x1FFC0];
	_ =	sdelay $0x3  }
0x327: {  	s25 =	smov.u32 s24;
	v4 =	vor.u32 v35, v10  }
0x328: {  	v3 =	vor.u32 v0, v58;
	v9 =	vor.u32 s25, v2;
	v2 =	vld [tilespmem:$0x1FE10]  }
0x329: {  	v5 =	vor.u32 v6, v61  }
0x32a: {  	v1 =	vor.u32 v7, v12;
	_ =	sdelay $0x1  }
0x32b: {  	v7 =	vld [tilespmem:$0x1FDF0];
	[tilespmem:v4+s29+$0x0] =	vst.idx.msk $0xffff, v23  }
0x32c: {  	[tilespmem:v3+s29+$0x0] =	vst.idx.msk $0xffff, v25;
	v12 =	vor.u32 s25, v2;
	v2 =	vld [tilespmem:$0x1FE00]  }
0x32d: {  	[tilespmem:v5+s29+$0x0] =	vst.idx.msk $0xffff, v18  }
0x32e: {  	[tilespmem:v1+s29+$0x0] =	vst.idx.msk $0xffff, v16;
	v1 =	vld [tilespmem:$0x1FDD0]  }
0x32f: {  	v13 =	vld [tilespmem:$0x1FD40]  }
0x330: {  	v45 =	vld [tilespmem:$0x1FD60];
	v15 =	vshll.u32 v12, $0x6  }
0x331: {  	v47 =	vld [tilespmem:$0x1FE40];
	v8 =	vor.u32 s25, v7;
	v10 =	vor.u32 s25, v2;
	v2 =	vor.u32 v46, v15  }
0x332: {  	v7 =	vld [tilespmem:$0x1FDB0];
	v52 =	vshll.u32 v8, $0x6  }
0x333: {  	v6 =	vld [tilespmem:$0x1FD20];
	v5 =	vor.u32 s25, v1;
	v1 =	vor.u32 v46, v52  }
0x334: {  	v4 =	vld [tilespmem:$0x1FDC0]  }
0x335: {  	v3 =	vld [tilespmem:$0x1FFB0]  }
0x336: {  	v53 =	vshll.u32 v5, $0x6;
	v26 =	vld.idx.msk [tilespmem:v2+s19+$0x0], $0xffff  }
0x337: {  	v23 =	vor.u32 s25, v7;
	v7 =	vor.u32 v46, v53;
	v2 =	vld [tilespmem:$0x1FD50]  }
0x338: {  	v21 =	vor.u32 s24, v13;
	v6 =	vor.u32 s25, v6;
	v29 =	vld.idx.msk [tilespmem:v1+s19+$0x0], $0xffff  }
0x339: {  	v13 =	vshll.u32 v21, $0x6;
	v14 =	vshll.u32 v6, $0x6;
	v1 =	vld [tilespmem:$0x1FDE0]  }
0x33a: {  	v50 =	vor.u32 v46, v13;
	v11 =	vld [tilespmem:$0x1FD30];
	v34 =	vor.u32 v46, v14;
	v22 =	vor.u32 s25, v3  }
0x33b: {  	v0 =	vld [tilespmem:$0x1FE60];
	v18 =	vor.u32 s25, v4;
	v54 =	vshll.u32 v22, $0x6;
	v20 =	vshll.u32 v10, $0x6  }
0x33c: {  	v4 =	vor.u32 v46, v54;
	v35 =	vld.idx.msk [tilespmem:v7+s19+$0x0], $0xffff;
	v3 =	vor.u32 v46, v20;
	v2 =	vor.u32 s25, v2  }
0x33d: {  	v7 =	vld [tilespmem:$0x1FFA0];
	v55 =	vshll.u32 v2, $0x6;
	v56 =	vand.u32 $0x78, v2;
	v2 =	vor.u32 s25, v46  }
0x33e: {  	v48 =	vor.u32 s25, v1;
	v1 =	vshll.u32 v2, $0x6;
	v59 =	vand.u32 $0x78, v2;
	v2 =	vld [tilespmem:$0x1FD10]  }
0x33f: {  	v21 =	vand.u32 $0x78, v21;
	v30 =	vld.idx.msk [tilespmem:v50+s19+$0x0], $0xffff;
	v57 =	vshll.u32 v9, $0x6  }
0x340: {  	v51 =	vmovc v21;
	v25 =	vor.u32 s25, v11;
	v50 =	vld [tilespmem:$0x1FE30];
	v21 =	vor.u32 v46, v57;
	v17 =	vshll.u32 v18, $0x6  }
0x341: {  	v19 =	vshll.u32 v25, $0x6;
	v11 =	vor.u32 v46, v17;
	v16 =	vshll.u32 v23, $0x6;
	v34 =	vld.idx.msk [tilespmem:v34+s19+$0x0], $0xffff  }
0x342: {  	v27 =	vor.u32 v46, v16;
	v38 =	vor.u32 s25, v7;
	v28 =	vld.idx.msk [tilespmem:v3+s19+$0x0], $0xffff;
	v3 =	vor.u32 v46, v19  }
0x343: {  	v32 =	vld.idx.msk [tilespmem:v4+s19+$0x0], $0xffff;
	v36 =	vor.u32 v46, v1;
	v4 =	vor.u32 s25, v2;
	v2 =	vshll.u32 v48, $0x6  }
0x344: {  	v7 =	vshll.u32 v4, $0x6;
	v63 =	vand.u32 $0x78, v4;
	v4 =	vand.u32 $0x78, v48;
	v48 =	vld [tilespmem:$0x1FE20]  }
0x345: {  	v21 =	vld.idx.msk [tilespmem:v21+s19+$0x0], $0xffff;
	v39 =	vor.u32 v46, v2  }
0x346: {  	v37 =	vld.idx.msk [tilespmem:v11+s19+$0x0], $0xffff;
	v40 =	vor.u32 v46, v7  }
0x347: {  	v27 =	vld.idx.msk [tilespmem:v27+s19+$0x0], $0xffff;
	v49 =	vor.u32 v46, v55  }
0x348: {  	v58 =	vand.u32 $0x78, v8;
	v60 =	vand.u32 $0x78, v5;
	v11 =	vshll.u32 v38, $0x6;
	v41 =	vld.idx.msk [tilespmem:v3+s19+$0x0], $0xffff  }
0x349: {  	v61 =	vand.u32 $0x78, v10;
	v43 =	vor.u32 v46, v11;
	v8 =	vld.idx.msk [tilespmem:v36+s19+$0x0], $0xffff;
	v10 =	vor.u32 v48, v59  }
0x34a: {  	v5 =	vand.u32 $0x78, v9;
	v3 =	vand.u32 $0x78, v38;
	v38 =	vor.u32 v50, v4;
	v9 =	vld.idx.msk [tilespmem:v39+s19+$0x0], $0xffff  }
0x34b: {  	v36 =	vld.idx.msk [tilespmem:v40+s19+$0x0], $0xffff;
	v40 =	vor.u32 v45, v63  }
0x34c: {  	v31 =	vld.idx.msk [tilespmem:v49+s19+$0x0], $0xffff  }
0x34d: {  	v49 =	vld [tilespmem:$0x1FE50]  }
0x34e: {  	v39 =	vld.idx.msk [tilespmem:v43+s19+$0x0], $0xffff;
	[tilespmem:v10+s29+$0x0] =	vst.idx.msk $0xffff, v8  }
0x34f: {  	v46 =	vld [tilespmem:$0x1FE70];
	[tilespmem:v38+s29+$0x0] =	vst.idx.msk $0xffff, v9  }
0x350: {  	[tilespmem:v40+s29+$0x0] =	vst.idx.msk $0xffff, v36;
	v40 =	vld [tilespmem:$0x1FE80]  }
0x351: {  	v43 =	vor.u32 v47, v3  }
0x352: {  	v6 =	vand.u32 $0x78, v6;
	v44 =	vor.u32 v49, v5  }
0x353: {  	v10 =	vor.u32 v0, v6  }
0x354: {  	v38 =	vor.u32 v46, v51  }
0x355: {  	v8 =	vand.u32 $0x78, v25;
	v36 =	vor.u32 v40, v56  }
0x356: {  	v25 =	vor.u32 v48, v8;
	v9 =	vand.u32 $0x78, v23;
	[tilespmem:v43+s29+$0x0] =	vst.idx.msk $0xffff, v39  }
0x357: {  	v62 =	vand.u32 $0x78, v18;
	[tilespmem:v44+s29+$0x0] =	vst.idx.msk $0xffff, v21;
	v21 =	vor.u32 v50, v9  }
0x358: {  	v23 =	vor.u32 v45, v62;
	[tilespmem:v10+s29+$0x0] =	vst.idx.msk $0xffff, v34  }
0x359: {  	v10 =	vand.u32 $0x78, v22;
	[tilespmem:v38+s29+$0x0] =	vst.idx.msk $0xffff, v30;
	v38 =	vor.u32 v47, v60  }
0x35a: {  	v22 =	vor.u32 v49, v10;
	[tilespmem:v36+s29+$0x0] =	vst.idx.msk $0xffff, v31  }
0x35b: {  	[tilespmem:v25+s29+$0x0] =	vst.idx.msk $0xffff, v41;
	v25 =	vor.u32 v0, v58  }
0x35c: {  	v12 =	vand.u32 $0x78, v12;
	[tilespmem:v21+s29+$0x0] =	vst.idx.msk $0xffff, v27;
	v21 =	vor.u32 v46, v61  }
0x35d: {  	[tilespmem:v23+s29+$0x0] =	vst.idx.msk $0xffff, v37;
	v23 =	vor.u32 v40, v12  }
0x35e: {  	v27 =	vor.u32 v24, v15;
	[tilespmem:v38+s29+$0x0] =	vst.idx.msk $0xffff, v35  }
0x35f: {  	v39 =	vor.u32 v24, v57;
	[tilespmem:v22+s29+$0x0] =	vst.idx.msk $0xffff, v32  }
0x360: {  	v40 =	vor.u32 v24, v11;
	[tilespmem:v25+s29+$0x0] =	vst.idx.msk $0xffff, v29  }
0x361: {  	v41 =	vor.u32 v24, v7;
	[tilespmem:v21+s29+$0x0] =	vst.idx.msk $0xffff, v28  }
0x362: {  	v43 =	vor.u32 v24, v2;
	v0 =	vld [tilespmem:$0x1FE90];
	[tilespmem:v23+s29+$0x0] =	vst.idx.msk $0xffff, v26  }
0x363: {  	v44 =	vor.u32 v24, v1;
	v27 =	vld.idx.msk [tilespmem:v27+s19+$0x0], $0xffff  }
0x364: {  	v45 =	vor.u32 v24, v13;
	v28 =	vld.idx.msk [tilespmem:v39+s19+$0x0], $0xffff  }
0x365: {  	v47 =	vor.u32 v24, v55;
	v29 =	vld.idx.msk [tilespmem:v40+s19+$0x0], $0xffff  }
0x366: {  	v30 =	vld.idx.msk [tilespmem:v41+s19+$0x0], $0xffff  }
0x367: {  	v48 =	vor.u32 v24, v19;
	v31 =	vld.idx.msk [tilespmem:v43+s19+$0x0], $0xffff  }
0x368: {  	v32 =	vld.idx.msk [tilespmem:v44+s19+$0x0], $0xffff  }
0x369: {  	v49 =	vor.u32 v24, v16;
	v34 =	vld.idx.msk [tilespmem:v45+s19+$0x0], $0xffff  }
0x36a: {  	v35 =	vld.idx.msk [tilespmem:v47+s19+$0x0], $0xffff  }
0x36b: {  	v38 =	vor.u32 v24, v14;
	v45 =	vld [tilespmem:$0x1FFF0]  }
0x36c: {  	v36 =	vld.idx.msk [tilespmem:v48+s19+$0x0], $0xffff  }
0x36d: {  	v22 =	vor.u32 v24, v20;
	v47 =	vld [tilespmem:$0x1FD70]  }
0x36e: {  	v25 =	vor.u32 v24, v52;
	v37 =	vld.idx.msk [tilespmem:v49+s19+$0x0], $0xffff  }
0x36f: {  	v21 =	vor.u32 v24, v53;
	v48 =	vld [tilespmem:$0x1FD80]  }
0x370: {  	v23 =	vor.u32 v24, v54;
	v38 =	vld.idx.msk [tilespmem:v38+s19+$0x0], $0xffff  }
0x371: {  	v26 =	vor.u32 v24, v17;
	v49 =	vld [tilespmem:$0x1FD90]  }
0x372: {  	v39 =	vor.u32 v0, v59;
	v22 =	vld.idx.msk [tilespmem:v22+s19+$0x0], $0xffff  }
0x373: {  	v25 =	vld.idx.msk [tilespmem:v25+s19+$0x0], $0xffff;
	v40 =	vor.u32 v45, v4  }
0x374: {  	v21 =	vld.idx.msk [tilespmem:v21+s19+$0x0], $0xffff;
	v41 =	vor.u32 v47, v63  }
0x375: {  	v23 =	vld.idx.msk [tilespmem:v23+s19+$0x0], $0xffff  }
0x376: {  	v26 =	vld.idx.msk [tilespmem:v26+s19+$0x0], $0xffff  }
0x377: {  	[tilespmem:v39+s29+$0x0] =	vst.idx.msk $0xffff, v32;
	v39 =	vld [tilespmem:$0x1FEA0]  }
0x378: {  	[tilespmem:v40+s29+$0x0] =	vst.idx.msk $0xffff, v31;
	v40 =	vld [tilespmem:$0x1FEB0]  }
0x379: {  	[tilespmem:v41+s29+$0x0] =	vst.idx.msk $0xffff, v30;
	v41 =	vld [tilespmem:$0x1FEC0]  }
0x37a: {  	v43 =	vor.u32 v48, v3  }
0x37b: {  	v44 =	vor.u32 v49, v5  }
0x37c: {  	v50 =	vor.u32 v39, v6  }
0x37d: {  	v31 =	vor.u32 v40, v51  }
0x37e: {  	v30 =	vor.u32 v41, v56  }
0x37f: {  	[tilespmem:v43+s29+$0x0] =	vst.idx.msk $0xffff, v29;
	v43 =	vor.u32 v0, v8  }
0x380: {  	v45 =	vor.u32 v45, v9;
	[tilespmem:v44+s29+$0x0] =	vst.idx.msk $0xffff, v28  }
0x381: {  	[tilespmem:v50+s29+$0x0] =	vst.idx.msk $0xffff, v38;
	v50 =	vor.u32 v47, v62  }
0x382: {  	[tilespmem:v31+s29+$0x0] =	vst.idx.msk $0xffff, v34;
	v34 =	vor.u32 v48, v60  }
0x383: {  	[tilespmem:v30+s29+$0x0] =	vst.idx.msk $0xffff, v35;
	v35 =	vor.u32 v49, v10  }
0x384: {  	[tilespmem:v43+s29+$0x0] =	vst.idx.msk $0xffff, v36;
	v36 =	vor.u32 v39, v58  }
0x385: {  	v38 =	vor.u32 v40, v61;
	[tilespmem:v45+s29+$0x0] =	vst.idx.msk $0xffff, v37  }
0x386: {  	[tilespmem:v50+s29+$0x0] =	vst.idx.msk $0xffff, v26;
	v26 =	vor.u32 v41, v12  }
0x387: {  	[tilespmem:v34+s29+$0x0] =	vst.idx.msk $0xffff, v21;
	v21 =	vor.u32 v33, v57  }
0x388: {  	v39 =	vor.u32 v33, v16;
	[tilespmem:v35+s29+$0x0] =	vst.idx.msk $0xffff, v23  }
0x389: {  	v40 =	vor.u32 v33, v19;
	[tilespmem:v36+s29+$0x0] =	vst.idx.msk $0xffff, v25  }
0x38a: {  	v41 =	vor.u32 v33, v13;
	[tilespmem:v38+s29+$0x0] =	vst.idx.msk $0xffff, v22  }
0x38b: {  	v0 =	vld [tilespmem:$0x1FFE0];
	v43 =	vor.u32 v33, v55;
	[tilespmem:v26+s29+$0x0] =	vst.idx.msk $0xffff, v27  }
0x38c: {  	v44 =	vor.u32 v33, v1;
	v21 =	vld.idx.msk [tilespmem:v21+s19+$0x0], $0xffff  }
0x38d: {  	v45 =	vor.u32 v33, v52;
	v28 =	vld.idx.msk [tilespmem:v39+s19+$0x0], $0xffff  }
0x38e: {  	v47 =	vor.u32 v33, v54;
	v29 =	vld.idx.msk [tilespmem:v40+s19+$0x0], $0xffff  }
0x38f: {  	v30 =	vld.idx.msk [tilespmem:v41+s19+$0x0], $0xffff  }
0x390: {  	v48 =	vor.u32 v33, v53;
	v31 =	vld.idx.msk [tilespmem:v43+s19+$0x0], $0xffff  }
0x391: {  	v32 =	vld.idx.msk [tilespmem:v44+s19+$0x0], $0xffff  }
0x392: {  	v49 =	vor.u32 v33, v17;
	v34 =	vld.idx.msk [tilespmem:v45+s19+$0x0], $0xffff  }
0x393: {  	v35 =	vld.idx.msk [tilespmem:v47+s19+$0x0], $0xffff  }
0x394: {  	v18 =	vor.u32 v42, v20;
	v20 =	vor.u32 v33, v20;
	v44 =	vld [tilespmem:$0x1FFD0]  }
0x395: {  	v36 =	vld.idx.msk [tilespmem:v48+s19+$0x0], $0xffff  }
0x396: {  	v23 =	vor.u32 v33, v14;
	v45 =	vld [tilespmem:$0x1FED0]  }
0x397: {  	v25 =	vor.u32 v33, v7;
	v37 =	vld.idx.msk [tilespmem:v49+s19+$0x0], $0xffff  }
0x398: {  	v22 =	vor.u32 v33, v15;
	v47 =	vld [tilespmem:$0x1FEE0]  }
0x399: {  	v26 =	vor.u32 v33, v11;
	v20 =	vld.idx.msk [tilespmem:v20+s19+$0x0], $0xffff  }
0x39a: {  	v27 =	vor.u32 v33, v2;
	v48 =	vld [tilespmem:$0x1FEF0]  }
0x39b: {  	v38 =	vor.u32 v0, v59;
	v23 =	vld.idx.msk [tilespmem:v23+s19+$0x0], $0xffff  }
0x39c: {  	v25 =	vld.idx.msk [tilespmem:v25+s19+$0x0], $0xffff  }
0x39d: {  	v22 =	vld.idx.msk [tilespmem:v22+s19+$0x0], $0xffff  }
0x39e: {  	v26 =	vld.idx.msk [tilespmem:v26+s19+$0x0], $0xffff  }
0x39f: {  	v27 =	vld.idx.msk [tilespmem:v27+s19+$0x0], $0xffff  }
0x3a0: {  	[tilespmem:v38+s29+$0x0] =	vst.idx.msk $0xffff, v32;
	v38 =	vld [tilespmem:$0x1FF00]  }
0x3a1: {  	v49 =	vld [tilespmem:$0x1FDA0];
	v39 =	vor.u32 v44, v4  }
0x3a2: {  	v50 =	vld [tilespmem:$0x1FF10];
	v40 =	vor.u32 v45, v63  }
0x3a3: {  	v41 =	vor.u32 v47, v3  }
0x3a4: {  	v43 =	vor.u32 v48, v5  }
0x3a5: {  	v32 =	vor.u32 v38, v6  }
0x3a6: {  	[tilespmem:v39+s29+$0x0] =	vst.idx.msk $0xffff, v27;
	v27 =	vor.u32 v49, v51  }
0x3a7: {  	[tilespmem:v40+s29+$0x0] =	vst.idx.msk $0xffff, v25;
	v25 =	vor.u32 v50, v56  }
0x3a8: {  	[tilespmem:v41+s29+$0x0] =	vst.idx.msk $0xffff, v26;
	v26 =	vor.u32 v0, v8  }
0x3a9: {  	[tilespmem:v43+s29+$0x0] =	vst.idx.msk $0xffff, v21;
	v21 =	vor.u32 v44, v9  }
0x3aa: {  	[tilespmem:v32+s29+$0x0] =	vst.idx.msk $0xffff, v23;
	v23 =	vor.u32 v45, v62  }
0x3ab: {  	[tilespmem:v27+s29+$0x0] =	vst.idx.msk $0xffff, v30;
	v27 =	vor.u32 v47, v60  }
0x3ac: {  	[tilespmem:v25+s29+$0x0] =	vst.idx.msk $0xffff, v31;
	v25 =	vor.u32 v48, v10  }
0x3ad: {  	[tilespmem:v26+s29+$0x0] =	vst.idx.msk $0xffff, v29;
	v26 =	vor.u32 v38, v58  }
0x3ae: {  	[tilespmem:v21+s29+$0x0] =	vst.idx.msk $0xffff, v28;
	v21 =	vor.u32 v49, v61  }
0x3af: {  	[tilespmem:v23+s29+$0x0] =	vst.idx.msk $0xffff, v37;
	v23 =	vor.u32 v50, v12  }
0x3b0: {  	p0 =	sne.s32 s24, $0x70;
	[tilespmem:v27+s29+$0x0] =	vst.idx.msk $0xffff, v36;
	v27 =	vor.u32 v42, v17  }
.Ltmp1:
0x3b1: {  	[tilespmem:v25+s29+$0x0] =	vst.idx.msk $0xffff, v35;
	(pc) =	sbr.rel @p0 .LBB2_5-.Ltmp1, $4  }
0x3b2: {  	[tilespmem:v26+s29+$0x0] =	vst.idx.msk $0xffff, v34  }
0x3b3: {  	[tilespmem:v21+s29+$0x0] =	vst.idx.msk $0xffff, v20  }
0x3b4: {  	v46 =	vlaneseq.u32;
	v19 =	vor.u32 v42, v19;
	v17 =	vor.u32 v42, v16;
	[tilespmem:v23+s29+$0x0] =	vst.idx.msk $0xffff, v22  }
0x3b5: {  	s24 =	sadd.s32 $0x10, s24;
	v16 =	vor.u32 v42, v15;
	v15 =	vor.u32 v42, v13;
	v20 =	vor.u32 v42, v14;
	v14 =	vld.idx.msk [tilespmem:v27+s19+$0x0], $0xffff  }
0x3b6: {  	_ =	sdelay $0x3  }
0x3b7: {  	v13 =	vld.idx.msk [tilespmem:v19+s19+$0x0], $0xffff  }
0x3b8: {  	v17 =	vld.idx.msk [tilespmem:v17+s19+$0x0], $0xffff  }
0x3b9: {  	v20 =	vld.idx.msk [tilespmem:v20+s19+$0x0], $0xffff  }
0x3ba: {  	v16 =	vld.idx.msk [tilespmem:v16+s19+$0x0], $0xffff  }
0x3bb: {  	v15 =	vld.idx.msk [tilespmem:v15+s19+$0x0], $0xffff  }
0x3bc: {  	v18 =	vld.idx.msk [tilespmem:v18+s19+$0x0], $0xffff  }
0x3bd: {  	v11 =	vor.u32 v42, v11;
	v45 =	vld [tilespmem:$0x1FF20]  }
0x3be: {  	v19 =	vor.u32 v42, v57;
	v48 =	vld [tilespmem:$0x1FF30]  }
0x3bf: {  	v7 =	vor.u32 v42, v7;
	v49 =	vld [tilespmem:$0x1FF40]  }
0x3c0: {  	v1 =	vor.u32 v42, v1;
	v50 =	vld [tilespmem:$0x1FF50]  }
0x3c1: {  	v2 =	vor.u32 v42, v2;
	v47 =	vld [tilespmem:$0x1FF60]  }
0x3c2: {  	v21 =	vor.u32 v42, v54;
	v11 =	vld.idx.msk [tilespmem:v11+s19+$0x0], $0xffff  }
0x3c3: {  	v22 =	vor.u32 v42, v52;
	v19 =	vld.idx.msk [tilespmem:v19+s19+$0x0], $0xffff  }
0x3c4: {  	v23 =	vor.u32 v42, v55;
	v7 =	vld.idx.msk [tilespmem:v7+s19+$0x0], $0xffff  }
0x3c5: {  	v25 =	vor.u32 v42, v53;
	v1 =	vld.idx.msk [tilespmem:v1+s19+$0x0], $0xffff  }
0x3c6: {  	v2 =	vld.idx.msk [tilespmem:v2+s19+$0x0], $0xffff;
	v26 =	vor.u32 v45, v59  }
0x3c7: {  	v21 =	vld.idx.msk [tilespmem:v21+s19+$0x0], $0xffff;
	v4 =	vor.u32 v48, v4  }
0x3c8: {  	v22 =	vld.idx.msk [tilespmem:v22+s19+$0x0], $0xffff;
	v27 =	vor.u32 v49, v63  }
0x3c9: {  	v23 =	vld.idx.msk [tilespmem:v23+s19+$0x0], $0xffff  }
0x3ca: {  	v25 =	vld.idx.msk [tilespmem:v25+s19+$0x0], $0xffff  }
0x3cb: {  	[tilespmem:v26+s29+$0x0] =	vst.idx.msk $0xffff, v1;
	v26 =	vld [tilespmem:$0x1FF70]  }
0x3cc: {  	v37 =	vld [tilespmem:$0x1FF80];
	[tilespmem:v4+s29+$0x0] =	vst.idx.msk $0xffff, v2  }
0x3cd: {  	[tilespmem:v27+s29+$0x0] =	vst.idx.msk $0xffff, v7;
	v27 =	vld [tilespmem:$0x1FF90]  }
0x3ce: {  	v3 =	vor.u32 v50, v3  }
0x3cf: {  	v5 =	vor.u32 v47, v5  }
0x3d0: {  	v54 =	vor.u32 v26, v6  }
0x3d1: {  	v55 =	vor.u32 v37, v51  }
0x3d2: {  	v4 =	vor.u32 v27, v56  }
0x3d3: {  	v57 =	vor.u32 v45, v8;
	[tilespmem:v3+s29+$0x0] =	vst.idx.msk $0xffff, v11  }
0x3d4: {  	[tilespmem:v5+s29+$0x0] =	vst.idx.msk $0xffff, v19;
	v5 =	vor.u32 v48, v9  }
0x3d5: {  	v59 =	vor.u32 v49, v62;
	[tilespmem:v54+s29+$0x0] =	vst.idx.msk $0xffff, v20  }
0x3d6: {  	v60 =	vor.u32 v50, v60;
	[tilespmem:v55+s29+$0x0] =	vst.idx.msk $0xffff, v15  }
0x3d7: {  	[tilespmem:v4+s29+$0x0] =	vst.idx.msk $0xffff, v23;
	v4 =	vor.u32 v47, v10  }
0x3d8: {  	v62 =	vor.u32 v26, v58;
	[tilespmem:v57+s29+$0x0] =	vst.idx.msk $0xffff, v13  }
0x3d9: {  	[tilespmem:v5+s29+$0x0] =	vst.idx.msk $0xffff, v17;
	v5 =	vor.u32 v37, v61  }
0x3da: {  	v63 =	vor.u32 v27, v12;
	[tilespmem:v59+s29+$0x0] =	vst.idx.msk $0xffff, v14  }
0x3db: {  	s23 =	sadd.s32 s5, s23;
	v31 =	vld [tilespmem:$0x1FDE0];
	[tilespmem:v60+s29+$0x0] =	vst.idx.msk $0xffff, v25  }
0x3dc: {  	v38 =	vld [tilespmem:$0x1FFC0];
	s24 =	sshll.u32 s23, $0xA;
	s23 =	sshll.u32 s23, $0x7;
	[tilespmem:v4+s29+$0x0] =	vst.idx.msk $0xffff, v21  }
0x3dd: {  	v28 =	vld [tilespmem:$0x1FDB0];
	s24 =	sand.u32 $0xFFFE000, s24;
	s23 =	sand.u32 $0x380, s23;
	[tilespmem:v62+s29+$0x0] =	vst.idx.msk $0xffff, v22  }
0x3de: {  	v29 =	vld [tilespmem:$0x1FDC0];
	s23 =	sor.u32 s23, s24;
	[tilespmem:v5+s29+$0x0] =	vst.idx.msk $0xffff, v18  }
0x3df: {  	v30 =	vld [tilespmem:$0x1FDD0];
	s24 =	sadd.s32 s2, s23;
	[tilespmem:v63+s29+$0x0] =	vst.idx.msk $0xffff, v16  }
0x3e0: {  	v32 =	vld [tilespmem:$0x1FFB0];
	[hbm4b:s24+s3] =	stream.linear.scatter [tilespmem:s29], [sflag:$0x2], $0x400, $0x38  }
0x3e1: {  	v34 =	vld [tilespmem:$0x1FDF0];
	s25 =	sadd.s32 s23, s7  }
0x3e2: {  	v35 =	vld [tilespmem:$0x1FE00];
	[hbm4b:s25+s3] =	stream.linear.scatter [tilespmem:s30], [sflag:$0x2], $0x400, $0x38  }
0x3e3: {  	v36 =	vld [tilespmem:$0x1FE10];
	s26 =	sadd.s32 s23, s8  }
0x3e4: {  	v44 =	vld [tilespmem:$0x1FE70];
	[hbm4b:s26+s3] =	stream.linear.scatter [tilespmem:s31], [sflag:$0x2], $0x400, $0x38  }
0x3e5: {  	v40 =	vld [tilespmem:$0x1FE90];
	s25 =	sadd.s32 s23, s9  }
0x3e6: {  	v41 =	vld [tilespmem:$0x1FEC0];
	[hbm4b:s25+s3] =	stream.linear.scatter [tilespmem:s1], [sflag:$0x2], $0x400, $0x38  }
0x3e7: {  	s22 =	sadd.s32 $0x1, s22;
	v51 =	vld [tilespmem:$0x1FE40];
	s26 =	sadd.s32 s23, s10  }
0x3e8: {  	v7 =	vld [tilespmem:$0x1FEB0];
	[hbm4b:s26+s3] =	stream.linear.scatter [tilespmem:s0], [sflag:$0x2], $0x400, $0x38  }
0x3e9: {  	p0 =	sne.s32 s22, $0x19;
	v19 =	vld [tilespmem:$0x1FFA0];
	s25 =	sadd.s32 s23, s11  }
0x3ea: {  	v6 =	vld [tilespmem:$0x1FE60];
	[hbm4b:s25+s3] =	stream.linear.scatter [tilespmem:s6], [sflag:$0x2], $0x400, $0x38  }
.Ltmp2:
0x3eb: {  	v12 =	vld [tilespmem:$0x1FFF0];
	(pc) =	sbr.rel @p0 .LBB2_2-.Ltmp2, $4  }
0x3ec: {  	v15 =	vld [tilespmem:$0x1FE30];
	s26 =	sadd.s32 s23, s12  }
0x3ed: {  	v14 =	vld [tilespmem:$0x1FE20];
	[hbm4b:s26+s3] =	stream.linear.scatter [tilespmem:s14], [sflag:$0x2], $0x400, $0x38  }
0x3ee: {  	v25 =	vld [tilespmem:$0x1FE50];
	s23 =	sadd.s32 s23, s13  }
0x3ef: {  	v21 =	vld [tilespmem:$0x1FE80];
	[hbm4b:s23+s3] =	stream.linear.scatter [tilespmem:s15], [sflag:$0x2], $0x400, $0x38  }
0x3f0: {  	_ =	swait.ge [sflag:s21], $0x400  }
0x3f1: {  	[sflag:s21] =	ssyncset.done $0x0  }
0x3f2: {  	[sflag:s21] =	ssyncadd.s32 $0xFFFFFC00  }
0x3f3: {  	_ =	swait.ge [sflag:s21], $0x400  }
0x3f4: {  	[sflag:s21] =	ssyncset.done $0x0  }
0x3f5: {  	[sflag:s21] =	ssyncadd.s32 $0xFFFFFC00  }
0x3f6: {  	_ =	swait.ge [sflag:s21], $0x400  }
0x3f7: {  	[sflag:s21] =	ssyncset.done $0x0  }
0x3f8: {  	[sflag:s21] =	ssyncadd.s32 $0xFFFFFC00  }
0x3f9: {  	_ =	swait.ge [sflag:s21], $0x400  }
0x3fa: {  	[sflag:s21] =	ssyncset.done $0x0  }
0x3fb: {  	[sflag:s21] =	ssyncadd.s32 $0xFFFFFC00  }
0x3fc: {  	_ =	swait.ge [sflag:s21], $0x400  }
0x3fd: {  	[sflag:s21] =	ssyncset.done $0x0  }
0x3fe: {  	[sflag:s21] =	ssyncadd.s32 $0xFFFFFC00  }
0x3ff: {  	_ =	swait.ge [sflag:s21], $0x400  }
0x400: {  	[sflag:s21] =	ssyncset.done $0x0  }
0x401: {  	[sflag:s21] =	ssyncadd.s32 $0xFFFFFC00  }
0x402: {  	_ =	swait.ge [sflag:s21], $0x400  }
0x403: {  	[sflag:s21] =	ssyncset.done $0x0  }
0x404: {  	[sflag:s21] =	ssyncadd.s32 $0xFFFFFC00  }
0x405: {  	_ =	swait.ge [sflag:s21], $0x400  }
0x406: {  	[sflag:s21] =	ssyncset.done $0x0  }
0x407: {  	[sflag:s21] =	ssyncadd.s32 $0xFFFFFC00  }
0x408: {  	_ =	swait.ge [sflag:s21], $0x400  }
0x409: {  	[sflag:s21] =	ssyncset.done $0x0  }
0x40a: {  	[sflag:s21] =	ssyncadd.s32 $0xFFFFFC00  }
0x40b: {  	_ =	swait.ge [sflag:s21], $0x400  }
0x40c: {  	[sflag:s21] =	ssyncset.done $0x0  }
0x40d: {  	[sflag:s21] =	ssyncadd.s32 $0xFFFFFC00  }
0x40e: {  	_ =	swait.ge [sflag:s21], $0x400  }
0x40f: {  	[sflag:s21] =	ssyncset.done $0x0  }
0x410: {  	[sflag:s21] =	ssyncadd.s32 $0xFFFFFC00  }
0x411: {  	_ =	swait.ge [sflag:s21], $0x400  }
0x412: {  	[sflag:s21] =	ssyncset.done $0x0  }
0x413: {  	[sflag:s21] =	ssyncadd.s32 $0xFFFFFC00  }
0x414: {  	_ =	swait.ge [sflag:s21], $0x400  }
0x415: {  	[sflag:s21] =	ssyncset.done $0x0  }
0x416: {  	[sflag:s21] =	ssyncadd.s32 $0xFFFFFC00  }
0x417: {  	_ =	swait.ge [sflag:s21], $0x400  }
0x418: {  	[sflag:s21] =	ssyncset.done $0x0  }
0x419: {  	[sflag:s21] =	ssyncadd.s32 $0xFFFFFC00  }
0x41a: {  	_ =	swait.ge [sflag:s21], $0x400  }
0x41b: {  	[sflag:s21] =	ssyncset.done $0x0  }
0x41c: {  	[sflag:s21] =	ssyncadd.s32 $0xFFFFFC00  }
0x41d: {  	_ =	swait.ge [sflag:s21], $0x400  }
0x41e: {  	s23 =	rddreg [dreg:$0x5]  }
0x41f: {  	s22 =	rddreg [dreg:$0x4];
	s23 =	sadd.s32 $0x1, s23  }
0x420: {  	p0 =	sne.s32 s23, s22  }
.Ltmp3:
0x421: {  	_ = 	snop;
	(pc) =	sbr.rel @p0 .LBB2_1-.Ltmp3, $3  }
0x422: {  	_ =	sdelay $0x1  }
0x423: {  	[sflag:s21] =	ssyncset.done $0x0  }
0x424: {  	[sflag:s21] =	ssyncadd.s32 $0xFFFFFC00  }
0x425: {  	_ =	sfence.sel $0x180000  }
0x426: {  	[bflag:$0x0] =	sbarrier.arrive $0xFFFF  }
0x427: {  	_ =	strace $0x90000047  }
0x428: {  	s0 =	stileid.u32;
	[bflag:$0x2] =	sbarrier.arrive $0xFFFF  }
0x429: {  	p0 =	sne.s32 s0, $0x0;
	s0 =	rddreg [dreg:$0x2]  }
0x42a: {  	s0 =	sadd.s32 @!p0 $0x100000, s0  }
0x42b: {  	[sflag:s0] =	ssyncadd.tile.s32 @!p0 $0x1;
	_ =	shalt  }
.Lfunc_end2:
_tile_overlayer_lowered:
.L_overlay_start_2:
0x42c: {  	(tag) =	ssettag $0x2  }
0x42d: {  	s0 =	rddreg [dreg:$0x0];
	s2 =	stileid.u32  }
0x42e: {  	s1 =	rddreg [dreg:$0x1];
	p0 =	sne.s32 s2, $0x0  }
0x42f: {  	s3 =	rddreg [dreg:$0x2];
	[bflag:$0x3] =	sbarrier.arrive $0xFFFF;
	s2 =	simm.s32 @!p0 $0x1C03  }
0x430: {  	[timem:s3], [sflag:s2] =	dma.local @!p0 [hbm:s0], s1  }
0x431: {  	s0 =	simm.s32 @!p0 $0x3  }
0x432: {  	_ =	swait.ge @!p0 [sflag:s0], s1  }
0x433: {  	s1 =	ssub.s32 @!p0 $0x0, s1;
	[sflag:s0] =	ssyncset.done @!p0 $0x0  }
0x434: {  	[sflag:s0] =	ssyncadd.s32 @!p0 s1  }
0x435: {  	[bflag:$0x3] =	sbarrier.arrive $0xFFFF  }
0x436: {  	_ =	shalt  }

</sc_bundles>
